<compile_context>
chip_gen: v7x
topology: tpu7x:2x2x1
jax: 0.10.2.dev20260603
libtpu: 0.0.44.dev20260713+nightly
codegen_flags: <defaults>
</compile_context>

<pallas_src>
import functools

import jax
import jax.numpy as jnp
from jax import lax
from jax.experimental import pallas as pl
from jax.experimental.pallas import tpu as pltpu
from jax.experimental.pallas import tpu_sc as plsc

NC = 2
NS = 16
NW = NC * NS


def _tables_body(a_ref, we8_ref, wn8_ref, t1_ref, t2_ref):
    a = a_ref[...]
    t1_ref[...] = jnp.dot(a, we8_ref[...], preferred_element_type=jnp.float32)
    t2_ref[...] = jnp.dot(a, wn8_ref[...], preferred_element_type=jnp.float32)


def _tables(a8, we8, wn8):
    r = a8.shape[0]
    return pl.pallas_call(
        _tables_body,
        out_shape=[jax.ShapeDtypeStruct((r, 128), jnp.float32)] * 2,
    )(a8, we8, wn8)


def _make_gather_mul(n, e, c, k):
    epw = e // NW
    nchunk = epw // k
    mesh = plsc.VectorSubcoreMesh(core_axis_name="c", subcore_axis_name="s")

    @functools.partial(
        pl.kernel,
        out_type=jax.ShapeDtypeStruct((e, c), jnp.float32),
        mesh=mesh,
        scratch_types=[
            pltpu.VMEM((k,), jnp.int32),
            pltpu.VMEM((k,), jnp.int32),
            pltpu.VMEM((k,), jnp.int32),
            pltpu.VMEM((k,), jnp.int32),
            pltpu.VMEM((k, c), jnp.float32),
            pltpu.VMEM((k, c), jnp.float32),
            pltpu.VMEM((k, c), jnp.float32),
            pltpu.VMEM((k, c), jnp.float32),
            pltpu.VMEM((k, c), jnp.float32),
            pltpu.VMEM((k, c), jnp.float32),
            pltpu.SemaphoreType.DMA,
            pltpu.SemaphoreType.DMA,
            pltpu.SemaphoreType.DMA,
            pltpu.SemaphoreType.DMA,
            pltpu.SemaphoreType.DMA,
            pltpu.SemaphoreType.DMA,
        ],
        compiler_params=pltpu.CompilerParams(use_tc_tiling_on_sc=False),
    )
    def gather_mul(t1_hbm, t2_hbm, src_hbm, tgt_hbm, z_hbm,
                   srcv0, srcv1, tgtv0, tgtv1, r10, r11, r20, r21,
                   zv0, zv1, isem0, isem1, gsem0, gsem1, wsem0, wsem1):
        wid = lax.axis_index("s") * NC + lax.axis_index("c")
        base = wid * epw
        sets = ((srcv0, tgtv0, r10, r20, zv0, isem0, gsem0, wsem0),
                (srcv1, tgtv1, r11, r21, zv1, isem1, gsem1, wsem1))

        def issue_idx(j, s):
            srcv, tgtv, isem = s[0], s[1], s[5]
            off = base + j * k
            pltpu.async_copy(src_hbm.at[pl.ds(off, k)], srcv, isem)
            pltpu.async_copy(tgt_hbm.at[pl.ds(off, k)], tgtv, isem)

        def start_gather(s):
            srcv, tgtv, r1, r2, isem, gsem = s[0], s[1], s[2], s[3], s[5], s[6]
            pltpu.make_async_copy(src_hbm.at[pl.ds(base, k)], srcv, isem).wait()
            pltpu.make_async_copy(tgt_hbm.at[pl.ds(base, k)], tgtv, isem).wait()
            pltpu.async_copy(t2_hbm.at[srcv], r2, gsem)
            pltpu.async_copy(t1_hbm.at[tgtv], r1, gsem)

        def wait_gather(s):
            srcv, tgtv, r1, r2, gsem = s[0], s[1], s[2], s[3], s[6]
            pltpu.make_async_copy(t2_hbm.at[srcv], r2, gsem).wait()
            pltpu.make_async_copy(t1_hbm.at[tgtv], r1, gsem).wait()

        def compute(first, j, s):
            r1, r2, zv, wsem = s[2], s[3], s[4], s[7]

            @pl.when(jnp.logical_not(first))
            def _():
                pltpu.make_async_copy(
                    zv, z_hbm.at[pl.ds(base, k)], wsem).wait()

            def rows(i, carry2):
                b = i * 8
                for u in range(8):
                    zv[b + u] = r1[b + u] * r2[b + u]
                return carry2

            lax.fori_loop(0, k // 8, rows, 0)
            pltpu.async_copy(zv, z_hbm.at[pl.ds(base + j * k, k)], wsem)

        p_half = nchunk // 2
        issue_idx(0, sets[0])
        start_gather(sets[0])
        issue_idx(1, sets[1])

        def pair(m, carry):
            wait_gather(sets[0])
            issue_idx(2 * m + 2, sets[0])
            start_gather(sets[1])
            compute(m == 0, 2 * m, sets[0])
            wait_gather(sets[1])

            @pl.when(m < p_half - 1)
            def _():
                issue_idx(2 * m + 3, sets[1])

            start_gather(sets[0])
            compute(m == 0, 2 * m + 1, sets[1])
            return carry

        lax.fori_loop(0, p_half, pair, 0)
        wait_gather(sets[0])
        compute(False, nchunk - 1, sets[0])
        pltpu.make_async_copy(zv0, z_hbm.at[pl.ds(base, k)], wsem0).wait()
        pltpu.make_async_copy(zv1, z_hbm.at[pl.ds(base, k)], wsem1).wait()

    return gather_mul


def _mid_body(z_ref, wf8_ref, bf_ref, wc8_ref, bc_ref, msg_ref):
    z = z_ref[...]
    g = jnp.where(z > 0, z, jnp.exp(jnp.minimum(z, 0.0)) - 1.0)
    f = jax.nn.sigmoid(
        jnp.dot(g, wf8_ref[...], preferred_element_type=jnp.float32)
        + bf_ref[...])
    cc = jax.nn.softplus(
        jnp.dot(g, wc8_ref[...], preferred_element_type=jnp.float32)
        + bc_ref[...])
    msg_ref[...] = f * cc


def _middle(z8, wf8, bf128, wc8, bc128, bb):
    r = z8.shape[0]
    return pl.pallas_call(
        _mid_body,
        grid=(r // bb,),
        in_specs=[
            pl.BlockSpec((bb, 128), lambda i: (i, 0)),
            pl.BlockSpec((128, 128), lambda i: (0, 0)),
            pl.BlockSpec((1, 128), lambda i: (0, 0)),
            pl.BlockSpec((128, 128), lambda i: (0, 0)),
            pl.BlockSpec((1, 128), lambda i: (0, 0)),
        ],
        out_specs=pl.BlockSpec((bb, 128), lambda i: (i, 0)),
        out_shape=jax.ShapeDtypeStruct((r, 128), jnp.float32),
    )(z8, wf8, bf128, wc8, bc128)


def _make_scatter(n, e, c, k):
    epw = e // NW
    nchunk = epw // k
    rows_per_tile = n // NS
    mesh = plsc.VectorSubcoreMesh(core_axis_name="c", subcore_axis_name="s")

    @functools.partial(
        pl.kernel,
        out_type=jax.ShapeDtypeStruct((NC, n, c), jnp.float32),
        mesh=mesh,
        scratch_types=[
            pltpu.VMEM((k,), jnp.int32),
            pltpu.VMEM((k,), jnp.int32),
            pltpu.VMEM((k, c), jnp.float32),
            pltpu.VMEM((k, c), jnp.float32),
            pltpu.SemaphoreType.DMA,
            pltpu.SemaphoreType.DMA,
            pltpu.VMEM_SHARED((n, c), jnp.float32),
        ],
        compiler_params=pltpu.CompilerParams(use_tc_tiling_on_sc=False),
    )
    def scatter(msg_hbm, src_hbm, zeros_hbm, p_hbm,
                srcv0, srcv1, msgv0, msgv1, lsem0, lsem1, acc):
        core = lax.axis_index("c")
        sub = lax.axis_index("s")
        wid = sub * NC + core
        base = wid * epw
        row0 = sub * rows_per_tile

        pltpu.sync_copy(zeros_hbm.at[pl.ds(row0, rows_per_tile)],
                        acc.at[pl.ds(row0, rows_per_tile)])
        plsc.subcore_barrier()
        sets = ((srcv0, msgv0, lsem0), (srcv1, msgv1, lsem1))

        def issue(j, s):
            srcv, msgv, lsem = s
            off = base + j * k
            pltpu.async_copy(src_hbm.at[pl.ds(off, k)], srcv, lsem)
            pltpu.async_copy(msg_hbm.at[pl.ds(off, k)], msgv, lsem)

        def consume(s):
            srcv, msgv, lsem = s
            pltpu.make_async_copy(
                src_hbm.at[pl.ds(base, k)], srcv, lsem).wait()
            pltpu.make_async_copy(
                msg_hbm.at[pl.ds(base, k)], msgv, lsem).wait()
            pltpu.sync_copy(msgv, acc.at[srcv], add=True)

        issue(0, sets[0])

        def pair(m, carry):
            issue(2 * m + 1, sets[1])
            consume(sets[0])
            issue(2 * m + 2, sets[0])
            consume(sets[1])
            return carry

        lax.fori_loop(0, nchunk // 2, pair, 0)
        consume(sets[0])
        plsc.subcore_barrier()
        pltpu.sync_copy(acc.at[pl.ds(row0, rows_per_tile)],
                        p_hbm.at[core, pl.ds(row0, rows_per_tile)])

    return scatter


def _finale_body(n, a_ref, pa_ref, pb_ref, g_ref, b_ref, o_ref):
    a = a_ref[...]
    tot = a + (pa_ref[0] + pa_ref[1]) + (pb_ref[0] + pb_ref[1])
    ri = lax.broadcasted_iota(jnp.int32, (128, 128), 0)
    ci = lax.broadcasted_iota(jnp.int32, (128, 128), 1)
    sel = jnp.where((ri % 16) == (ci % 16), 1.0 / n, 0.0).astype(jnp.float32)
    s1 = jnp.sum(tot, axis=0, keepdims=True)
    mean = jnp.dot(s1, sel, preferred_element_type=jnp.float32)
    cen = tot - mean
    s2 = jnp.sum(cen * cen, axis=0, keepdims=True)
    var = jnp.dot(s2, sel, preferred_element_type=jnp.float32)
    bn = cen * lax.rsqrt(var + 1e-5) * g_ref[...] + b_ref[...]
    o_ref[...] = jax.nn.softplus(a + bn)


def _finale(n, a8, pa8, pb8, g128, b128):
    r = a8.shape[0]
    return pl.pallas_call(
        functools.partial(_finale_body, n),
        out_shape=jax.ShapeDtypeStruct((r, 128), jnp.float32),
    )(a8, pa8, pb8, g128, b128)


def kernel(atom_in_fea, edge_sources, edge_targets, w_edge0, w_node0,
           w_lin, b_lin, bn_gamma, bn_beta):
    n, c = atom_in_fea.shape[0], atom_in_fea.shape[1]
    e = edge_sources.shape[0]
    eye8 = jnp.eye(8, dtype=jnp.float32)

    a8 = atom_in_fea.reshape(n // 8, 8 * c)
    we8 = jnp.kron(eye8, w_edge0[:, :, 1, 1].T)
    wn8 = jnp.kron(eye8, w_node0[:, :, 1, 1].T)
    wf8 = jnp.kron(eye8, w_lin[:c, :, 1, 1].T)
    wc8 = jnp.kron(eye8, w_lin[c:, :, 1, 1].T)
    bf128 = jnp.tile(b_lin[:c], 8).reshape(1, 8 * c)
    bc128 = jnp.tile(b_lin[c:], 8).reshape(1, 8 * c)
    g128 = jnp.tile(bn_gamma, 8).reshape(1, 8 * c)
    b128 = jnp.tile(bn_beta, 8).reshape(1, 8 * c)

    t1p, t2p = _tables(a8, we8, wn8)
    t1 = t1p.reshape(n, c)
    t2 = t2p.reshape(n, c)
    zeros = jnp.zeros((n, c), jnp.float32)

    eh = e // 2
    gm = _make_gather_mul(n, eh, c, 1000)
    sc = _make_scatter(n, eh, c, 1000)
    src_a, src_b = edge_sources[:eh], edge_sources[eh:]
    tgt_a, tgt_b = edge_targets[:eh], edge_targets[eh:]
    z_a = gm(t1, t2, src_a, tgt_a)
    z_b = gm(t1, t2, src_b, tgt_b)
    msg_a = _middle(z_a.reshape(eh // 8, 8 * c), wf8, bf128, wc8, bc128, 10000)
    msg_b = _middle(z_b.reshape(eh // 8, 8 * c), wf8, bf128, wc8, bc128, 10000)
    p_a = sc(msg_a.reshape(eh, c), src_a, zeros)
    p_b = sc(msg_b.reshape(eh, c), src_b, zeros)
    out = _finale(n, a8, p_a.reshape(NC, n // 8, 8 * c),
                  p_b.reshape(NC, n // 8, 8 * c), g128, b128)
    return out.reshape(n, c, 1, 1)

# --- scband reference (transcript-rebuilt; emitter-appended) ---
"""Pipeline reference for scband-crystal-graph-conv-net-31980326486278 (READ-ONLY COPY).

The authoritative reference and input builder live on the scoring server;
editing this copy changes nothing except your own understanding.
"""

import jax, jax.numpy as jnp
import numpy as np

N = 50000
E = 1600000
C = 16


def _conv2d(x, w, b=None):
    # NCHW input, OIHW weights, 3x3 kernel, padding=1 (SAME), stride 1
    y = jax.lax.conv_general_dilated(
        x, w, window_strides=(1, 1), padding='SAME',
        dimension_numbers=('NCHW', 'OIHW', 'NCHW'))
    if b is not None:
        y = y + b.reshape(1, -1, 1, 1)
    return y


def setup_inputs(seed: int = 0) -> dict:
    key = jax.random.key(seed)
    ks = jax.random.split(key, 9)
    atom_in_fea = jax.random.normal(ks[0], (N, C, 1, 1), dtype=jnp.float32)
    edge_sources = jax.random.randint(ks[1], (E,), 0, N, dtype=jnp.int32)
    edge_targets = jax.random.randint(ks[2], (E,), 0, N, dtype=jnp.int32)
    # FastEdgeNetwork(16,16,3): zip(node_linears(len 1), edge_linears(len 3)) -> only 1 iteration runs
    w_edge0 = jax.random.normal(ks[3], (C, C, 3, 3), dtype=jnp.float32) * 0.05  # edge_linears[0], bias=False
    w_node0 = jax.random.normal(ks[4], (C, C, 3, 3), dtype=jnp.float32) * 0.05  # node_linears[0], bias=False
    w_lin = jax.random.normal(ks[5], (2 * C, C, 3, 3), dtype=jnp.float32) * 0.05  # ConvLayer.linear Conv2d(16,32,3,pad=1)
    b_lin = jax.random.normal(ks[6], (2 * C,), dtype=jnp.float32) * 0.05
    bn_gamma = jnp.ones((C,), dtype=jnp.float32)  # BatchNorm2d(16) affine params
    bn_beta = jnp.zeros((C,), dtype=jnp.float32)
    return {
        'atom_in_fea': atom_in_fea,
        'edge_sources': edge_sources,
        'edge_targets': edge_targets,
        'w_edge0': w_edge0,
        'w_node0': w_node0,
        'w_lin': w_lin,
        'b_lin': b_lin,
        'bn_gamma': bn_gamma,
        'bn_beta': bn_beta,
    }


def reference(atom_in_fea, edge_sources, edge_targets, w_edge0, w_node0, w_lin, b_lin, bn_gamma, bn_beta):
    # ConvLayer.forward
    th = jnp.take(atom_in_fea, edge_targets, axis=0)          # atom_in_fea[edge_targets], (E,16,1,1)
    # FastEdgeNetwork (net_type=0), single effective layer due to zip truncation
    z = _conv2d(th, w_edge0)                                   # edge_linear(z)
    node = _conv2d(atom_in_fea, w_node0)                       # node_linear(input)
    node_g = jnp.take(node, edge_sources, axis=0)              # [...][edge_sources]
    z = jax.nn.elu(node_g * z)                                 # activation(th * z)
    # ConvLayer.linear: Conv2d(16 -> 32)
    th2 = _conv2d(z, w_lin, b_lin)                             # (E,32,1,1)
    nbr_filter, nbr_core = jnp.split(th2, 2, axis=1)
    nbr_filter = jax.nn.sigmoid(nbr_filter)
    nbr_core = jax.nn.softplus(nbr_core)
    # output = atom_in_fea.clone(); output.index_add_(0, edge_sources, nbr_core*nbr_filter)
    output = atom_in_fea.at[edge_sources].add(nbr_core * nbr_filter)
    # BatchNorm2d(16), training-mode batch statistics over (N,H,W)
    mean = jnp.mean(output, axis=(0, 2, 3), keepdims=True)
    var = jnp.var(output, axis=(0, 2, 3), keepdims=True)
    nbr_sumed = (output - mean) / jnp.sqrt(var + 1e-5)
    nbr_sumed = nbr_sumed * bn_gamma.reshape(1, -1, 1, 1) + bn_beta.reshape(1, -1, 1, 1)
    out = jax.nn.softplus(atom_in_fea + nbr_sumed)
    return out

if __name__ == "__main__":
    import jax
    _d = setup_inputs()
    print(jax.jit(kernel)(*tuple(_d.values())))

</pallas_src>

<mosaic_0001>
#map = affine_map<(d0, d1) -> (0, 0)>
#map1 = affine_map<(d0, d1) -> (0)>
#map2 = affine_map<(d0, d1) -> (0, 0, 0)>
module attributes {stable_mosaic.version = 14 : i64} {
  func.func @scatter(%arg0: i32, %arg1: i32, %arg2: memref<800000x16xf32, #tpu.memory_space<hbm>>, %arg3: memref<800000xi32, #tpu.memory_space<hbm>>, %arg4: memref<50000x16xf32, #tpu.memory_space<hbm>>, %arg5: memref<2x50000x16xf32, #tpu.memory_space<hbm>>, %arg6: memref<1000xi32, #tpu.memory_space<vmem>>, %arg7: memref<1000xi32, #tpu.memory_space<vmem>>, %arg8: memref<1000x16xf32, #tpu.memory_space<vmem>>, %arg9: memref<1000x16xf32, #tpu.memory_space<vmem>>, %arg10: memref<!tpu.dma_semaphore, #tpu.memory_space<semaphore_mem>>, %arg11: memref<!tpu.dma_semaphore, #tpu.memory_space<semaphore_mem>>, %arg12: memref<50000x16xf32, #tpu.memory_space<vmem_shared>>) attributes {dimension_semantics = [#tpu.dimension_semantics<core_parallel>, #tpu.dimension_semantics<subcore_parallel>], iteration_bounds = array<i64: 2, 16>, scalar_prefetch = 0 : i64, scratch_operands = 7 : i64, tpu.core_type = #tpu.core_type<sc_vector_subcore>, window_params = [{transform_indices = #map}, {transform_indices = #map1}, {transform_indices = #map}, {transform_indices = #map2}]} {
    %mul3A = arith.constant 2 : i32
    %mul3A_0 = arith.muli %arg1, %mul3A : i32
    %add3A = arith.addi %mul3A_0, %arg0 : i32
    %mul3A_1 = arith.constant 25000 : i32
    %mul3A_2 = arith.muli %add3A, %mul3A_1 : i32
    %mul3A_3 = arith.constant 3125 : i32
    %mul3A_4 = arith.muli %arg1, %mul3A_3 : i32
    "tpu.region"() ({
      %run_scoped3A = tpu.sem_alloc : memref<!tpu.dma_semaphore, #tpu.memory_space<semaphore_mem>>
      %dma_start3A_23 = arith.constant 0 : i32
      %dma_start3A_24 = tpu.memref_slice %arg12[%mul3A_4, %dma_start3A_23] : memref<50000x16xf32, #tpu.memory_space<vmem_shared>> -> memref<3125x16xf32, #tpu.memory_space<vmem_shared>>
      %dma_start3A_25 = arith.constant 0 : i32
      %dma_start3A_26 = tpu.memref_slice %arg4[%mul3A_4, %dma_start3A_25] : memref<50000x16xf32, #tpu.memory_space<hbm>> -> memref<3125x16xf32, #tpu.memory_space<hbm>>
      tpu.enqueue_dma source(%dma_start3A_26 : memref<3125x16xf32, #tpu.memory_space<hbm>>) target(%dma_start3A_24 : memref<3125x16xf32, #tpu.memory_space<vmem_shared>>) target_semaphore(%run_scoped3A : memref<!tpu.dma_semaphore, #tpu.memory_space<semaphore_mem>>)
      %dma_wait3A_27 = arith.constant 0 : i32
      %dma_wait3A_28 = tpu.memref_slice %arg12[%mul3A_4, %dma_wait3A_27] : memref<50000x16xf32, #tpu.memory_space<vmem_shared>> -> memref<3125x16xf32, #tpu.memory_space<vmem_shared>>
      %dma_wait3A_29 = arith.constant 0 : i32
      %dma_wait3A_30 = tpu.memref_slice %arg4[%mul3A_4, %dma_wait3A_29] : memref<50000x16xf32, #tpu.memory_space<hbm>> -> memref<3125x16xf32, #tpu.memory_space<hbm>>
      tpu.wait_dma2 semaphore(%run_scoped3A : memref<!tpu.dma_semaphore, #tpu.memory_space<semaphore_mem>>) src(%dma_wait3A_30 : memref<3125x16xf32, #tpu.memory_space<hbm>>) dst(%dma_wait3A_28 : memref<3125x16xf32, #tpu.memory_space<vmem_shared>>)
      tpu.yield
    }) : () -> ()
    %barrier3A = arith.constant 0 : index
    tpu.barrier barrier_id(%barrier3A)
    %add3A_5 = arith.constant 0 : i32
    %add3A_6 = arith.addi %mul3A_2, %add3A_5 : i32
    %dma_start3A = tpu.memref_slice %arg3[%add3A_6] : memref<800000xi32, #tpu.memory_space<hbm>> -> memref<1000xi32, #tpu.memory_space<hbm>>
    %dma_start3A_7 = tpu.memref_slice %arg3[%add3A_6] : memref<800000xi32, #tpu.memory_space<hbm>> -> memref<1000xi32, #tpu.memory_space<hbm>>
    tpu.enqueue_dma source(%dma_start3A_7 : memref<1000xi32, #tpu.memory_space<hbm>>) target(%arg6 : memref<1000xi32, #tpu.memory_space<vmem>>) target_semaphore(%arg10 : memref<!tpu.dma_semaphore, #tpu.memory_space<semaphore_mem>>)
    %dma_start3A_8 = arith.constant 0 : i32
    %dma_start3A_9 = tpu.memref_slice %arg2[%add3A_6, %dma_start3A_8] : memref<800000x16xf32, #tpu.memory_space<hbm>> -> memref<1000x16xf32, #tpu.memory_space<hbm>>
    %dma_start3A_10 = arith.constant 0 : i32
    %dma_start3A_11 = tpu.memref_slice %arg2[%add3A_6, %dma_start3A_10] : memref<800000x16xf32, #tpu.memory_space<hbm>> -> memref<1000x16xf32, #tpu.memory_space<hbm>>
    tpu.enqueue_dma source(%dma_start3A_11 : memref<1000x16xf32, #tpu.memory_space<hbm>>) target(%arg8 : memref<1000x16xf32, #tpu.memory_space<vmem>>) target_semaphore(%arg10 : memref<!tpu.dma_semaphore, #tpu.memory_space<semaphore_mem>>)
    %scan3A = arith.constant 0 : i32
    %scan3A_12 = arith.constant 0 : i32
    %scan3A_13 = arith.constant 12 : i32
    %scan3A_14 = arith.addi %scan3A_12, %scan3A_13 : i32
    %scan3A_15 = arith.constant 1 : i32
    scf.for %scan3A_23 = %scan3A_12 to %scan3A_14 step %scan3A_15  : i32 {
      %mul3A_24 = arith.constant 2 : i32
      %mul3A_25 = arith.muli %mul3A_24, %scan3A_23 : i32
      %add3A_26 = arith.constant 1 : i32
      %add3A_27 = arith.addi %mul3A_25, %add3A_26 : i32
      %mul3A_28 = arith.constant 1000 : i32
      %mul3A_29 = arith.muli %add3A_27, %mul3A_28 : i32
      %add3A_30 = arith.addi %mul3A_2, %mul3A_29 : i32
      %dma_start3A_31 = tpu.memref_slice %arg3[%add3A_30] : memref<800000xi32, #tpu.memory_space<hbm>> -> memref<1000xi32, #tpu.memory_space<hbm>>
      %dma_start3A_32 = tpu.memref_slice %arg3[%add3A_30] : memref<800000xi32, #tpu.memory_space<hbm>> -> memref<1000xi32, #tpu.memory_space<hbm>>
      tpu.enqueue_dma source(%dma_start3A_32 : memref<1000xi32, #tpu.memory_space<hbm>>) target(%arg7 : memref<1000xi32, #tpu.memory_space<vmem>>) target_semaphore(%arg11 : memref<!tpu.dma_semaphore, #tpu.memory_space<semaphore_mem>>)
      %dma_start3A_33 = arith.constant 0 : i32
      %dma_start3A_34 = tpu.memref_slice %arg2[%add3A_30, %dma_start3A_33] : memref<800000x16xf32, #tpu.memory_space<hbm>> -> memref<1000x16xf32, #tpu.memory_space<hbm>>
      %dma_start3A_35 = arith.constant 0 : i32
      %dma_start3A_36 = tpu.memref_slice %arg2[%add3A_30, %dma_start3A_35] : memref<800000x16xf32, #tpu.memory_space<hbm>> -> memref<1000x16xf32, #tpu.memory_space<hbm>>
      tpu.enqueue_dma source(%dma_start3A_36 : memref<1000x16xf32, #tpu.memory_space<hbm>>) target(%arg9 : memref<1000x16xf32, #tpu.memory_space<vmem>>) target_semaphore(%arg11 : memref<!tpu.dma_semaphore, #tpu.memory_space<semaphore_mem>>)
      %dma_wait3A_37 = tpu.memref_slice %arg3[%mul3A_2] : memref<800000xi32, #tpu.memory_space<hbm>> -> memref<1000xi32, #tpu.memory_space<hbm>>
      %dma_wait3A_38 = tpu.memref_slice %arg3[%mul3A_2] : memref<800000xi32, #tpu.memory_space<hbm>> -> memref<1000xi32, #tpu.memory_space<hbm>>
      tpu.wait_dma2 semaphore(%arg10 : memref<!tpu.dma_semaphore, #tpu.memory_space<semaphore_mem>>) src(%dma_wait3A_38 : memref<1000xi32, #tpu.memory_space<hbm>>) dst(%arg6 : memref<1000xi32, #tpu.memory_space<vmem>>)
      %dma_wait3A_39 = arith.constant 0 : i32
      %dma_wait3A_40 = tpu.memref_slice %arg2[%mul3A_2, %dma_wait3A_39] : memref<800000x16xf32, #tpu.memory_space<hbm>> -> memref<1000x16xf32, #tpu.memory_space<hbm>>
      %dma_wait3A_41 = arith.constant 0 : i32
      %dma_wait3A_42 = tpu.memref_slice %arg2[%mul3A_2, %dma_wait3A_41] : memref<800000x16xf32, #tpu.memory_space<hbm>> -> memref<1000x16xf32, #tpu.memory_space<hbm>>
      tpu.wait_dma2 semaphore(%arg10 : memref<!tpu.dma_semaphore, #tpu.memory_space<semaphore_mem>>) src(%dma_wait3A_42 : memref<1000x16xf32, #tpu.memory_space<hbm>>) dst(%arg8 : memref<1000x16xf32, #tpu.memory_space<vmem>>)
      "tpu.region"() ({
        %run_scoped3A = tpu.sem_alloc : memref<!tpu.dma_semaphore, #tpu.memory_space<semaphore_mem>>
        %dma_start3A_62 = arith.constant 0 : i32
        %dma_start3A_63 = arith.constant 0 : i32
        %dma_start3A_64 = tpu.memref_slice %arg12[%dma_start3A_62, %dma_start3A_63] : memref<50000x16xf32, #tpu.memory_space<vmem_shared>> -> memref<50000x16xf32, #tpu.memory_space<vmem_shared>>
        tpu.enqueue_indirect_dma source(%arg8 : memref<1000x16xf32, #tpu.memory_space<vmem>>) target(%dma_start3A_64 : memref<50000x16xf32, #tpu.memory_space<vmem_shared>>) offsets(%arg6 : memref<1000xi32, #tpu.memory_space<vmem>>) semaphore(%run_scoped3A : memref<!tpu.dma_semaphore, #tpu.memory_space<semaphore_mem>>) {add = true}
        %dma_wait3A_65 = arith.constant 0 : i32
        %dma_wait3A_66 = arith.constant 0 : i32
        %dma_wait3A_67 = tpu.memref_slice %arg12[%dma_wait3A_65, %dma_wait3A_66] : memref<50000x16xf32, #tpu.memory_space<vmem_shared>> -> memref<50000x16xf32, #tpu.memory_space<vmem_shared>>
        tpu.wait_indirect_dma semaphore(%run_scoped3A : memref<!tpu.dma_semaphore, #tpu.memory_space<semaphore_mem>>) src(%arg8 : memref<1000x16xf32, #tpu.memory_space<vmem>>) dst(%dma_wait3A_67 : memref<50000x16xf32, #tpu.memory_space<vmem_shared>>)
        tpu.yield
      }) : () -> ()
      %mul3A_43 = arith.constant 2 : i32
      %mul3A_44 = arith.muli %mul3A_43, %scan3A_23 : i32
      %add3A_45 = arith.constant 2 : i32
      %add3A_46 = arith.addi %mul3A_44, %add3A_45 : i32
      %mul3A_47 = arith.constant 1000 : i32
      %mul3A_48 = arith.muli %add3A_46, %mul3A_47 : i32
      %add3A_49 = arith.addi %mul3A_2, %mul3A_48 : i32
      %dma_start3A_50 = tpu.memref_slice %arg3[%add3A_49] : memref<800000xi32, #tpu.memory_space<hbm>> -> memref<1000xi32, #tpu.memory_space<hbm>>
      %dma_start3A_51 = tpu.memref_slice %arg3[%add3A_49] : memref<800000xi32, #tpu.memory_space<hbm>> -> memref<1000xi32, #tpu.memory_space<hbm>>
      tpu.enqueue_dma source(%dma_start3A_51 : memref<1000xi32, #tpu.memory_space<hbm>>) target(%arg6 : memref<1000xi32, #tpu.memory_space<vmem>>) target_semaphore(%arg10 : memref<!tpu.dma_semaphore, #tpu.memory_space<semaphore_mem>>)
      %dma_start3A_52 = arith.constant 0 : i32
      %dma_start3A_53 = tpu.memref_slice %arg2[%add3A_49, %dma_start3A_52] : memref<800000x16xf32, #tpu.memory_space<hbm>> -> memref<1000x16xf32, #tpu.memory_space<hbm>>
      %dma_start3A_54 = arith.constant 0 : i32
      %dma_start3A_55 = tpu.memref_slice %arg2[%add3A_49, %dma_start3A_54] : memref<800000x16xf32, #tpu.memory_space<hbm>> -> memref<1000x16xf32, #tpu.memory_space<hbm>>
      tpu.enqueue_dma source(%dma_start3A_55 : memref<1000x16xf32, #tpu.memory_space<hbm>>) target(%arg8 : memref<1000x16xf32, #tpu.memory_space<vmem>>) target_semaphore(%arg10 : memref<!tpu.dma_semaphore, #tpu.memory_space<semaphore_mem>>)
      %dma_wait3A_56 = tpu.memref_slice %arg3[%mul3A_2] : memref<800000xi32, #tpu.memory_space<hbm>> -> memref<1000xi32, #tpu.memory_space<hbm>>
      %dma_wait3A_57 = tpu.memref_slice %arg3[%mul3A_2] : memref<800000xi32, #tpu.memory_space<hbm>> -> memref<1000xi32, #tpu.memory_space<hbm>>
      tpu.wait_dma2 semaphore(%arg11 : memref<!tpu.dma_semaphore, #tpu.memory_space<semaphore_mem>>) src(%dma_wait3A_57 : memref<1000xi32, #tpu.memory_space<hbm>>) dst(%arg7 : memref<1000xi32, #tpu.memory_space<vmem>>)
      %dma_wait3A_58 = arith.constant 0 : i32
      %dma_wait3A_59 = tpu.memref_slice %arg2[%mul3A_2, %dma_wait3A_58] : memref<800000x16xf32, #tpu.memory_space<hbm>> -> memref<1000x16xf32, #tpu.memory_space<hbm>>
      %dma_wait3A_60 = arith.constant 0 : i32
      %dma_wait3A_61 = tpu.memref_slice %arg2[%mul3A_2, %dma_wait3A_60] : memref<800000x16xf32, #tpu.memory_space<hbm>> -> memref<1000x16xf32, #tpu.memory_space<hbm>>
      tpu.wait_dma2 semaphore(%arg11 : memref<!tpu.dma_semaphore, #tpu.memory_space<semaphore_mem>>) src(%dma_wait3A_61 : memref<1000x16xf32, #tpu.memory_space<hbm>>) dst(%arg9 : memref<1000x16xf32, #tpu.memory_space<vmem>>)
      "tpu.region"() ({
        %run_scoped3A = tpu.sem_alloc : memref<!tpu.dma_semaphore, #tpu.memory_space<semaphore_mem>>
        %dma_start3A_62 = arith.constant 0 : i32
        %dma_start3A_63 = arith.constant 0 : i32
        %dma_start3A_64 = tpu.memref_slice %arg12[%dma_start3A_62, %dma_start3A_63] : memref<50000x16xf32, #tpu.memory_space<vmem_shared>> -> memref<50000x16xf32, #tpu.memory_space<vmem_shared>>
        tpu.enqueue_indirect_dma source(%arg9 : memref<1000x16xf32, #tpu.memory_space<vmem>>) target(%dma_start3A_64 : memref<50000x16xf32, #tpu.memory_space<vmem_shared>>) offsets(%arg7 : memref<1000xi32, #tpu.memory_space<vmem>>) semaphore(%run_scoped3A : memref<!tpu.dma_semaphore, #tpu.memory_space<semaphore_mem>>) {add = true}
        %dma_wait3A_65 = arith.constant 0 : i32
        %dma_wait3A_66 = arith.constant 0 : i32
        %dma_wait3A_67 = tpu.memref_slice %arg12[%dma_wait3A_65, %dma_wait3A_66] : memref<50000x16xf32, #tpu.memory_space<vmem_shared>> -> memref<50000x16xf32, #tpu.memory_space<vmem_shared>>
        tpu.wait_indirect_dma semaphore(%run_scoped3A : memref<!tpu.dma_semaphore, #tpu.memory_space<semaphore_mem>>) src(%arg9 : memref<1000x16xf32, #tpu.memory_space<vmem>>) dst(%dma_wait3A_67 : memref<50000x16xf32, #tpu.memory_space<vmem_shared>>)
        tpu.yield
      }) : () -> ()
    }
    %scan3A_16 = arith.constant 12 : i32
    %dma_wait3A = tpu.memref_slice %arg3[%mul3A_2] : memref<800000xi32, #tpu.memory_space<hbm>> -> memref<1000xi32, #tpu.memory_space<hbm>>
    %dma_wait3A_17 = tpu.memref_slice %arg3[%mul3A_2] : memref<800000xi32, #tpu.memory_space<hbm>> -> memref<1000xi32, #tpu.memory_space<hbm>>
    tpu.wait_dma2 semaphore(%arg10 : memref<!tpu.dma_semaphore, #tpu.memory_space<semaphore_mem>>) src(%dma_wait3A_17 : memref<1000xi32, #tpu.memory_space<hbm>>) dst(%arg6 : memref<1000xi32, #tpu.memory_space<vmem>>)
    %dma_wait3A_18 = arith.constant 0 : i32
    %dma_wait3A_19 = tpu.memref_slice %arg2[%mul3A_2, %dma_wait3A_18] : memref<800000x16xf32, #tpu.memory_space<hbm>> -> memref<1000x16xf32, #tpu.memory_space<hbm>>
    %dma_wait3A_20 = arith.constant 0 : i32
    %dma_wait3A_21 = tpu.memref_slice %arg2[%mul3A_2, %dma_wait3A_20] : memref<800000x16xf32, #tpu.memory_space<hbm>> -> memref<1000x16xf32, #tpu.memory_space<hbm>>
    tpu.wait_dma2 semaphore(%arg10 : memref<!tpu.dma_semaphore, #tpu.memory_space<semaphore_mem>>) src(%dma_wait3A_21 : memref<1000x16xf32, #tpu.memory_space<hbm>>) dst(%arg8 : memref<1000x16xf32, #tpu.memory_space<vmem>>)
    "tpu.region"() ({
      %run_scoped3A = tpu.sem_alloc : memref<!tpu.dma_semaphore, #tpu.memory_space<semaphore_mem>>
      %dma_start3A_23 = arith.constant 0 : i32
      %dma_start3A_24 = arith.constant 0 : i32
      %dma_start3A_25 = tpu.memref_slice %arg12[%dma_start3A_23, %dma_start3A_24] : memref<50000x16xf32, #tpu.memory_space<vmem_shared>> -> memref<50000x16xf32, #tpu.memory_space<vmem_shared>>
      tpu.enqueue_indirect_dma source(%arg8 : memref<1000x16xf32, #tpu.memory_space<vmem>>) target(%dma_start3A_25 : memref<50000x16xf32, #tpu.memory_space<vmem_shared>>) offsets(%arg6 : memref<1000xi32, #tpu.memory_space<vmem>>) semaphore(%run_scoped3A : memref<!tpu.dma_semaphore, #tpu.memory_space<semaphore_mem>>) {add = true}
      %dma_wait3A_26 = arith.constant 0 : i32
      %dma_wait3A_27 = arith.constant 0 : i32
      %dma_wait3A_28 = tpu.memref_slice %arg12[%dma_wait3A_26, %dma_wait3A_27] : memref<50000x16xf32, #tpu.memory_space<vmem_shared>> -> memref<50000x16xf32, #tpu.memory_space<vmem_shared>>
      tpu.wait_indirect_dma semaphore(%run_scoped3A : memref<!tpu.dma_semaphore, #tpu.memory_space<semaphore_mem>>) src(%arg8 : memref<1000x16xf32, #tpu.memory_space<vmem>>) dst(%dma_wait3A_28 : memref<50000x16xf32, #tpu.memory_space<vmem_shared>>)
      tpu.yield
    }) : () -> ()
    %barrier3A_22 = arith.constant 0 : index
    tpu.barrier barrier_id(%barrier3A_22)
    "tpu.region"() ({
      %run_scoped3A = tpu.sem_alloc : memref<!tpu.dma_semaphore, #tpu.memory_space<semaphore_mem>>
      %dma_start3A_23 = arith.constant 0 : i32
      %dma_start3A_24 = tpu.memref_slice %arg5[%arg0, %mul3A_4, %dma_start3A_23] : memref<2x50000x16xf32, #tpu.memory_space<hbm>> -> memref<1x3125x16xf32, #tpu.memory_space<hbm>>
      %dma_start3A_25 = tpu.memref_squeeze %dma_start3A_24 : memref<1x3125x16xf32, #tpu.memory_space<hbm>> -> memref<3125x16xf32, #tpu.memory_space<hbm>>
      %dma_start3A_26 = arith.constant 0 : i32
      %dma_start3A_27 = tpu.memref_slice %arg12[%mul3A_4, %dma_start3A_26] : memref<50000x16xf32, #tpu.memory_space<vmem_shared>> -> memref<3125x16xf32, #tpu.memory_space<vmem_shared>>
      tpu.enqueue_dma source(%dma_start3A_27 : memref<3125x16xf32, #tpu.memory_space<vmem_shared>>) target(%dma_start3A_25 : memref<3125x16xf32, #tpu.memory_space<hbm>>) target_semaphore(%run_scoped3A : memref<!tpu.dma_semaphore, #tpu.memory_space<semaphore_mem>>)
      %dma_wait3A_28 = arith.constant 0 : i32
      %dma_wait3A_29 = tpu.memref_slice %arg5[%arg0, %mul3A_4, %dma_wait3A_28] : memref<2x50000x16xf32, #tpu.memory_space<hbm>> -> memref<1x3125x16xf32, #tpu.memory_space<hbm>>
      %dma_wait3A_30 = tpu.memref_squeeze %dma_wait3A_29 : memref<1x3125x16xf32, #tpu.memory_space<hbm>> -> memref<3125x16xf32, #tpu.memory_space<hbm>>
      %dma_wait3A_31 = arith.constant 0 : i32
      %dma_wait3A_32 = tpu.memref_slice %arg12[%mul3A_4, %dma_wait3A_31] : memref<50000x16xf32, #tpu.memory_space<vmem_shared>> -> memref<3125x16xf32, #tpu.memory_space<vmem_shared>>
      tpu.wait_dma2 semaphore(%run_scoped3A : memref<!tpu.dma_semaphore, #tpu.memory_space<semaphore_mem>>) src(%dma_wait3A_32 : memref<3125x16xf32, #tpu.memory_space<vmem_shared>>) dst(%dma_wait3A_30 : memref<3125x16xf32, #tpu.memory_space<hbm>>)
      tpu.yield
    }) : () -> ()
    return
  }
}

#map = affine_map<(d0, d1) -> (0, 0)>
#map1 = affine_map<(d0, d1) -> (0)>
module attributes {stable_mosaic.version = 14 : i64} {
  func.func @gather_mul(%arg0: i32, %arg1: i32, %arg2: memref<50000x16xf32, #tpu.memory_space<hbm>>, %arg3: memref<50000x16xf32, #tpu.memory_space<hbm>>, %arg4: memref<800000xi32, #tpu.memory_space<hbm>>, %arg5: memref<800000xi32, #tpu.memory_space<hbm>>, %arg6: memref<800000x16xf32, #tpu.memory_space<hbm>>, %arg7: memref<1000xi32, #tpu.memory_space<vmem>>, %arg8: memref<1000xi32, #tpu.memory_space<vmem>>, %arg9: memref<1000xi32, #tpu.memory_space<vmem>>, %arg10: memref<1000xi32, #tpu.memory_space<vmem>>, %arg11: memref<1000x16xf32, #tpu.memory_space<vmem>>, %arg12: memref<1000x16xf32, #tpu.memory_space<vmem>>, %arg13: memref<1000x16xf32, #tpu.memory_space<vmem>>, %arg14: memref<1000x16xf32, #tpu.memory_space<vmem>>, %arg15: memref<1000x16xf32, #tpu.memory_space<vmem>>, %arg16: memref<1000x16xf32, #tpu.memory_space<vmem>>, %arg17: memref<!tpu.dma_semaphore, #tpu.memory_space<semaphore_mem>>, %arg18: memref<!tpu.dma_semaphore, #tpu.memory_space<semaphore_mem>>, %arg19: memref<!tpu.dma_semaphore, #tpu.memory_space<semaphore_mem>>, %arg20: memref<!tpu.dma_semaphore, #tpu.memory_space<semaphore_mem>>, %arg21: memref<!tpu.dma_semaphore, #tpu.memory_space<semaphore_mem>>, %arg22: memref<!tpu.dma_semaphore, #tpu.memory_space<semaphore_mem>>) attributes {dimension_semantics = [#tpu.dimension_semantics<core_parallel>, #tpu.dimension_semantics<subcore_parallel>], iteration_bounds = array<i64: 2, 16>, scalar_prefetch = 0 : i64, scratch_operands = 16 : i64, tpu.core_type = #tpu.core_type<sc_vector_subcore>, window_params = [{transform_indices = #map}, {transform_indices = #map}, {transform_indices = #map1}, {transform_indices = #map1}, {transform_indices = #map}]} {
    %mul3A = arith.constant 2 : i32
    %mul3A_0 = arith.muli %arg1, %mul3A : i32
    %add3A = arith.addi %mul3A_0, %arg0 : i32
    %mul3A_1 = arith.constant 25000 : i32
    %mul3A_2 = arith.muli %add3A, %mul3A_1 : i32
    %add3A_3 = arith.constant 0 : i32
    %add3A_4 = arith.addi %mul3A_2, %add3A_3 : i32
    %dma_start3A = tpu.memref_slice %arg4[%add3A_4] : memref<800000xi32, #tpu.memory_space<hbm>> -> memref<1000xi32, #tpu.memory_space<hbm>>
    %dma_start3A_5 = tpu.memref_slice %arg4[%add3A_4] : memref<800000xi32, #tpu.memory_space<hbm>> -> memref<1000xi32, #tpu.memory_space<hbm>>
    tpu.enqueue_dma source(%dma_start3A_5 : memref<1000xi32, #tpu.memory_space<hbm>>) target(%arg7 : memref<1000xi32, #tpu.memory_space<vmem>>) target_semaphore(%arg17 : memref<!tpu.dma_semaphore, #tpu.memory_space<semaphore_mem>>)
    %dma_start3A_6 = tpu.memref_slice %arg5[%add3A_4] : memref<800000xi32, #tpu.memory_space<hbm>> -> memref<1000xi32, #tpu.memory_space<hbm>>
    %dma_start3A_7 = tpu.memref_slice %arg5[%add3A_4] : memref<800000xi32, #tpu.memory_space<hbm>> -> memref<1000xi32, #tpu.memory_space<hbm>>
    tpu.enqueue_dma source(%dma_start3A_7 : memref<1000xi32, #tpu.memory_space<hbm>>) target(%arg9 : memref<1000xi32, #tpu.memory_space<vmem>>) target_semaphore(%arg17 : memref<!tpu.dma_semaphore, #tpu.memory_space<semaphore_mem>>)
    %dma_wait3A = tpu.memref_slice %arg4[%mul3A_2] : memref<800000xi32, #tpu.memory_space<hbm>> -> memref<1000xi32, #tpu.memory_space<hbm>>
    %dma_wait3A_8 = tpu.memref_slice %arg4[%mul3A_2] : memref<800000xi32, #tpu.memory_space<hbm>> -> memref<1000xi32, #tpu.memory_space<hbm>>
    tpu.wait_dma2 semaphore(%arg17 : memref<!tpu.dma_semaphore, #tpu.memory_space<semaphore_mem>>) src(%dma_wait3A_8 : memref<1000xi32, #tpu.memory_space<hbm>>) dst(%arg7 : memref<1000xi32, #tpu.memory_space<vmem>>)
    %dma_wait3A_9 = tpu.memref_slice %arg5[%mul3A_2] : memref<800000xi32, #tpu.memory_space<hbm>> -> memref<1000xi32, #tpu.memory_space<hbm>>
    %dma_wait3A_10 = tpu.memref_slice %arg5[%mul3A_2] : memref<800000xi32, #tpu.memory_space<hbm>> -> memref<1000xi32, #tpu.memory_space<hbm>>
    tpu.wait_dma2 semaphore(%arg17 : memref<!tpu.dma_semaphore, #tpu.memory_space<semaphore_mem>>) src(%dma_wait3A_10 : memref<1000xi32, #tpu.memory_space<hbm>>) dst(%arg9 : memref<1000xi32, #tpu.memory_space<vmem>>)
    %dma_start3A_11 = arith.constant 0 : i32
    %dma_start3A_12 = arith.constant 0 : i32
    %dma_start3A_13 = tpu.memref_slice %arg3[%dma_start3A_11, %dma_start3A_12] : memref<50000x16xf32, #tpu.memory_space<hbm>> -> memref<50000x16xf32, #tpu.memory_space<hbm>>
    tpu.enqueue_indirect_dma source(%dma_start3A_13 : memref<50000x16xf32, #tpu.memory_space<hbm>>) target(%arg13 : memref<1000x16xf32, #tpu.memory_space<vmem>>) offsets(%arg7 : memref<1000xi32, #tpu.memory_space<vmem>>) semaphore(%arg19 : memref<!tpu.dma_semaphore, #tpu.memory_space<semaphore_mem>>)
    %dma_start3A_14 = arith.constant 0 : i32
    %dma_start3A_15 = arith.constant 0 : i32
    %dma_start3A_16 = tpu.memref_slice %arg2[%dma_start3A_14, %dma_start3A_15] : memref<50000x16xf32, #tpu.memory_space<hbm>> -> memref<50000x16xf32, #tpu.memory_space<hbm>>
    tpu.enqueue_indirect_dma source(%dma_start3A_16 : memref<50000x16xf32, #tpu.memory_space<hbm>>) target(%arg11 : memref<1000x16xf32, #tpu.memory_space<vmem>>) offsets(%arg9 : memref<1000xi32, #tpu.memory_space<vmem>>) semaphore(%arg19 : memref<!tpu.dma_semaphore, #tpu.memory_space<semaphore_mem>>)
    %add3A_17 = arith.constant 1000 : i32
    %add3A_18 = arith.addi %mul3A_2, %add3A_17 : i32
    %dma_start3A_19 = tpu.memref_slice %arg4[%add3A_18] : memref<800000xi32, #tpu.memory_space<hbm>> -> memref<1000xi32, #tpu.memory_space<hbm>>
    %dma_start3A_20 = tpu.memref_slice %arg4[%add3A_18] : memref<800000xi32, #tpu.memory_space<hbm>> -> memref<1000xi32, #tpu.memory_space<hbm>>
    tpu.enqueue_dma source(%dma_start3A_20 : memref<1000xi32, #tpu.memory_space<hbm>>) target(%arg8 : memref<1000xi32, #tpu.memory_space<vmem>>) target_semaphore(%arg18 : memref<!tpu.dma_semaphore, #tpu.memory_space<semaphore_mem>>)
    %dma_start3A_21 = tpu.memref_slice %arg5[%add3A_18] : memref<800000xi32, #tpu.memory_space<hbm>> -> memref<1000xi32, #tpu.memory_space<hbm>>
    %dma_start3A_22 = tpu.memref_slice %arg5[%add3A_18] : memref<800000xi32, #tpu.memory_space<hbm>> -> memref<1000xi32, #tpu.memory_space<hbm>>
    tpu.enqueue_dma source(%dma_start3A_22 : memref<1000xi32, #tpu.memory_space<hbm>>) target(%arg10 : memref<1000xi32, #tpu.memory_space<vmem>>) target_semaphore(%arg18 : memref<!tpu.dma_semaphore, #tpu.memory_space<semaphore_mem>>)
    %scan3A = arith.constant 0 : i32
    %scan3A_23 = arith.constant 0 : i32
    %scan3A_24 = arith.constant 12 : i32
    %scan3A_25 = arith.addi %scan3A_23, %scan3A_24 : i32
    %scan3A_26 = arith.constant 1 : i32
    scf.for %scan3A_57 = %scan3A_23 to %scan3A_25 step %scan3A_26  : i32 {
      %dma_wait3A_58 = arith.constant 0 : i32
      %dma_wait3A_59 = arith.constant 0 : i32
      %dma_wait3A_60 = tpu.memref_slice %arg3[%dma_wait3A_58, %dma_wait3A_59] : memref<50000x16xf32, #tpu.memory_space<hbm>> -> memref<50000x16xf32, #tpu.memory_space<hbm>>
      tpu.wait_indirect_dma semaphore(%arg19 : memref<!tpu.dma_semaphore, #tpu.memory_space<semaphore_mem>>) src(%dma_wait3A_60 : memref<50000x16xf32, #tpu.memory_space<hbm>>) dst(%arg13 : memref<1000x16xf32, #tpu.memory_space<vmem>>)
      %dma_wait3A_61 = arith.constant 0 : i32
      %dma_wait3A_62 = arith.constant 0 : i32
      %dma_wait3A_63 = tpu.memref_slice %arg2[%dma_wait3A_61, %dma_wait3A_62] : memref<50000x16xf32, #tpu.memory_space<hbm>> -> memref<50000x16xf32, #tpu.memory_space<hbm>>
      tpu.wait_indirect_dma semaphore(%arg19 : memref<!tpu.dma_semaphore, #tpu.memory_space<semaphore_mem>>) src(%dma_wait3A_63 : memref<50000x16xf32, #tpu.memory_space<hbm>>) dst(%arg11 : memref<1000x16xf32, #tpu.memory_space<vmem>>)
      %mul3A_64 = arith.constant 2 : i32
      %mul3A_65 = arith.muli %mul3A_64, %scan3A_57 : i32
      %add3A_66 = arith.constant 2 : i32
      %add3A_67 = arith.addi %mul3A_65, %add3A_66 : i32
      %mul3A_68 = arith.constant 1000 : i32
      %mul3A_69 = arith.muli %add3A_67, %mul3A_68 : i32
      %add3A_70 = arith.addi %mul3A_2, %mul3A_69 : i32
      %dma_start3A_71 = tpu.memref_slice %arg4[%add3A_70] : memref<800000xi32, #tpu.memory_space<hbm>> -> memref<1000xi32, #tpu.memory_space<hbm>>
      %dma_start3A_72 = tpu.memref_slice %arg4[%add3A_70] : memref<800000xi32, #tpu.memory_space<hbm>> -> memref<1000xi32, #tpu.memory_space<hbm>>
      tpu.enqueue_dma source(%dma_start3A_72 : memref<1000xi32, #tpu.memory_space<hbm>>) target(%arg7 : memref<1000xi32, #tpu.memory_space<vmem>>) target_semaphore(%arg17 : memref<!tpu.dma_semaphore, #tpu.memory_space<semaphore_mem>>)
      %dma_start3A_73 = tpu.memref_slice %arg5[%add3A_70] : memref<800000xi32, #tpu.memory_space<hbm>> -> memref<1000xi32, #tpu.memory_space<hbm>>
      %dma_start3A_74 = tpu.memref_slice %arg5[%add3A_70] : memref<800000xi32, #tpu.memory_space<hbm>> -> memref<1000xi32, #tpu.memory_space<hbm>>
      tpu.enqueue_dma source(%dma_start3A_74 : memref<1000xi32, #tpu.memory_space<hbm>>) target(%arg9 : memref<1000xi32, #tpu.memory_space<vmem>>) target_semaphore(%arg17 : memref<!tpu.dma_semaphore, #tpu.memory_space<semaphore_mem>>)
      %dma_wait3A_75 = tpu.memref_slice %arg4[%mul3A_2] : memref<800000xi32, #tpu.memory_space<hbm>> -> memref<1000xi32, #tpu.memory_space<hbm>>
      %dma_wait3A_76 = tpu.memref_slice %arg4[%mul3A_2] : memref<800000xi32, #tpu.memory_space<hbm>> -> memref<1000xi32, #tpu.memory_space<hbm>>
      tpu.wait_dma2 semaphore(%arg18 : memref<!tpu.dma_semaphore, #tpu.memory_space<semaphore_mem>>) src(%dma_wait3A_76 : memref<1000xi32, #tpu.memory_space<hbm>>) dst(%arg8 : memref<1000xi32, #tpu.memory_space<vmem>>)
      %dma_wait3A_77 = tpu.memref_slice %arg5[%mul3A_2] : memref<800000xi32, #tpu.memory_space<hbm>> -> memref<1000xi32, #tpu.memory_space<hbm>>
      %dma_wait3A_78 = tpu.memref_slice %arg5[%mul3A_2] : memref<800000xi32, #tpu.memory_space<hbm>> -> memref<1000xi32, #tpu.memory_space<hbm>>
      tpu.wait_dma2 semaphore(%arg18 : memref<!tpu.dma_semaphore, #tpu.memory_space<semaphore_mem>>) src(%dma_wait3A_78 : memref<1000xi32, #tpu.memory_space<hbm>>) dst(%arg10 : memref<1000xi32, #tpu.memory_space<vmem>>)
      %dma_start3A_79 = arith.constant 0 : i32
      %dma_start3A_80 = arith.constant 0 : i32
      %dma_start3A_81 = tpu.memref_slice %arg3[%dma_start3A_79, %dma_start3A_80] : memref<50000x16xf32, #tpu.memory_space<hbm>> -> memref<50000x16xf32, #tpu.memory_space<hbm>>
      tpu.enqueue_indirect_dma source(%dma_start3A_81 : memref<50000x16xf32, #tpu.memory_space<hbm>>) target(%arg14 : memref<1000x16xf32, #tpu.memory_space<vmem>>) offsets(%arg8 : memref<1000xi32, #tpu.memory_space<vmem>>) semaphore(%arg20 : memref<!tpu.dma_semaphore, #tpu.memory_space<semaphore_mem>>)
      %dma_start3A_82 = arith.constant 0 : i32
      %dma_start3A_83 = arith.constant 0 : i32
      %dma_start3A_84 = tpu.memref_slice %arg2[%dma_start3A_82, %dma_start3A_83] : memref<50000x16xf32, #tpu.memory_space<hbm>> -> memref<50000x16xf32, #tpu.memory_space<hbm>>
      tpu.enqueue_indirect_dma source(%dma_start3A_84 : memref<50000x16xf32, #tpu.memory_space<hbm>>) target(%arg12 : memref<1000x16xf32, #tpu.memory_space<vmem>>) offsets(%arg10 : memref<1000xi32, #tpu.memory_space<vmem>>) semaphore(%arg20 : memref<!tpu.dma_semaphore, #tpu.memory_space<semaphore_mem>>)
      %eq3A = arith.constant 0 : i32
      %eq3A_85 = arith.cmpi eq, %scan3A_57, %eq3A : i32
      %mul3A_86 = arith.constant 2 : i32
      %mul3A_87 = arith.muli %mul3A_86, %scan3A_57 : i32
      %not3A_88 = arith.constant true
      %not3A_89 = arith.xori %eq3A_85, %not3A_88 : i1
      %convert_element_type3A_90 = arith.extui %not3A_89 : i1 to i32
      %cond3A_91 = arith.constant 0 : i32
      %cond3A_92 = arith.cmpi ne, %convert_element_type3A_90, %cond3A_91 : i32
      scf.if %cond3A_92 {
        %dma_wait3A_150 = arith.constant 0 : i32
        %dma_wait3A_151 = tpu.memref_slice %arg6[%mul3A_2, %dma_wait3A_150] : memref<800000x16xf32, #tpu.memory_space<hbm>> -> memref<1000x16xf32, #tpu.memory_space<hbm>>
        %dma_wait3A_152 = arith.constant 0 : i32
        %dma_wait3A_153 = tpu.memref_slice %arg6[%mul3A_2, %dma_wait3A_152] : memref<800000x16xf32, #tpu.memory_space<hbm>> -> memref<1000x16xf32, #tpu.memory_space<hbm>>
        tpu.wait_dma2 semaphore(%arg21 : memref<!tpu.dma_semaphore, #tpu.memory_space<semaphore_mem>>) src(%arg15 : memref<1000x16xf32, #tpu.memory_space<vmem>>) dst(%dma_wait3A_153 : memref<1000x16xf32, #tpu.memory_space<hbm>>)
      } else {
      }
      %scan3A_93 = arith.constant 0 : i32
      %scan3A_94 = arith.constant 0 : i32
      %scan3A_95 = arith.constant 125 : i32
      %scan3A_96 = arith.addi %scan3A_94, %scan3A_95 : i32
      %scan3A_97 = arith.constant 1 : i32
      scf.for %scan3A_150 = %scan3A_94 to %scan3A_96 step %scan3A_97  : i32 {
        %mul3A_151 = arith.constant 8 : i32
        %mul3A_152 = arith.muli %scan3A_150, %mul3A_151 : i32
        %add3A_153 = arith.constant 0 : i32
        %add3A_154 = arith.addi %mul3A_152, %add3A_153 : i32
        %get3A = arith.index_cast %add3A_154 : i32 to index
        %get3A_155 = arith.constant 0 : index
        %get3A_156 = tpu.vector_load %arg11[%get3A, %get3A_155] {strides = array<i32>} : memref<1000x16xf32, #tpu.memory_space<vmem>>, vector<1x16xf32>,
        %get3A_157 = vector.shape_cast %get3A_156 : vector<1x16xf32> to vector<16xf32>
        %add3A_158 = arith.constant 0 : i32
        %add3A_159 = arith.addi %mul3A_152, %add3A_158 : i32
        %get3A_160 = arith.index_cast %add3A_159 : i32 to index
        %get3A_161 = arith.constant 0 : index
        %get3A_162 = tpu.vector_load %arg13[%get3A_160, %get3A_161] {strides = array<i32>} : memref<1000x16xf32, #tpu.memory_space<vmem>>, vector<1x16xf32>,
        %get3A_163 = vector.shape_cast %get3A_162 : vector<1x16xf32> to vector<16xf32>
        %mul3A_164 = arith.mulf %get3A_157, %get3A_163 : vector<16xf32>
        %add3A_165 = arith.constant 0 : i32
        %add3A_166 = arith.addi %mul3A_152, %add3A_165 : i32
        %swap3A = arith.index_cast %add3A_166 : i32 to index
        %swap3A_167 = arith.constant 0 : index
        %swap3A_168 = tpu.vector_load %arg15[%swap3A, %swap3A_167] {strides = array<i32>} : memref<1000x16xf32, #tpu.memory_space<vmem>>, vector<1x16xf32>,
        %swap3A_169 = vector.shape_cast %swap3A_168 : vector<1x16xf32> to vector<16xf32>
        %swap3A_170 = vector.shape_cast %mul3A_164 : vector<16xf32> to vector<1x16xf32>
        tpu.vector_store %arg15[%swap3A, %swap3A_167], %swap3A_170 {strides = array<i32>} : memref<1000x16xf32, #tpu.memory_space<vmem>>, vector<1x16xf32>,
        %add3A_171 = arith.constant 1 : i32
        %add3A_172 = arith.addi %mul3A_152, %add3A_171 : i32
        %get3A_173 = arith.index_cast %add3A_172 : i32 to index
        %get3A_174 = arith.constant 0 : index
        %get3A_175 = tpu.vector_load %arg11[%get3A_173, %get3A_174] {strides = array<i32>} : memref<1000x16xf32, #tpu.memory_space<vmem>>, vector<1x16xf32>,
        %get3A_176 = vector.shape_cast %get3A_175 : vector<1x16xf32> to vector<16xf32>
        %add3A_177 = arith.constant 1 : i32
        %add3A_178 = arith.addi %mul3A_152, %add3A_177 : i32
        %get3A_179 = arith.index_cast %add3A_178 : i32 to index
        %get3A_180 = arith.constant 0 : index
        %get3A_181 = tpu.vector_load %arg13[%get3A_179, %get3A_180] {strides = array<i32>} : memref<1000x16xf32, #tpu.memory_space<vmem>>, vector<1x16xf32>,
        %get3A_182 = vector.shape_cast %get3A_181 : vector<1x16xf32> to vector<16xf32>
        %mul3A_183 = arith.mulf %get3A_176, %get3A_182 : vector<16xf32>
        %add3A_184 = arith.constant 1 : i32
        %add3A_185 = arith.addi %mul3A_152, %add3A_184 : i32
        %swap3A_186 = arith.index_cast %add3A_185 : i32 to index
        %swap3A_187 = arith.constant 0 : index
        %swap3A_188 = tpu.vector_load %arg15[%swap3A_186, %swap3A_187] {strides = array<i32>} : memref<1000x16xf32, #tpu.memory_space<vmem>>, vector<1x16xf32>,
        %swap3A_189 = vector.shape_cast %swap3A_188 : vector<1x16xf32> to vector<16xf32>
        %swap3A_190 = vector.shape_cast %mul3A_183 : vector<16xf32> to vector<1x16xf32>
        tpu.vector_store %arg15[%swap3A_186, %swap3A_187], %swap3A_190 {strides = array<i32>} : memref<1000x16xf32, #tpu.memory_space<vmem>>, vector<1x16xf32>,
        %add3A_191 = arith.constant 2 : i32
        %add3A_192 = arith.addi %mul3A_152, %add3A_191 : i32
        %get3A_193 = arith.index_cast %add3A_192 : i32 to index
        %get3A_194 = arith.constant 0 : index
        %get3A_195 = tpu.vector_load %arg11[%get3A_193, %get3A_194] {strides = array<i32>} : memref<1000x16xf32, #tpu.memory_space<vmem>>, vector<1x16xf32>,
        %get3A_196 = vector.shape_cast %get3A_195 : vector<1x16xf32> to vector<16xf32>
        %add3A_197 = arith.constant 2 : i32
        %add3A_198 = arith.addi %mul3A_152, %add3A_197 : i32
        %get3A_199 = arith.index_cast %add3A_198 : i32 to index
        %get3A_200 = arith.constant 0 : index
        %get3A_201 = tpu.vector_load %arg13[%get3A_199, %get3A_200] {strides = array<i32>} : memref<1000x16xf32, #tpu.memory_space<vmem>>, vector<1x16xf32>,
        %get3A_202 = vector.shape_cast %get3A_201 : vector<1x16xf32> to vector<16xf32>
        %mul3A_203 = arith.mulf %get3A_196, %get3A_202 : vector<16xf32>
        %add3A_204 = arith.constant 2 : i32
        %add3A_205 = arith.addi %mul3A_152, %add3A_204 : i32
        %swap3A_206 = arith.index_cast %add3A_205 : i32 to index
        %swap3A_207 = arith.constant 0 : index
        %swap3A_208 = tpu.vector_load %arg15[%swap3A_206, %swap3A_207] {strides = array<i32>} : memref<1000x16xf32, #tpu.memory_space<vmem>>, vector<1x16xf32>,
        %swap3A_209 = vector.shape_cast %swap3A_208 : vector<1x16xf32> to vector<16xf32>
        %swap3A_210 = vector.shape_cast %mul3A_203 : vector<16xf32> to vector<1x16xf32>
        tpu.vector_store %arg15[%swap3A_206, %swap3A_207], %swap3A_210 {strides = array<i32>} : memref<1000x16xf32, #tpu.memory_space<vmem>>, vector<1x16xf32>,
        %add3A_211 = arith.constant 3 : i32
        %add3A_212 = arith.addi %mul3A_152, %add3A_211 : i32
        %get3A_213 = arith.index_cast %add3A_212 : i32 to index
        %get3A_214 = arith.constant 0 : index
        %get3A_215 = tpu.vector_load %arg11[%get3A_213, %get3A_214] {strides = array<i32>} : memref<1000x16xf32, #tpu.memory_space<vmem>>, vector<1x16xf32>,
        %get3A_216 = vector.shape_cast %get3A_215 : vector<1x16xf32> to vector<16xf32>
        %add3A_217 = arith.constant 3 : i32
        %add3A_218 = arith.addi %mul3A_152, %add3A_217 : i32
        %get3A_219 = arith.index_cast %add3A_218 : i32 to index
        %get3A_220 = arith.constant 0 : index
        %get3A_221 = tpu.vector_load %arg13[%get3A_219, %get3A_220] {strides = array<i32>} : memref<1000x16xf32, #tpu.memory_space<vmem>>, vector<1x16xf32>,
        %get3A_222 = vector.shape_cast %get3A_221 : vector<1x16xf32> to vector<16xf32>
        %mul3A_223 = arith.mulf %get3A_216, %get3A_222 : vector<16xf32>
        %add3A_224 = arith.constant 3 : i32
        %add3A_225 = arith.addi %mul3A_152, %add3A_224 : i32
        %swap3A_226 = arith.index_cast %add3A_225 : i32 to index
        %swap3A_227 = arith.constant 0 : index
        %swap3A_228 = tpu.vector_load %arg15[%swap3A_226, %swap3A_227] {strides = array<i32>} : memref<1000x16xf32, #tpu.memory_space<vmem>>, vector<1x16xf32>,
        %swap3A_229 = vector.shape_cast %swap3A_228 : vector<1x16xf32> to vector<16xf32>
        %swap3A_230 = vector.shape_cast %mul3A_223 : vector<16xf32> to vector<1x16xf32>
        tpu.vector_store %arg15[%swap3A_226, %swap3A_227], %swap3A_230 {strides = array<i32>} : memref<1000x16xf32, #tpu.memory_space<vmem>>, vector<1x16xf32>,
        %add3A_231 = arith.constant 4 : i32
        %add3A_232 = arith.addi %mul3A_152, %add3A_231 : i32
        %get3A_233 = arith.index_cast %add3A_232 : i32 to index
        %get3A_234 = arith.constant 0 : index
        %get3A_235 = tpu.vector_load %arg11[%get3A_233, %get3A_234] {strides = array<i32>} : memref<1000x16xf32, #tpu.memory_space<vmem>>, vector<1x16xf32>,
        %get3A_236 = vector.shape_cast %get3A_235 : vector<1x16xf32> to vector<16xf32>
        %add3A_237 = arith.constant 4 : i32
        %add3A_238 = arith.addi %mul3A_152, %add3A_237 : i32
        %get3A_239 = arith.index_cast %add3A_238 : i32 to index
        %get3A_240 = arith.constant 0 : index
        %get3A_241 = tpu.vector_load %arg13[%get3A_239, %get3A_240] {strides = array<i32>} : memref<1000x16xf32, #tpu.memory_space<vmem>>, vector<1x16xf32>,
        %get3A_242 = vector.shape_cast %get3A_241 : vector<1x16xf32> to vector<16xf32>
        %mul3A_243 = arith.mulf %get3A_236, %get3A_242 : vector<16xf32>
        %add3A_244 = arith.constant 4 : i32
        %add3A_245 = arith.addi %mul3A_152, %add3A_244 : i32
        %swap3A_246 = arith.index_cast %add3A_245 : i32 to index
        %swap3A_247 = arith.constant 0 : index
        %swap3A_248 = tpu.vector_load %arg15[%swap3A_246, %swap3A_247] {strides = array<i32>} : memref<1000x16xf32, #tpu.memory_space<vmem>>, vector<1x16xf32>,
        %swap3A_249 = vector.shape_cast %swap3A_248 : vector<1x16xf32> to vector<16xf32>
        %swap3A_250 = vector.shape_cast %mul3A_243 : vector<16xf32> to vector<1x16xf32>
        tpu.vector_store %arg15[%swap3A_246, %swap3A_247], %swap3A_250 {strides = array<i32>} : memref<1000x16xf32, #tpu.memory_space<vmem>>, vector<1x16xf32>,
        %add3A_251 = arith.constant 5 : i32
        %add3A_252 = arith.addi %mul3A_152, %add3A_251 : i32
        %get3A_253 = arith.index_cast %add3A_252 : i32 to index
        %get3A_254 = arith.constant 0 : index
        %get3A_255 = tpu.vector_load %arg11[%get3A_253, %get3A_254] {strides = array<i32>} : memref<1000x16xf32, #tpu.memory_space<vmem>>, vector<1x16xf32>,
        %get3A_256 = vector.shape_cast %get3A_255 : vector<1x16xf32> to vector<16xf32>
        %add3A_257 = arith.constant 5 : i32
        %add3A_258 = arith.addi %mul3A_152, %add3A_257 : i32
        %get3A_259 = arith.index_cast %add3A_258 : i32 to index
        %get3A_260 = arith.constant 0 : index
        %get3A_261 = tpu.vector_load %arg13[%get3A_259, %get3A_260] {strides = array<i32>} : memref<1000x16xf32, #tpu.memory_space<vmem>>, vector<1x16xf32>,
        %get3A_262 = vector.shape_cast %get3A_261 : vector<1x16xf32> to vector<16xf32>
        %mul3A_263 = arith.mulf %get3A_256, %get3A_262 : vector<16xf32>
        %add3A_264 = arith.constant 5 : i32
        %add3A_265 = arith.addi %mul3A_152, %add3A_264 : i32
        %swap3A_266 = arith.index_cast %add3A_265 : i32 to index
        %swap3A_267 = arith.constant 0 : index
        %swap3A_268 = tpu.vector_load %arg15[%swap3A_266, %swap3A_267] {strides = array<i32>} : memref<1000x16xf32, #tpu.memory_space<vmem>>, vector<1x16xf32>,
        %swap3A_269 = vector.shape_cast %swap3A_268 : vector<1x16xf32> to vector<16xf32>
        %swap3A_270 = vector.shape_cast %mul3A_263 : vector<16xf32> to vector<1x16xf32>
        tpu.vector_store %arg15[%swap3A_266, %swap3A_267], %swap3A_270 {strides = array<i32>} : memref<1000x16xf32, #tpu.memory_space<vmem>>, vector<1x16xf32>,
        %add3A_271 = arith.constant 6 : i32
        %add3A_272 = arith.addi %mul3A_152, %add3A_271 : i32
        %get3A_273 = arith.index_cast %add3A_272 : i32 to index
        %get3A_274 = arith.constant 0 : index
        %get3A_275 = tpu.vector_load %arg11[%get3A_273, %get3A_274] {strides = array<i32>} : memref<1000x16xf32, #tpu.memory_space<vmem>>, vector<1x16xf32>,
        %get3A_276 = vector.shape_cast %get3A_275 : vector<1x16xf32> to vector<16xf32>
        %add3A_277 = arith.constant 6 : i32
        %add3A_278 = arith.addi %mul3A_152, %add3A_277 : i32
        %get3A_279 = arith.index_cast %add3A_278 : i32 to index
        %get3A_280 = arith.constant 0 : index
        %get3A_281 = tpu.vector_load %arg13[%get3A_279, %get3A_280] {strides = array<i32>} : memref<1000x16xf32, #tpu.memory_space<vmem>>, vector<1x16xf32>,
        %get3A_282 = vector.shape_cast %get3A_281 : vector<1x16xf32> to vector<16xf32>
        %mul3A_283 = arith.mulf %get3A_276, %get3A_282 : vector<16xf32>
        %add3A_284 = arith.constant 6 : i32
        %add3A_285 = arith.addi %mul3A_152, %add3A_284 : i32
        %swap3A_286 = arith.index_cast %add3A_285 : i32 to index
        %swap3A_287 = arith.constant 0 : index
        %swap3A_288 = tpu.vector_load %arg15[%swap3A_286, %swap3A_287] {strides = array<i32>} : memref<1000x16xf32, #tpu.memory_space<vmem>>, vector<1x16xf32>,
        %swap3A_289 = vector.shape_cast %swap3A_288 : vector<1x16xf32> to vector<16xf32>
        %swap3A_290 = vector.shape_cast %mul3A_283 : vector<16xf32> to vector<1x16xf32>
        tpu.vector_store %arg15[%swap3A_286, %swap3A_287], %swap3A_290 {strides = array<i32>} : memref<1000x16xf32, #tpu.memory_space<vmem>>, vector<1x16xf32>,
        %add3A_291 = arith.constant 7 : i32
        %add3A_292 = arith.addi %mul3A_152, %add3A_291 : i32
        %get3A_293 = arith.index_cast %add3A_292 : i32 to index
        %get3A_294 = arith.constant 0 : index
        %get3A_295 = tpu.vector_load %arg11[%get3A_293, %get3A_294] {strides = array<i32>} : memref<1000x16xf32, #tpu.memory_space<vmem>>, vector<1x16xf32>,
        %get3A_296 = vector.shape_cast %get3A_295 : vector<1x16xf32> to vector<16xf32>
        %add3A_297 = arith.constant 7 : i32
        %add3A_298 = arith.addi %mul3A_152, %add3A_297 : i32
        %get3A_299 = arith.index_cast %add3A_298 : i32 to index
        %get3A_300 = arith.constant 0 : index
        %get3A_301 = tpu.vector_load %arg13[%get3A_299, %get3A_300] {strides = array<i32>} : memref<1000x16xf32, #tpu.memory_space<vmem>>, vector<1x16xf32>,
        %get3A_302 = vector.shape_cast %get3A_301 : vector<1x16xf32> to vector<16xf32>
        %mul3A_303 = arith.mulf %get3A_296, %get3A_302 : vector<16xf32>
        %add3A_304 = arith.constant 7 : i32
        %add3A_305 = arith.addi %mul3A_152, %add3A_304 : i32
        %swap3A_306 = arith.index_cast %add3A_305 : i32 to index
        %swap3A_307 = arith.constant 0 : index
        %swap3A_308 = tpu.vector_load %arg15[%swap3A_306, %swap3A_307] {strides = array<i32>} : memref<1000x16xf32, #tpu.memory_space<vmem>>, vector<1x16xf32>,
        %swap3A_309 = vector.shape_cast %swap3A_308 : vector<1x16xf32> to vector<16xf32>
        %swap3A_310 = vector.shape_cast %mul3A_303 : vector<16xf32> to vector<1x16xf32>
        tpu.vector_store %arg15[%swap3A_306, %swap3A_307], %swap3A_310 {strides = array<i32>} : memref<1000x16xf32, #tpu.memory_space<vmem>>, vector<1x16xf32>,
      }
      %scan3A_98 = arith.constant 125 : i32
      %mul3A_99 = arith.constant 1000 : i32
      %mul3A_100 = arith.muli %mul3A_87, %mul3A_99 : i32
      %add3A_101 = arith.addi %mul3A_2, %mul3A_100 : i32
      %dma_start3A_102 = arith.constant 0 : i32
      %dma_start3A_103 = tpu.memref_slice %arg6[%add3A_101, %dma_start3A_102] : memref<800000x16xf32, #tpu.memory_space<hbm>> -> memref<1000x16xf32, #tpu.memory_space<hbm>>
      %dma_start3A_104 = arith.constant 0 : i32
      %dma_start3A_105 = tpu.memref_slice %arg6[%add3A_101, %dma_start3A_104] : memref<800000x16xf32, #tpu.memory_space<hbm>> -> memref<1000x16xf32, #tpu.memory_space<hbm>>
      tpu.enqueue_dma source(%arg15 : memref<1000x16xf32, #tpu.memory_space<vmem>>) target(%dma_start3A_105 : memref<1000x16xf32, #tpu.memory_space<hbm>>) target_semaphore(%arg21 : memref<!tpu.dma_semaphore, #tpu.memory_space<semaphore_mem>>)
      %dma_wait3A_106 = arith.constant 0 : i32
      %dma_wait3A_107 = arith.constant 0 : i32
      %dma_wait3A_108 = tpu.memref_slice %arg3[%dma_wait3A_106, %dma_wait3A_107] : memref<50000x16xf32, #tpu.memory_space<hbm>> -> memref<50000x16xf32, #tpu.memory_space<hbm>>
      tpu.wait_indirect_dma semaphore(%arg20 : memref<!tpu.dma_semaphore, #tpu.memory_space<semaphore_mem>>) src(%dma_wait3A_108 : memref<50000x16xf32, #tpu.memory_space<hbm>>) dst(%arg14 : memref<1000x16xf32, #tpu.memory_space<vmem>>)
      %dma_wait3A_109 = arith.constant 0 : i32
      %dma_wait3A_110 = arith.constant 0 : i32
      %dma_wait3A_111 = tpu.memref_slice %arg2[%dma_wait3A_109, %dma_wait3A_110] : memref<50000x16xf32, #tpu.memory_space<hbm>> -> memref<50000x16xf32, #tpu.memory_space<hbm>>
      tpu.wait_indirect_dma semaphore(%arg20 : memref<!tpu.dma_semaphore, #tpu.memory_space<semaphore_mem>>) src(%dma_wait3A_111 : memref<50000x16xf32, #tpu.memory_space<hbm>>) dst(%arg12 : memref<1000x16xf32, #tpu.memory_space<vmem>>)
      %lt3A = arith.constant 11 : i32
      %lt3A_112 = arith.cmpi slt, %scan3A_57, %lt3A : i32
      %convert_element_type3A_113 = arith.extui %lt3A_112 : i1 to i32
      %cond3A_114 = arith.constant 0 : i32
      %cond3A_115 = arith.cmpi ne, %convert_element_type3A_113, %cond3A_114 : i32
      scf.if %cond3A_115 {
        %mul3A_150 = arith.constant 2 : i32
        %mul3A_151 = arith.muli %mul3A_150, %scan3A_57 : i32
        %add3A_152 = arith.constant 3 : i32
        %add3A_153 = arith.addi %mul3A_151, %add3A_152 : i32
        %mul3A_154 = arith.constant 1000 : i32
        %mul3A_155 = arith.muli %add3A_153, %mul3A_154 : i32
        %add3A_156 = arith.addi %mul3A_2, %mul3A_155 : i32
        %dma_start3A_157 = tpu.memref_slice %arg4[%add3A_156] : memref<800000xi32, #tpu.memory_space<hbm>> -> memref<1000xi32, #tpu.memory_space<hbm>>
        %dma_start3A_158 = tpu.memref_slice %arg4[%add3A_156] : memref<800000xi32, #tpu.memory_space<hbm>> -> memref<1000xi32, #tpu.memory_space<hbm>>
        tpu.enqueue_dma source(%dma_start3A_158 : memref<1000xi32, #tpu.memory_space<hbm>>) target(%arg8 : memref<1000xi32, #tpu.memory_space<vmem>>) target_semaphore(%arg18 : memref<!tpu.dma_semaphore, #tpu.memory_space<semaphore_mem>>)
        %dma_start3A_159 = tpu.memref_slice %arg5[%add3A_156] : memref<800000xi32, #tpu.memory_space<hbm>> -> memref<1000xi32, #tpu.memory_space<hbm>>
        %dma_start3A_160 = tpu.memref_slice %arg5[%add3A_156] : memref<800000xi32, #tpu.memory_space<hbm>> -> memref<1000xi32, #tpu.memory_space<hbm>>
        tpu.enqueue_dma source(%dma_start3A_160 : memref<1000xi32, #tpu.memory_space<hbm>>) target(%arg10 : memref<1000xi32, #tpu.memory_space<vmem>>) target_semaphore(%arg18 : memref<!tpu.dma_semaphore, #tpu.memory_space<semaphore_mem>>)
      } else {
      }
      %dma_wait3A_116 = tpu.memref_slice %arg4[%mul3A_2] : memref<800000xi32, #tpu.memory_space<hbm>> -> memref<1000xi32, #tpu.memory_space<hbm>>
      %dma_wait3A_117 = tpu.memref_slice %arg4[%mul3A_2] : memref<800000xi32, #tpu.memory_space<hbm>> -> memref<1000xi32, #tpu.memory_space<hbm>>
      tpu.wait_dma2 semaphore(%arg17 : memref<!tpu.dma_semaphore, #tpu.memory_space<semaphore_mem>>) src(%dma_wait3A_117 : memref<1000xi32, #tpu.memory_space<hbm>>) dst(%arg7 : memref<1000xi32, #tpu.memory_space<vmem>>)
      %dma_wait3A_118 = tpu.memref_slice %arg5[%mul3A_2] : memref<800000xi32, #tpu.memory_space<hbm>> -> memref<1000xi32, #tpu.memory_space<hbm>>
      %dma_wait3A_119 = tpu.memref_slice %arg5[%mul3A_2] : memref<800000xi32, #tpu.memory_space<hbm>> -> memref<1000xi32, #tpu.memory_space<hbm>>
      tpu.wait_dma2 semaphore(%arg17 : memref<!tpu.dma_semaphore, #tpu.memory_space<semaphore_mem>>) src(%dma_wait3A_119 : memref<1000xi32, #tpu.memory_space<hbm>>) dst(%arg9 : memref<1000xi32, #tpu.memory_space<vmem>>)
      %dma_start3A_120 = arith.constant 0 : i32
      %dma_start3A_121 = arith.constant 0 : i32
      %dma_start3A_122 = tpu.memref_slice %arg3[%dma_start3A_120, %dma_start3A_121] : memref<50000x16xf32, #tpu.memory_space<hbm>> -> memref<50000x16xf32, #tpu.memory_space<hbm>>
      tpu.enqueue_indirect_dma source(%dma_start3A_122 : memref<50000x16xf32, #tpu.memory_space<hbm>>) target(%arg13 : memref<1000x16xf32, #tpu.memory_space<vmem>>) offsets(%arg7 : memref<1000xi32, #tpu.memory_space<vmem>>) semaphore(%arg19 : memref<!tpu.dma_semaphore, #tpu.memory_space<semaphore_mem>>)
      %dma_start3A_123 = arith.constant 0 : i32
      %dma_start3A_124 = arith.constant 0 : i32
      %dma_start3A_125 = tpu.memref_slice %arg2[%dma_start3A_123, %dma_start3A_124] : memref<50000x16xf32, #tpu.memory_space<hbm>> -> memref<50000x16xf32, #tpu.memory_space<hbm>>
      tpu.enqueue_indirect_dma source(%dma_start3A_125 : memref<50000x16xf32, #tpu.memory_space<hbm>>) target(%arg11 : memref<1000x16xf32, #tpu.memory_space<vmem>>) offsets(%arg9 : memref<1000xi32, #tpu.memory_space<vmem>>) semaphore(%arg19 : memref<!tpu.dma_semaphore, #tpu.memory_space<semaphore_mem>>)
      %eq3A_126 = arith.constant 0 : i32
      %eq3A_127 = arith.cmpi eq, %scan3A_57, %eq3A_126 : i32
      %mul3A_128 = arith.constant 2 : i32
      %mul3A_129 = arith.muli %mul3A_128, %scan3A_57 : i32
      %add3A_130 = arith.constant 1 : i32
      %add3A_131 = arith.addi %mul3A_129, %add3A_130 : i32
      %not3A_132 = arith.constant true
      %not3A_133 = arith.xori %eq3A_127, %not3A_132 : i1
      %convert_element_type3A_134 = arith.extui %not3A_133 : i1 to i32
      %cond3A_135 = arith.constant 0 : i32
      %cond3A_136 = arith.cmpi ne, %convert_element_type3A_134, %cond3A_135 : i32
      scf.if %cond3A_136 {
        %dma_wait3A_150 = arith.constant 0 : i32
        %dma_wait3A_151 = tpu.memref_slice %arg6[%mul3A_2, %dma_wait3A_150] : memref<800000x16xf32, #tpu.memory_space<hbm>> -> memref<1000x16xf32, #tpu.memory_space<hbm>>
        %dma_wait3A_152 = arith.constant 0 : i32
        %dma_wait3A_153 = tpu.memref_slice %arg6[%mul3A_2, %dma_wait3A_152] : memref<800000x16xf32, #tpu.memory_space<hbm>> -> memref<1000x16xf32, #tpu.memory_space<hbm>>
        tpu.wait_dma2 semaphore(%arg22 : memref<!tpu.dma_semaphore, #tpu.memory_space<semaphore_mem>>) src(%arg16 : memref<1000x16xf32, #tpu.memory_space<vmem>>) dst(%dma_wait3A_153 : memref<1000x16xf32, #tpu.memory_space<hbm>>)
      } else {
      }
      %scan3A_137 = arith.constant 0 : i32
      %scan3A_138 = arith.constant 0 : i32
      %scan3A_139 = arith.constant 125 : i32
      %scan3A_140 = arith.addi %scan3A_138, %scan3A_139 : i32
      %scan3A_141 = arith.constant 1 : i32
      scf.for %scan3A_150 = %scan3A_138 to %scan3A_140 step %scan3A_141  : i32 {
        %mul3A_151 = arith.constant 8 : i32
        %mul3A_152 = arith.muli %scan3A_150, %mul3A_151 : i32
        %add3A_153 = arith.constant 0 : i32
        %add3A_154 = arith.addi %mul3A_152, %add3A_153 : i32
        %get3A = arith.index_cast %add3A_154 : i32 to index
        %get3A_155 = arith.constant 0 : index
        %get3A_156 = tpu.vector_load %arg12[%get3A, %get3A_155] {strides = array<i32>} : memref<1000x16xf32, #tpu.memory_space<vmem>>, vector<1x16xf32>,
        %get3A_157 = vector.shape_cast %get3A_156 : vector<1x16xf32> to vector<16xf32>
        %add3A_158 = arith.constant 0 : i32
        %add3A_159 = arith.addi %mul3A_152, %add3A_158 : i32
        %get3A_160 = arith.index_cast %add3A_159 : i32 to index
        %get3A_161 = arith.constant 0 : index
        %get3A_162 = tpu.vector_load %arg14[%get3A_160, %get3A_161] {strides = array<i32>} : memref<1000x16xf32, #tpu.memory_space<vmem>>, vector<1x16xf32>,
        %get3A_163 = vector.shape_cast %get3A_162 : vector<1x16xf32> to vector<16xf32>
        %mul3A_164 = arith.mulf %get3A_157, %get3A_163 : vector<16xf32>
        %add3A_165 = arith.constant 0 : i32
        %add3A_166 = arith.addi %mul3A_152, %add3A_165 : i32
        %swap3A = arith.index_cast %add3A_166 : i32 to index
        %swap3A_167 = arith.constant 0 : index
        %swap3A_168 = tpu.vector_load %arg16[%swap3A, %swap3A_167] {strides = array<i32>} : memref<1000x16xf32, #tpu.memory_space<vmem>>, vector<1x16xf32>,
        %swap3A_169 = vector.shape_cast %swap3A_168 : vector<1x16xf32> to vector<16xf32>
        %swap3A_170 = vector.shape_cast %mul3A_164 : vector<16xf32> to vector<1x16xf32>
        tpu.vector_store %arg16[%swap3A, %swap3A_167], %swap3A_170 {strides = array<i32>} : memref<1000x16xf32, #tpu.memory_space<vmem>>, vector<1x16xf32>,
        %add3A_171 = arith.constant 1 : i32
        %add3A_172 = arith.addi %mul3A_152, %add3A_171 : i32
        %get3A_173 = arith.index_cast %add3A_172 : i32 to index
        %get3A_174 = arith.constant 0 : index
        %get3A_175 = tpu.vector_load %arg12[%get3A_173, %get3A_174] {strides = array<i32>} : memref<1000x16xf32, #tpu.memory_space<vmem>>, vector<1x16xf32>,
        %get3A_176 = vector.shape_cast %get3A_175 : vector<1x16xf32> to vector<16xf32>
        %add3A_177 = arith.constant 1 : i32
        %add3A_178 = arith.addi %mul3A_152, %add3A_177 : i32
        %get3A_179 = arith.index_cast %add3A_178 : i32 to index
        %get3A_180 = arith.constant 0 : index
        %get3A_181 = tpu.vector_load %arg14[%get3A_179, %get3A_180] {strides = array<i32>} : memref<1000x16xf32, #tpu.memory_space<vmem>>, vector<1x16xf32>,
        %get3A_182 = vector.shape_cast %get3A_181 : vector<1x16xf32> to vector<16xf32>
        %mul3A_183 = arith.mulf %get3A_176, %get3A_182 : vector<16xf32>
        %add3A_184 = arith.constant 1 : i32
        %add3A_185 = arith.addi %mul3A_152, %add3A_184 : i32
        %swap3A_186 = arith.index_cast %add3A_185 : i32 to index
        %swap3A_187 = arith.constant 0 : index
        %swap3A_188 = tpu.vector_load %arg16[%swap3A_186, %swap3A_187] {strides = array<i32>} : memref<1000x16xf32, #tpu.memory_space<vmem>>, vector<1x16xf32>,
        %swap3A_189 = vector.shape_cast %swap3A_188 : vector<1x16xf32> to vector<16xf32>
        %swap3A_190 = vector.shape_cast %mul3A_183 : vector<16xf32> to vector<1x16xf32>
        tpu.vector_store %arg16[%swap3A_186, %swap3A_187], %swap3A_190 {strides = array<i32>} : memref<1000x16xf32, #tpu.memory_space<vmem>>, vector<1x16xf32>,
        %add3A_191 = arith.constant 2 : i32
        %add3A_192 = arith.addi %mul3A_152, %add3A_191 : i32
        %get3A_193 = arith.index_cast %add3A_192 : i32 to index
        %get3A_194 = arith.constant 0 : index
        %get3A_195 = tpu.vector_load %arg12[%get3A_193, %get3A_194] {strides = array<i32>} : memref<1000x16xf32, #tpu.memory_space<vmem>>, vector<1x16xf32>,
        %get3A_196 = vector.shape_cast %get3A_195 : vector<1x16xf32> to vector<16xf32>
        %add3A_197 = arith.constant 2 : i32
        %add3A_198 = arith.addi %mul3A_152, %add3A_197 : i32
        %get3A_199 = arith.index_cast %add3A_198 : i32 to index
        %get3A_200 = arith.constant 0 : index
        %get3A_201 = tpu.vector_load %arg14[%get3A_199, %get3A_200] {strides = array<i32>} : memref<1000x16xf32, #tpu.memory_space<vmem>>, vector<1x16xf32>,
        %get3A_202 = vector.shape_cast %get3A_201 : vector<1x16xf32> to vector<16xf32>
        %mul3A_203 = arith.mulf %get3A_196, %get3A_202 : vector<16xf32>
        %add3A_204 = arith.constant 2 : i32
        %add3A_205 = arith.addi %mul3A_152, %add3A_204 : i32
        %swap3A_206 = arith.index_cast %add3A_205 : i32 to index
        %swap3A_207 = arith.constant 0 : index
        %swap3A_208 = tpu.vector_load %arg16[%swap3A_206, %swap3A_207] {strides = array<i32>} : memref<1000x16xf32, #tpu.memory_space<vmem>>, vector<1x16xf32>,
        %swap3A_209 = vector.shape_cast %swap3A_208 : vector<1x16xf32> to vector<16xf32>
        %swap3A_210 = vector.shape_cast %mul3A_203 : vector<16xf32> to vector<1x16xf32>
        tpu.vector_store %arg16[%swap3A_206, %swap3A_207], %swap3A_210 {strides = array<i32>} : memref<1000x16xf32, #tpu.memory_space<vmem>>, vector<1x16xf32>,
        %add3A_211 = arith.constant 3 : i32
        %add3A_212 = arith.addi %mul3A_152, %add3A_211 : i32
        %get3A_213 = arith.index_cast %add3A_212 : i32 to index
        %get3A_214 = arith.constant 0 : index
        %get3A_215 = tpu.vector_load %arg12[%get3A_213, %get3A_214] {strides = array<i32>} : memref<1000x16xf32, #tpu.memory_space<vmem>>, vector<1x16xf32>,
        %get3A_216 = vector.shape_cast %get3A_215 : vector<1x16xf32> to vector<16xf32>
        %add3A_217 = arith.constant 3 : i32
        %add3A_218 = arith.addi %mul3A_152, %add3A_217 : i32
        %get3A_219 = arith.index_cast %add3A_218 : i32 to index
        %get3A_220 = arith.constant 0 : index
        %get3A_221 = tpu.vector_load %arg14[%get3A_219, %get3A_220] {strides = array<i32>} : memref<1000x16xf32, #tpu.memory_space<vmem>>, vector<1x16xf32>,
        %get3A_222 = vector.shape_cast %get3A_221 : vector<1x16xf32> to vector<16xf32>
        %mul3A_223 = arith.mulf %get3A_216, %get3A_222 : vector<16xf32>
        %add3A_224 = arith.constant 3 : i32
        %add3A_225 = arith.addi %mul3A_152, %add3A_224 : i32
        %swap3A_226 = arith.index_cast %add3A_225 : i32 to index
        %swap3A_227 = arith.constant 0 : index
        %swap3A_228 = tpu.vector_load %arg16[%swap3A_226, %swap3A_227] {strides = array<i32>} : memref<1000x16xf32, #tpu.memory_space<vmem>>, vector<1x16xf32>,
        %swap3A_229 = vector.shape_cast %swap3A_228 : vector<1x16xf32> to vector<16xf32>
        %swap3A_230 = vector.shape_cast %mul3A_223 : vector<16xf32> to vector<1x16xf32>
        tpu.vector_store %arg16[%swap3A_226, %swap3A_227], %swap3A_230 {strides = array<i32>} : memref<1000x16xf32, #tpu.memory_space<vmem>>, vector<1x16xf32>,
        %add3A_231 = arith.constant 4 : i32
        %add3A_232 = arith.addi %mul3A_152, %add3A_231 : i32
        %get3A_233 = arith.index_cast %add3A_232 : i32 to index
        %get3A_234 = arith.constant 0 : index
        %get3A_235 = tpu.vector_load %arg12[%get3A_233, %get3A_234] {strides = array<i32>} : memref<1000x16xf32, #tpu.memory_space<vmem>>, vector<1x16xf32>,
        %get3A_236 = vector.shape_cast %get3A_235 : vector<1x16xf32> to vector<16xf32>
        %add3A_237 = arith.constant 4 : i32
        %add3A_238 = arith.addi %mul3A_152, %add3A_237 : i32
        %get3A_239 = arith.index_cast %add3A_238 : i32 to index
        %get3A_240 = arith.constant 0 : index
        %get3A_241 = tpu.vector_load %arg14[%get3A_239, %get3A_240] {strides = array<i32>} : memref<1000x16xf32, #tpu.memory_space<vmem>>, vector<1x16xf32>,
        %get3A_242 = vector.shape_cast %get3A_241 : vector<1x16xf32> to vector<16xf32>
        %mul3A_243 = arith.mulf %get3A_236, %get3A_242 : vector<16xf32>
        %add3A_244 = arith.constant 4 : i32
        %add3A_245 = arith.addi %mul3A_152, %add3A_244 : i32
        %swap3A_246 = arith.index_cast %add3A_245 : i32 to index
        %swap3A_247 = arith.constant 0 : index
        %swap3A_248 = tpu.vector_load %arg16[%swap3A_246, %swap3A_247] {strides = array<i32>} : memref<1000x16xf32, #tpu.memory_space<vmem>>, vector<1x16xf32>,
        %swap3A_249 = vector.shape_cast %swap3A_248 : vector<1x16xf32> to vector<16xf32>
        %swap3A_250 = vector.shape_cast %mul3A_243 : vector<16xf32> to vector<1x16xf32>
        tpu.vector_store %arg16[%swap3A_246, %swap3A_247], %swap3A_250 {strides = array<i32>} : memref<1000x16xf32, #tpu.memory_space<vmem>>, vector<1x16xf32>,
        %add3A_251 = arith.constant 5 : i32
        %add3A_252 = arith.addi %mul3A_152, %add3A_251 : i32
        %get3A_253 = arith.index_cast %add3A_252 : i32 to index
        %get3A_254 = arith.constant 0 : index
        %get3A_255 = tpu.vector_load %arg12[%get3A_253, %get3A_254] {strides = array<i32>} : memref<1000x16xf32, #tpu.memory_space<vmem>>, vector<1x16xf32>,
        %get3A_256 = vector.shape_cast %get3A_255 : vector<1x16xf32> to vector<16xf32>
        %add3A_257 = arith.constant 5 : i32
        %add3A_258 = arith.addi %mul3A_152, %add3A_257 : i32
        %get3A_259 = arith.index_cast %add3A_258 : i32 to index
        %get3A_260 = arith.constant 0 : index
        %get3A_261 = tpu.vector_load %arg14[%get3A_259, %get3A_260] {strides = array<i32>} : memref<1000x16xf32, #tpu.memory_space<vmem>>, vector<1x16xf32>,
        %get3A_262 = vector.shape_cast %get3A_261 : vector<1x16xf32> to vector<16xf32>
        %mul3A_263 = arith.mulf %get3A_256, %get3A_262 : vector<16xf32>
        %add3A_264 = arith.constant 5 : i32
        %add3A_265 = arith.addi %mul3A_152, %add3A_264 : i32
        %swap3A_266 = arith.index_cast %add3A_265 : i32 to index
        %swap3A_267 = arith.constant 0 : index
        %swap3A_268 = tpu.vector_load %arg16[%swap3A_266, %swap3A_267] {strides = array<i32>} : memref<1000x16xf32, #tpu.memory_space<vmem>>, vector<1x16xf32>,
        %swap3A_269 = vector.shape_cast %swap3A_268 : vector<1x16xf32> to vector<16xf32>
        %swap3A_270 = vector.shape_cast %mul3A_263 : vector<16xf32> to vector<1x16xf32>
        tpu.vector_store %arg16[%swap3A_266, %swap3A_267], %swap3A_270 {strides = array<i32>} : memref<1000x16xf32, #tpu.memory_space<vmem>>, vector<1x16xf32>,
        %add3A_271 = arith.constant 6 : i32
        %add3A_272 = arith.addi %mul3A_152, %add3A_271 : i32
        %get3A_273 = arith.index_cast %add3A_272 : i32 to index
        %get3A_274 = arith.constant 0 : index
        %get3A_275 = tpu.vector_load %arg12[%get3A_273, %get3A_274] {strides = array<i32>} : memref<1000x16xf32, #tpu.memory_space<vmem>>, vector<1x16xf32>,
        %get3A_276 = vector.shape_cast %get3A_275 : vector<1x16xf32> to vector<16xf32>
        %add3A_277 = arith.constant 6 : i32
        %add3A_278 = arith.addi %mul3A_152, %add3A_277 : i32
        %get3A_279 = arith.index_cast %add3A_278 : i32 to index
        %get3A_280 = arith.constant 0 : index
        %get3A_281 = tpu.vector_load %arg14[%get3A_279, %get3A_280] {strides = array<i32>} : memref<1000x16xf32, #tpu.memory_space<vmem>>, vector<1x16xf32>,
        %get3A_282 = vector.shape_cast %get3A_281 : vector<1x16xf32> to vector<16xf32>
        %mul3A_283 = arith.mulf %get3A_276, %get3A_282 : vector<16xf32>
        %add3A_284 = arith.constant 6 : i32
        %add3A_285 = arith.addi %mul3A_152, %add3A_284 : i32
        %swap3A_286 = arith.index_cast %add3A_285 : i32 to index
        %swap3A_287 = arith.constant 0 : index
        %swap3A_288 = tpu.vector_load %arg16[%swap3A_286, %swap3A_287] {strides = array<i32>} : memref<1000x16xf32, #tpu.memory_space<vmem>>, vector<1x16xf32>,
        %swap3A_289 = vector.shape_cast %swap3A_288 : vector<1x16xf32> to vector<16xf32>
        %swap3A_290 = vector.shape_cast %mul3A_283 : vector<16xf32> to vector<1x16xf32>
        tpu.vector_store %arg16[%swap3A_286, %swap3A_287], %swap3A_290 {strides = array<i32>} : memref<1000x16xf32, #tpu.memory_space<vmem>>, vector<1x16xf32>,
        %add3A_291 = arith.constant 7 : i32
        %add3A_292 = arith.addi %mul3A_152, %add3A_291 : i32
        %get3A_293 = arith.index_cast %add3A_292 : i32 to index
        %get3A_294 = arith.constant 0 : index
        %get3A_295 = tpu.vector_load %arg12[%get3A_293, %get3A_294] {strides = array<i32>} : memref<1000x16xf32, #tpu.memory_space<vmem>>, vector<1x16xf32>,
        %get3A_296 = vector.shape_cast %get3A_295 : vector<1x16xf32> to vector<16xf32>
        %add3A_297 = arith.constant 7 : i32
        %add3A_298 = arith.addi %mul3A_152, %add3A_297 : i32
        %get3A_299 = arith.index_cast %add3A_298 : i32 to index
        %get3A_300 = arith.constant 0 : index
        %get3A_301 = tpu.vector_load %arg14[%get3A_299, %get3A_300] {strides = array<i32>} : memref<1000x16xf32, #tpu.memory_space<vmem>>, vector<1x16xf32>,
        %get3A_302 = vector.shape_cast %get3A_301 : vector<1x16xf32> to vector<16xf32>
        %mul3A_303 = arith.mulf %get3A_296, %get3A_302 : vector<16xf32>
        %add3A_304 = arith.constant 7 : i32
        %add3A_305 = arith.addi %mul3A_152, %add3A_304 : i32
        %swap3A_306 = arith.index_cast %add3A_305 : i32 to index
        %swap3A_307 = arith.constant 0 : index
        %swap3A_308 = tpu.vector_load %arg16[%swap3A_306, %swap3A_307] {strides = array<i32>} : memref<1000x16xf32, #tpu.memory_space<vmem>>, vector<1x16xf32>,
        %swap3A_309 = vector.shape_cast %swap3A_308 : vector<1x16xf32> to vector<16xf32>
        %swap3A_310 = vector.shape_cast %mul3A_303 : vector<16xf32> to vector<1x16xf32>
        tpu.vector_store %arg16[%swap3A_306, %swap3A_307], %swap3A_310 {strides = array<i32>} : memref<1000x16xf32, #tpu.memory_space<vmem>>, vector<1x16xf32>,
      }
      %scan3A_142 = arith.constant 125 : i32
      %mul3A_143 = arith.constant 1000 : i32
      %mul3A_144 = arith.muli %add3A_131, %mul3A_143 : i32
      %add3A_145 = arith.addi %mul3A_2, %mul3A_144 : i32
      %dma_start3A_146 = arith.constant 0 : i32
      %dma_start3A_147 = tpu.memref_slice %arg6[%add3A_145, %dma_start3A_146] : memref<800000x16xf32, #tpu.memory_space<hbm>> -> memref<1000x16xf32, #tpu.memory_space<hbm>>
      %dma_start3A_148 = arith.constant 0 : i32
      %dma_start3A_149 = tpu.memref_slice %arg6[%add3A_145, %dma_start3A_148] : memref<800000x16xf32, #tpu.memory_space<hbm>> -> memref<1000x16xf32, #tpu.memory_space<hbm>>
      tpu.enqueue_dma source(%arg16 : memref<1000x16xf32, #tpu.memory_space<vmem>>) target(%dma_start3A_149 : memref<1000x16xf32, #tpu.memory_space<hbm>>) target_semaphore(%arg22 : memref<!tpu.dma_semaphore, #tpu.memory_space<semaphore_mem>>)
    }
    %scan3A_27 = arith.constant 12 : i32
    %dma_wait3A_28 = arith.constant 0 : i32
    %dma_wait3A_29 = arith.constant 0 : i32
    %dma_wait3A_30 = tpu.memref_slice %arg3[%dma_wait3A_28, %dma_wait3A_29] : memref<50000x16xf32, #tpu.memory_space<hbm>> -> memref<50000x16xf32, #tpu.memory_space<hbm>>
    tpu.wait_indirect_dma semaphore(%arg19 : memref<!tpu.dma_semaphore, #tpu.memory_space<semaphore_mem>>) src(%dma_wait3A_30 : memref<50000x16xf32, #tpu.memory_space<hbm>>) dst(%arg13 : memref<1000x16xf32, #tpu.memory_space<vmem>>)
    %dma_wait3A_31 = arith.constant 0 : i32
    %dma_wait3A_32 = arith.constant 0 : i32
    %dma_wait3A_33 = tpu.memref_slice %arg2[%dma_wait3A_31, %dma_wait3A_32] : memref<50000x16xf32, #tpu.memory_space<hbm>> -> memref<50000x16xf32, #tpu.memory_space<hbm>>
    tpu.wait_indirect_dma semaphore(%arg19 : memref<!tpu.dma_semaphore, #tpu.memory_space<semaphore_mem>>) src(%dma_wait3A_33 : memref<50000x16xf32, #tpu.memory_space<hbm>>) dst(%arg11 : memref<1000x16xf32, #tpu.memory_space<vmem>>)
    %not3A = arith.constant false
    %not3A_34 = arith.constant true
    %not3A_35 = arith.xori %not3A, %not3A_34 : i1
    %convert_element_type3A = arith.extui %not3A_35 : i1 to i32
    %cond3A = arith.constant 0 : i32
    %cond3A_36 = arith.cmpi ne, %convert_element_type3A, %cond3A : i32
    scf.if %cond3A_36 {
      %dma_wait3A_57 = arith.constant 0 : i32
      %dma_wait3A_58 = tpu.memref_slice %arg6[%mul3A_2, %dma_wait3A_57] : memref<800000x16xf32, #tpu.memory_space<hbm>> -> memref<1000x16xf32, #tpu.memory_space<hbm>>
      %dma_wait3A_59 = arith.constant 0 : i32
      %dma_wait3A_60 = tpu.memref_slice %arg6[%mul3A_2, %dma_wait3A_59] : memref<800000x16xf32, #tpu.memory_space<hbm>> -> memref<1000x16xf32, #tpu.memory_space<hbm>>
      tpu.wait_dma2 semaphore(%arg21 : memref<!tpu.dma_semaphore, #tpu.memory_space<semaphore_mem>>) src(%arg15 : memref<1000x16xf32, #tpu.memory_space<vmem>>) dst(%dma_wait3A_60 : memref<1000x16xf32, #tpu.memory_space<hbm>>)
    } else {
    }
    %scan3A_37 = arith.constant 0 : i32
    %scan3A_38 = arith.constant 0 : i32
    %scan3A_39 = arith.constant 125 : i32
    %scan3A_40 = arith.addi %scan3A_38, %scan3A_39 : i32
    %scan3A_41 = arith.constant 1 : i32
    scf.for %scan3A_57 = %scan3A_38 to %scan3A_40 step %scan3A_41  : i32 {
      %mul3A_58 = arith.constant 8 : i32
      %mul3A_59 = arith.muli %scan3A_57, %mul3A_58 : i32
      %add3A_60 = arith.constant 0 : i32
      %add3A_61 = arith.addi %mul3A_59, %add3A_60 : i32
      %get3A = arith.index_cast %add3A_61 : i32 to index
      %get3A_62 = arith.constant 0 : index
      %get3A_63 = tpu.vector_load %arg11[%get3A, %get3A_62] {strides = array<i32>} : memref<1000x16xf32, #tpu.memory_space<vmem>>, vector<1x16xf32>,
      %get3A_64 = vector.shape_cast %get3A_63 : vector<1x16xf32> to vector<16xf32>
      %add3A_65 = arith.constant 0 : i32
      %add3A_66 = arith.addi %mul3A_59, %add3A_65 : i32
      %get3A_67 = arith.index_cast %add3A_66 : i32 to index
      %get3A_68 = arith.constant 0 : index
      %get3A_69 = tpu.vector_load %arg13[%get3A_67, %get3A_68] {strides = array<i32>} : memref<1000x16xf32, #tpu.memory_space<vmem>>, vector<1x16xf32>,
      %get3A_70 = vector.shape_cast %get3A_69 : vector<1x16xf32> to vector<16xf32>
      %mul3A_71 = arith.mulf %get3A_64, %get3A_70 : vector<16xf32>
      %add3A_72 = arith.constant 0 : i32
      %add3A_73 = arith.addi %mul3A_59, %add3A_72 : i32
      %swap3A = arith.index_cast %add3A_73 : i32 to index
      %swap3A_74 = arith.constant 0 : index
      %swap3A_75 = tpu.vector_load %arg15[%swap3A, %swap3A_74] {strides = array<i32>} : memref<1000x16xf32, #tpu.memory_space<vmem>>, vector<1x16xf32>,
      %swap3A_76 = vector.shape_cast %swap3A_75 : vector<1x16xf32> to vector<16xf32>
      %swap3A_77 = vector.shape_cast %mul3A_71 : vector<16xf32> to vector<1x16xf32>
      tpu.vector_store %arg15[%swap3A, %swap3A_74], %swap3A_77 {strides = array<i32>} : memref<1000x16xf32, #tpu.memory_space<vmem>>, vector<1x16xf32>,
      %add3A_78 = arith.constant 1 : i32
      %add3A_79 = arith.addi %mul3A_59, %add3A_78 : i32
      %get3A_80 = arith.index_cast %add3A_79 : i32 to index
      %get3A_81 = arith.constant 0 : index
      %get3A_82 = tpu.vector_load %arg11[%get3A_80, %get3A_81] {strides = array<i32>} : memref<1000x16xf32, #tpu.memory_space<vmem>>, vector<1x16xf32>,
      %get3A_83 = vector.shape_cast %get3A_82 : vector<1x16xf32> to vector<16xf32>
      %add3A_84 = arith.constant 1 : i32
      %add3A_85 = arith.addi %mul3A_59, %add3A_84 : i32
      %get3A_86 = arith.index_cast %add3A_85 : i32 to index
      %get3A_87 = arith.constant 0 : index
      %get3A_88 = tpu.vector_load %arg13[%get3A_86, %get3A_87] {strides = array<i32>} : memref<1000x16xf32, #tpu.memory_space<vmem>>, vector<1x16xf32>,
      %get3A_89 = vector.shape_cast %get3A_88 : vector<1x16xf32> to vector<16xf32>
      %mul3A_90 = arith.mulf %get3A_83, %get3A_89 : vector<16xf32>
      %add3A_91 = arith.constant 1 : i32
      %add3A_92 = arith.addi %mul3A_59, %add3A_91 : i32
      %swap3A_93 = arith.index_cast %add3A_92 : i32 to index
      %swap3A_94 = arith.constant 0 : index
      %swap3A_95 = tpu.vector_load %arg15[%swap3A_93, %swap3A_94] {strides = array<i32>} : memref<1000x16xf32, #tpu.memory_space<vmem>>, vector<1x16xf32>,
      %swap3A_96 = vector.shape_cast %swap3A_95 : vector<1x16xf32> to vector<16xf32>
      %swap3A_97 = vector.shape_cast %mul3A_90 : vector<16xf32> to vector<1x16xf32>
      tpu.vector_store %arg15[%swap3A_93, %swap3A_94], %swap3A_97 {strides = array<i32>} : memref<1000x16xf32, #tpu.memory_space<vmem>>, vector<1x16xf32>,
      %add3A_98 = arith.constant 2 : i32
      %add3A_99 = arith.addi %mul3A_59, %add3A_98 : i32
      %get3A_100 = arith.index_cast %add3A_99 : i32 to index
      %get3A_101 = arith.constant 0 : index
      %get3A_102 = tpu.vector_load %arg11[%get3A_100, %get3A_101] {strides = array<i32>} : memref<1000x16xf32, #tpu.memory_space<vmem>>, vector<1x16xf32>,
      %get3A_103 = vector.shape_cast %get3A_102 : vector<1x16xf32> to vector<16xf32>
      %add3A_104 = arith.constant 2 : i32
      %add3A_105 = arith.addi %mul3A_59, %add3A_104 : i32
      %get3A_106 = arith.index_cast %add3A_105 : i32 to index
      %get3A_107 = arith.constant 0 : index
      %get3A_108 = tpu.vector_load %arg13[%get3A_106, %get3A_107] {strides = array<i32>} : memref<1000x16xf32, #tpu.memory_space<vmem>>, vector<1x16xf32>,
      %get3A_109 = vector.shape_cast %get3A_108 : vector<1x16xf32> to vector<16xf32>
      %mul3A_110 = arith.mulf %get3A_103, %get3A_109 : vector<16xf32>
      %add3A_111 = arith.constant 2 : i32
      %add3A_112 = arith.addi %mul3A_59, %add3A_111 : i32
      %swap3A_113 = arith.index_cast %add3A_112 : i32 to index
      %swap3A_114 = arith.constant 0 : index
      %swap3A_115 = tpu.vector_load %arg15[%swap3A_113, %swap3A_114] {strides = array<i32>} : memref<1000x16xf32, #tpu.memory_space<vmem>>, vector<1x16xf32>,
      %swap3A_116 = vector.shape_cast %swap3A_115 : vector<1x16xf32> to vector<16xf32>
      %swap3A_117 = vector.shape_cast %mul3A_110 : vector<16xf32> to vector<1x16xf32>
      tpu.vector_store %arg15[%swap3A_113, %swap3A_114], %swap3A_117 {strides = array<i32>} : memref<1000x16xf32, #tpu.memory_space<vmem>>, vector<1x16xf32>,
      %add3A_118 = arith.constant 3 : i32
      %add3A_119 = arith.addi %mul3A_59, %add3A_118 : i32
      %get3A_120 = arith.index_cast %add3A_119 : i32 to index
      %get3A_121 = arith.constant 0 : index
      %get3A_122 = tpu.vector_load %arg11[%get3A_120, %get3A_121] {strides = array<i32>} : memref<1000x16xf32, #tpu.memory_space<vmem>>, vector<1x16xf32>,
      %get3A_123 = vector.shape_cast %get3A_122 : vector<1x16xf32> to vector<16xf32>
      %add3A_124 = arith.constant 3 : i32
      %add3A_125 = arith.addi %mul3A_59, %add3A_124 : i32
      %get3A_126 = arith.index_cast %add3A_125 : i32 to index
      %get3A_127 = arith.constant 0 : index
      %get3A_128 = tpu.vector_load %arg13[%get3A_126, %get3A_127] {strides = array<i32>} : memref<1000x16xf32, #tpu.memory_space<vmem>>, vector<1x16xf32>,
      %get3A_129 = vector.shape_cast %get3A_128 : vector<1x16xf32> to vector<16xf32>
      %mul3A_130 = arith.mulf %get3A_123, %get3A_129 : vector<16xf32>
      %add3A_131 = arith.constant 3 : i32
      %add3A_132 = arith.addi %mul3A_59, %add3A_131 : i32
      %swap3A_133 = arith.index_cast %add3A_132 : i32 to index
      %swap3A_134 = arith.constant 0 : index
      %swap3A_135 = tpu.vector_load %arg15[%swap3A_133, %swap3A_134] {strides = array<i32>} : memref<1000x16xf32, #tpu.memory_space<vmem>>, vector<1x16xf32>,
      %swap3A_136 = vector.shape_cast %swap3A_135 : vector<1x16xf32> to vector<16xf32>
      %swap3A_137 = vector.shape_cast %mul3A_130 : vector<16xf32> to vector<1x16xf32>
      tpu.vector_store %arg15[%swap3A_133, %swap3A_134], %swap3A_137 {strides = array<i32>} : memref<1000x16xf32, #tpu.memory_space<vmem>>, vector<1x16xf32>,
      %add3A_138 = arith.constant 4 : i32
      %add3A_139 = arith.addi %mul3A_59, %add3A_138 : i32
      %get3A_140 = arith.index_cast %add3A_139 : i32 to index
      %get3A_141 = arith.constant 0 : index
      %get3A_142 = tpu.vector_load %arg11[%get3A_140, %get3A_141] {strides = array<i32>} : memref<1000x16xf32, #tpu.memory_space<vmem>>, vector<1x16xf32>,
      %get3A_143 = vector.shape_cast %get3A_142 : vector<1x16xf32> to vector<16xf32>
      %add3A_144 = arith.constant 4 : i32
      %add3A_145 = arith.addi %mul3A_59, %add3A_144 : i32
      %get3A_146 = arith.index_cast %add3A_145 : i32 to index
      %get3A_147 = arith.constant 0 : index
      %get3A_148 = tpu.vector_load %arg13[%get3A_146, %get3A_147] {strides = array<i32>} : memref<1000x16xf32, #tpu.memory_space<vmem>>, vector<1x16xf32>,
      %get3A_149 = vector.shape_cast %get3A_148 : vector<1x16xf32> to vector<16xf32>
      %mul3A_150 = arith.mulf %get3A_143, %get3A_149 : vector<16xf32>
      %add3A_151 = arith.constant 4 : i32
      %add3A_152 = arith.addi %mul3A_59, %add3A_151 : i32
      %swap3A_153 = arith.index_cast %add3A_152 : i32 to index
      %swap3A_154 = arith.constant 0 : index
      %swap3A_155 = tpu.vector_load %arg15[%swap3A_153, %swap3A_154] {strides = array<i32>} : memref<1000x16xf32, #tpu.memory_space<vmem>>, vector<1x16xf32>,
      %swap3A_156 = vector.shape_cast %swap3A_155 : vector<1x16xf32> to vector<16xf32>
      %swap3A_157 = vector.shape_cast %mul3A_150 : vector<16xf32> to vector<1x16xf32>
      tpu.vector_store %arg15[%swap3A_153, %swap3A_154], %swap3A_157 {strides = array<i32>} : memref<1000x16xf32, #tpu.memory_space<vmem>>, vector<1x16xf32>,
      %add3A_158 = arith.constant 5 : i32
      %add3A_159 = arith.addi %mul3A_59, %add3A_158 : i32
      %get3A_160 = arith.index_cast %add3A_159 : i32 to index
      %get3A_161 = arith.constant 0 : index
      %get3A_162 = tpu.vector_load %arg11[%get3A_160, %get3A_161] {strides = array<i32>} : memref<1000x16xf32, #tpu.memory_space<vmem>>, vector<1x16xf32>,
      %get3A_163 = vector.shape_cast %get3A_162 : vector<1x16xf32> to vector<16xf32>
      %add3A_164 = arith.constant 5 : i32
      %add3A_165 = arith.addi %mul3A_59, %add3A_164 : i32
      %get3A_166 = arith.index_cast %add3A_165 : i32 to index
      %get3A_167 = arith.constant 0 : index
      %get3A_168 = tpu.vector_load %arg13[%get3A_166, %get3A_167] {strides = array<i32>} : memref<1000x16xf32, #tpu.memory_space<vmem>>, vector<1x16xf32>,
      %get3A_169 = vector.shape_cast %get3A_168 : vector<1x16xf32> to vector<16xf32>
      %mul3A_170 = arith.mulf %get3A_163, %get3A_169 : vector<16xf32>
      %add3A_171 = arith.constant 5 : i32
      %add3A_172 = arith.addi %mul3A_59, %add3A_171 : i32
      %swap3A_173 = arith.index_cast %add3A_172 : i32 to index
      %swap3A_174 = arith.constant 0 : index
      %swap3A_175 = tpu.vector_load %arg15[%swap3A_173, %swap3A_174] {strides = array<i32>} : memref<1000x16xf32, #tpu.memory_space<vmem>>, vector<1x16xf32>,
      %swap3A_176 = vector.shape_cast %swap3A_175 : vector<1x16xf32> to vector<16xf32>
      %swap3A_177 = vector.shape_cast %mul3A_170 : vector<16xf32> to vector<1x16xf32>
      tpu.vector_store %arg15[%swap3A_173, %swap3A_174], %swap3A_177 {strides = array<i32>} : memref<1000x16xf32, #tpu.memory_space<vmem>>, vector<1x16xf32>,
      %add3A_178 = arith.constant 6 : i32
      %add3A_179 = arith.addi %mul3A_59, %add3A_178 : i32
      %get3A_180 = arith.index_cast %add3A_179 : i32 to index
      %get3A_181 = arith.constant 0 : index
      %get3A_182 = tpu.vector_load %arg11[%get3A_180, %get3A_181] {strides = array<i32>} : memref<1000x16xf32, #tpu.memory_space<vmem>>, vector<1x16xf32>,
      %get3A_183 = vector.shape_cast %get3A_182 : vector<1x16xf32> to vector<16xf32>
      %add3A_184 = arith.constant 6 : i32
      %add3A_185 = arith.addi %mul3A_59, %add3A_184 : i32
      %get3A_186 = arith.index_cast %add3A_185 : i32 to index
      %get3A_187 = arith.constant 0 : index
      %get3A_188 = tpu.vector_load %arg13[%get3A_186, %get3A_187] {strides = array<i32>} : memref<1000x16xf32, #tpu.memory_space<vmem>>, vector<1x16xf32>,
      %get3A_189 = vector.shape_cast %get3A_188 : vector<1x16xf32> to vector<16xf32>
      %mul3A_190 = arith.mulf %get3A_183, %get3A_189 : vector<16xf32>
      %add3A_191 = arith.constant 6 : i32
      %add3A_192 = arith.addi %mul3A_59, %add3A_191 : i32
      %swap3A_193 = arith.index_cast %add3A_192 : i32 to index
      %swap3A_194 = arith.constant 0 : index
      %swap3A_195 = tpu.vector_load %arg15[%swap3A_193, %swap3A_194] {strides = array<i32>} : memref<1000x16xf32, #tpu.memory_space<vmem>>, vector<1x16xf32>,
      %swap3A_196 = vector.shape_cast %swap3A_195 : vector<1x16xf32> to vector<16xf32>
      %swap3A_197 = vector.shape_cast %mul3A_190 : vector<16xf32> to vector<1x16xf32>
      tpu.vector_store %arg15[%swap3A_193, %swap3A_194], %swap3A_197 {strides = array<i32>} : memref<1000x16xf32, #tpu.memory_space<vmem>>, vector<1x16xf32>,
      %add3A_198 = arith.constant 7 : i32
      %add3A_199 = arith.addi %mul3A_59, %add3A_198 : i32
      %get3A_200 = arith.index_cast %add3A_199 : i32 to index
      %get3A_201 = arith.constant 0 : index
      %get3A_202 = tpu.vector_load %arg11[%get3A_200, %get3A_201] {strides = array<i32>} : memref<1000x16xf32, #tpu.memory_space<vmem>>, vector<1x16xf32>,
      %get3A_203 = vector.shape_cast %get3A_202 : vector<1x16xf32> to vector<16xf32>
      %add3A_204 = arith.constant 7 : i32
      %add3A_205 = arith.addi %mul3A_59, %add3A_204 : i32
      %get3A_206 = arith.index_cast %add3A_205 : i32 to index
      %get3A_207 = arith.constant 0 : index
      %get3A_208 = tpu.vector_load %arg13[%get3A_206, %get3A_207] {strides = array<i32>} : memref<1000x16xf32, #tpu.memory_space<vmem>>, vector<1x16xf32>,
      %get3A_209 = vector.shape_cast %get3A_208 : vector<1x16xf32> to vector<16xf32>
      %mul3A_210 = arith.mulf %get3A_203, %get3A_209 : vector<16xf32>
      %add3A_211 = arith.constant 7 : i32
      %add3A_212 = arith.addi %mul3A_59, %add3A_211 : i32
      %swap3A_213 = arith.index_cast %add3A_212 : i32 to index
      %swap3A_214 = arith.constant 0 : index
      %swap3A_215 = tpu.vector_load %arg15[%swap3A_213, %swap3A_214] {strides = array<i32>} : memref<1000x16xf32, #tpu.memory_space<vmem>>, vector<1x16xf32>,
      %swap3A_216 = vector.shape_cast %swap3A_215 : vector<1x16xf32> to vector<16xf32>
      %swap3A_217 = vector.shape_cast %mul3A_210 : vector<16xf32> to vector<1x16xf32>
      tpu.vector_store %arg15[%swap3A_213, %swap3A_214], %swap3A_217 {strides = array<i32>} : memref<1000x16xf32, #tpu.memory_space<vmem>>, vector<1x16xf32>,
    }
    %scan3A_42 = arith.constant 125 : i32
    %add3A_43 = arith.constant 24000 : i32
    %add3A_44 = arith.addi %mul3A_2, %add3A_43 : i32
    %dma_start3A_45 = arith.constant 0 : i32
    %dma_start3A_46 = tpu.memref_slice %arg6[%add3A_44, %dma_start3A_45] : memref<800000x16xf32, #tpu.memory_space<hbm>> -> memref<1000x16xf32, #tpu.memory_space<hbm>>
    %dma_start3A_47 = arith.constant 0 : i32
    %dma_start3A_48 = tpu.memref_slice %arg6[%add3A_44, %dma_start3A_47] : memref<800000x16xf32, #tpu.memory_space<hbm>> -> memref<1000x16xf32, #tpu.memory_space<hbm>>
    tpu.enqueue_dma source(%arg15 : memref<1000x16xf32, #tpu.memory_space<vmem>>) target(%dma_start3A_48 : memref<1000x16xf32, #tpu.memory_space<hbm>>) target_semaphore(%arg21 : memref<!tpu.dma_semaphore, #tpu.memory_space<semaphore_mem>>)
    %dma_wait3A_49 = arith.constant 0 : i32
    %dma_wait3A_50 = tpu.memref_slice %arg6[%mul3A_2, %dma_wait3A_49] : memref<800000x16xf32, #tpu.memory_space<hbm>> -> memref<1000x16xf32, #tpu.memory_space<hbm>>
    %dma_wait3A_51 = arith.constant 0 : i32
    %dma_wait3A_52 = tpu.memref_slice %arg6[%mul3A_2, %dma_wait3A_51] : memref<800000x16xf32, #tpu.memory_space<hbm>> -> memref<1000x16xf32, #tpu.memory_space<hbm>>
    tpu.wait_dma2 semaphore(%arg21 : memref<!tpu.dma_semaphore, #tpu.memory_space<semaphore_mem>>) src(%arg15 : memref<1000x16xf32, #tpu.memory_space<vmem>>) dst(%dma_wait3A_52 : memref<1000x16xf32, #tpu.memory_space<hbm>>)
    %dma_wait3A_53 = arith.constant 0 : i32
    %dma_wait3A_54 = tpu.memref_slice %arg6[%mul3A_2, %dma_wait3A_53] : memref<800000x16xf32, #tpu.memory_space<hbm>> -> memref<1000x16xf32, #tpu.memory_space<hbm>>
    %dma_wait3A_55 = arith.constant 0 : i32
    %dma_wait3A_56 = tpu.memref_slice %arg6[%mul3A_2, %dma_wait3A_55] : memref<800000x16xf32, #tpu.memory_space<hbm>> -> memref<1000x16xf32, #tpu.memory_space<hbm>>
    tpu.wait_dma2 semaphore(%arg22 : memref<!tpu.dma_semaphore, #tpu.memory_space<semaphore_mem>>) src(%arg16 : memref<1000x16xf32, #tpu.memory_space<vmem>>) dst(%dma_wait3A_56 : memref<1000x16xf32, #tpu.memory_space<hbm>>)
    return
  }
}

#map = affine_map<(d0, d1) -> (0, 0)>
#map1 = affine_map<(d0, d1) -> (0)>
module attributes {stable_mosaic.version = 14 : i64} {
  func.func @gather_mul(%arg0: i32, %arg1: i32, %arg2: memref<50000x16xf32, #tpu.memory_space<hbm>>, %arg3: memref<50000x16xf32, #tpu.memory_space<hbm>>, %arg4: memref<800000xi32, #tpu.memory_space<hbm>>, %arg5: memref<800000xi32, #tpu.memory_space<hbm>>, %arg6: memref<800000x16xf32, #tpu.memory_space<hbm>>, %arg7: memref<1000xi32, #tpu.memory_space<vmem>>, %arg8: memref<1000xi32, #tpu.memory_space<vmem>>, %arg9: memref<1000xi32, #tpu.memory_space<vmem>>, %arg10: memref<1000xi32, #tpu.memory_space<vmem>>, %arg11: memref<1000x16xf32, #tpu.memory_space<vmem>>, %arg12: memref<1000x16xf32, #tpu.memory_space<vmem>>, %arg13: memref<1000x16xf32, #tpu.memory_space<vmem>>, %arg14: memref<1000x16xf32, #tpu.memory_space<vmem>>, %arg15: memref<1000x16xf32, #tpu.memory_space<vmem>>, %arg16: memref<1000x16xf32, #tpu.memory_space<vmem>>, %arg17: memref<!tpu.dma_semaphore, #tpu.memory_space<semaphore_mem>>, %arg18: memref<!tpu.dma_semaphore, #tpu.memory_space<semaphore_mem>>, %arg19: memref<!tpu.dma_semaphore, #tpu.memory_space<semaphore_mem>>, %arg20: memref<!tpu.dma_semaphore, #tpu.memory_space<semaphore_mem>>, %arg21: memref<!tpu.dma_semaphore, #tpu.memory_space<semaphore_mem>>, %arg22: memref<!tpu.dma_semaphore, #tpu.memory_space<semaphore_mem>>) attributes {dimension_semantics = [#tpu.dimension_semantics<core_parallel>, #tpu.dimension_semantics<subcore_parallel>], iteration_bounds = array<i64: 2, 16>, scalar_prefetch = 0 : i64, scratch_operands = 16 : i64, tpu.core_type = #tpu.core_type<sc_vector_subcore>, window_params = [{transform_indices = #map}, {transform_indices = #map}, {transform_indices = #map1}, {transform_indices = #map1}, {transform_indices = #map}]} {
    %mul3A = arith.constant 2 : i32
    %mul3A_0 = arith.muli %arg1, %mul3A : i32
    %add3A = arith.addi %mul3A_0, %arg0 : i32
    %mul3A_1 = arith.constant 25000 : i32
    %mul3A_2 = arith.muli %add3A, %mul3A_1 : i32
    %add3A_3 = arith.constant 0 : i32
    %add3A_4 = arith.addi %mul3A_2, %add3A_3 : i32
    %dma_start3A = tpu.memref_slice %arg4[%add3A_4] : memref<800000xi32, #tpu.memory_space<hbm>> -> memref<1000xi32, #tpu.memory_space<hbm>>
    %dma_start3A_5 = tpu.memref_slice %arg4[%add3A_4] : memref<800000xi32, #tpu.memory_space<hbm>> -> memref<1000xi32, #tpu.memory_space<hbm>>
    tpu.enqueue_dma source(%dma_start3A_5 : memref<1000xi32, #tpu.memory_space<hbm>>) target(%arg7 : memref<1000xi32, #tpu.memory_space<vmem>>) target_semaphore(%arg17 : memref<!tpu.dma_semaphore, #tpu.memory_space<semaphore_mem>>)
    %dma_start3A_6 = tpu.memref_slice %arg5[%add3A_4] : memref<800000xi32, #tpu.memory_space<hbm>> -> memref<1000xi32, #tpu.memory_space<hbm>>
    %dma_start3A_7 = tpu.memref_slice %arg5[%add3A_4] : memref<800000xi32, #tpu.memory_space<hbm>> -> memref<1000xi32, #tpu.memory_space<hbm>>
    tpu.enqueue_dma source(%dma_start3A_7 : memref<1000xi32, #tpu.memory_space<hbm>>) target(%arg9 : memref<1000xi32, #tpu.memory_space<vmem>>) target_semaphore(%arg17 : memref<!tpu.dma_semaphore, #tpu.memory_space<semaphore_mem>>)
    %dma_wait3A = tpu.memref_slice %arg4[%mul3A_2] : memref<800000xi32, #tpu.memory_space<hbm>> -> memref<1000xi32, #tpu.memory_space<hbm>>
    %dma_wait3A_8 = tpu.memref_slice %arg4[%mul3A_2] : memref<800000xi32, #tpu.memory_space<hbm>> -> memref<1000xi32, #tpu.memory_space<hbm>>
    tpu.wait_dma2 semaphore(%arg17 : memref<!tpu.dma_semaphore, #tpu.memory_space<semaphore_mem>>) src(%dma_wait3A_8 : memref<1000xi32, #tpu.memory_space<hbm>>) dst(%arg7 : memref<1000xi32, #tpu.memory_space<vmem>>)
    %dma_wait3A_9 = tpu.memref_slice %arg5[%mul3A_2] : memref<800000xi32, #tpu.memory_space<hbm>> -> memref<1000xi32, #tpu.memory_space<hbm>>
    %dma_wait3A_10 = tpu.memref_slice %arg5[%mul3A_2] : memref<800000xi32, #tpu.memory_space<hbm>> -> memref<1000xi32, #tpu.memory_space<hbm>>
    tpu.wait_dma2 semaphore(%arg17 : memref<!tpu.dma_semaphore, #tpu.memory_space<semaphore_mem>>) src(%dma_wait3A_10 : memref<1000xi32, #tpu.memory_space<hbm>>) dst(%arg9 : memref<1000xi32, #tpu.memory_space<vmem>>)
    %dma_start3A_11 = arith.constant 0 : i32
    %dma_start3A_12 = arith.constant 0 : i32
    %dma_start3A_13 = tpu.memref_slice %arg3[%dma_start3A_11, %dma_start3A_12] : memref<50000x16xf32, #tpu.memory_space<hbm>> -> memref<50000x16xf32, #tpu.memory_space<hbm>>
    tpu.enqueue_indirect_dma source(%dma_start3A_13 : memref<50000x16xf32, #tpu.memory_space<hbm>>) target(%arg13 : memref<1000x16xf32, #tpu.memory_space<vmem>>) offsets(%arg7 : memref<1000xi32, #tpu.memory_space<vmem>>) semaphore(%arg19 : memref<!tpu.dma_semaphore, #tpu.memory_space<semaphore_mem>>)
    %dma_start3A_14 = arith.constant 0 : i32
    %dma_start3A_15 = arith.constant 0 : i32
    %dma_start3A_16 = tpu.memref_slice %arg2[%dma_start3A_14, %dma_start3A_15] : memref<50000x16xf32, #tpu.memory_space<hbm>> -> memref<50000x16xf32, #tpu.memory_space<hbm>>
    tpu.enqueue_indirect_dma source(%dma_start3A_16 : memref<50000x16xf32, #tpu.memory_space<hbm>>) target(%arg11 : memref<1000x16xf32, #tpu.memory_space<vmem>>) offsets(%arg9 : memref<1000xi32, #tpu.memory_space<vmem>>) semaphore(%arg19 : memref<!tpu.dma_semaphore, #tpu.memory_space<semaphore_mem>>)
    %add3A_17 = arith.constant 1000 : i32
    %add3A_18 = arith.addi %mul3A_2, %add3A_17 : i32
    %dma_start3A_19 = tpu.memref_slice %arg4[%add3A_18] : memref<800000xi32, #tpu.memory_space<hbm>> -> memref<1000xi32, #tpu.memory_space<hbm>>
    %dma_start3A_20 = tpu.memref_slice %arg4[%add3A_18] : memref<800000xi32, #tpu.memory_space<hbm>> -> memref<1000xi32, #tpu.memory_space<hbm>>
    tpu.enqueue_dma source(%dma_start3A_20 : memref<1000xi32, #tpu.memory_space<hbm>>) target(%arg8 : memref<1000xi32, #tpu.memory_space<vmem>>) target_semaphore(%arg18 : memref<!tpu.dma_semaphore, #tpu.memory_space<semaphore_mem>>)
    %dma_start3A_21 = tpu.memref_slice %arg5[%add3A_18] : memref<800000xi32, #tpu.memory_space<hbm>> -> memref<1000xi32, #tpu.memory_space<hbm>>
    %dma_start3A_22 = tpu.memref_slice %arg5[%add3A_18] : memref<800000xi32, #tpu.memory_space<hbm>> -> memref<1000xi32, #tpu.memory_space<hbm>>
    tpu.enqueue_dma source(%dma_start3A_22 : memref<1000xi32, #tpu.memory_space<hbm>>) target(%arg10 : memref<1000xi32, #tpu.memory_space<vmem>>) target_semaphore(%arg18 : memref<!tpu.dma_semaphore, #tpu.memory_space<semaphore_mem>>)
    %scan3A = arith.constant 0 : i32
    %scan3A_23 = arith.constant 0 : i32
    %scan3A_24 = arith.constant 12 : i32
    %scan3A_25 = arith.addi %scan3A_23, %scan3A_24 : i32
    %scan3A_26 = arith.constant 1 : i32
    scf.for %scan3A_57 = %scan3A_23 to %scan3A_25 step %scan3A_26  : i32 {
      %dma_wait3A_58 = arith.constant 0 : i32
      %dma_wait3A_59 = arith.constant 0 : i32
      %dma_wait3A_60 = tpu.memref_slice %arg3[%dma_wait3A_58, %dma_wait3A_59] : memref<50000x16xf32, #tpu.memory_space<hbm>> -> memref<50000x16xf32, #tpu.memory_space<hbm>>
      tpu.wait_indirect_dma semaphore(%arg19 : memref<!tpu.dma_semaphore, #tpu.memory_space<semaphore_mem>>) src(%dma_wait3A_60 : memref<50000x16xf32, #tpu.memory_space<hbm>>) dst(%arg13 : memref<1000x16xf32, #tpu.memory_space<vmem>>)
      %dma_wait3A_61 = arith.constant 0 : i32
      %dma_wait3A_62 = arith.constant 0 : i32
      %dma_wait3A_63 = tpu.memref_slice %arg2[%dma_wait3A_61, %dma_wait3A_62] : memref<50000x16xf32, #tpu.memory_space<hbm>> -> memref<50000x16xf32, #tpu.memory_space<hbm>>
      tpu.wait_indirect_dma semaphore(%arg19 : memref<!tpu.dma_semaphore, #tpu.memory_space<semaphore_mem>>) src(%dma_wait3A_63 : memref<50000x16xf32, #tpu.memory_space<hbm>>) dst(%arg11 : memref<1000x16xf32, #tpu.memory_space<vmem>>)
      %mul3A_64 = arith.constant 2 : i32
      %mul3A_65 = arith.muli %mul3A_64, %scan3A_57 : i32
      %add3A_66 = arith.constant 2 : i32
      %add3A_67 = arith.addi %mul3A_65, %add3A_66 : i32
      %mul3A_68 = arith.constant 1000 : i32
      %mul3A_69 = arith.muli %add3A_67, %mul3A_68 : i32
      %add3A_70 = arith.addi %mul3A_2, %mul3A_69 : i32
      %dma_start3A_71 = tpu.memref_slice %arg4[%add3A_70] : memref<800000xi32, #tpu.memory_space<hbm>> -> memref<1000xi32, #tpu.memory_space<hbm>>
      %dma_start3A_72 = tpu.memref_slice %arg4[%add3A_70] : memref<800000xi32, #tpu.memory_space<hbm>> -> memref<1000xi32, #tpu.memory_space<hbm>>
      tpu.enqueue_dma source(%dma_start3A_72 : memref<1000xi32, #tpu.memory_space<hbm>>) target(%arg7 : memref<1000xi32, #tpu.memory_space<vmem>>) target_semaphore(%arg17 : memref<!tpu.dma_semaphore, #tpu.memory_space<semaphore_mem>>)
      %dma_start3A_73 = tpu.memref_slice %arg5[%add3A_70] : memref<800000xi32, #tpu.memory_space<hbm>> -> memref<1000xi32, #tpu.memory_space<hbm>>
      %dma_start3A_74 = tpu.memref_slice %arg5[%add3A_70] : memref<800000xi32, #tpu.memory_space<hbm>> -> memref<1000xi32, #tpu.memory_space<hbm>>
      tpu.enqueue_dma source(%dma_start3A_74 : memref<1000xi32, #tpu.memory_space<hbm>>) target(%arg9 : memref<1000xi32, #tpu.memory_space<vmem>>) target_semaphore(%arg17 : memref<!tpu.dma_semaphore, #tpu.memory_space<semaphore_mem>>)
      %dma_wait3A_75 = tpu.memref_slice %arg4[%mul3A_2] : memref<800000xi32, #tpu.memory_space<hbm>> -> memref<1000xi32, #tpu.memory_space<hbm>>
      %dma_wait3A_76 = tpu.memref_slice %arg4[%mul3A_2] : memref<800000xi32, #tpu.memory_space<hbm>> -> memref<1000xi32, #tpu.memory_space<hbm>>
      tpu.wait_dma2 semaphore(%arg18 : memref<!tpu.dma_semaphore, #tpu.memory_space<semaphore_mem>>) src(%dma_wait3A_76 : memref<1000xi32, #tpu.memory_space<hbm>>) dst(%arg8 : memref<1000xi32, #tpu.memory_space<vmem>>)
      %dma_wait3A_77 = tpu.memref_slice %arg5[%mul3A_2] : memref<800000xi32, #tpu.memory_space<hbm>> -> memref<1000xi32, #tpu.memory_space<hbm>>
      %dma_wait3A_78 = tpu.memref_slice %arg5[%mul3A_2] : memref<800000xi32, #tpu.memory_space<hbm>> -> memref<1000xi32, #tpu.memory_space<hbm>>
      tpu.wait_dma2 semaphore(%arg18 : memref<!tpu.dma_semaphore, #tpu.memory_space<semaphore_mem>>) src(%dma_wait3A_78 : memref<1000xi32, #tpu.memory_space<hbm>>) dst(%arg10 : memref<1000xi32, #tpu.memory_space<vmem>>)
      %dma_start3A_79 = arith.constant 0 : i32
      %dma_start3A_80 = arith.constant 0 : i32
      %dma_start3A_81 = tpu.memref_slice %arg3[%dma_start3A_79, %dma_start3A_80] : memref<50000x16xf32, #tpu.memory_space<hbm>> -> memref<50000x16xf32, #tpu.memory_space<hbm>>
      tpu.enqueue_indirect_dma source(%dma_start3A_81 : memref<50000x16xf32, #tpu.memory_space<hbm>>) target(%arg14 : memref<1000x16xf32, #tpu.memory_space<vmem>>) offsets(%arg8 : memref<1000xi32, #tpu.memory_space<vmem>>) semaphore(%arg20 : memref<!tpu.dma_semaphore, #tpu.memory_space<semaphore_mem>>)
      %dma_start3A_82 = arith.constant 0 : i32
      %dma_start3A_83 = arith.constant 0 : i32
      %dma_start3A_84 = tpu.memref_slice %arg2[%dma_start3A_82, %dma_start3A_83] : memref<50000x16xf32, #tpu.memory_space<hbm>> -> memref<50000x16xf32, #tpu.memory_space<hbm>>
      tpu.enqueue_indirect_dma source(%dma_start3A_84 : memref<50000x16xf32, #tpu.memory_space<hbm>>) target(%arg12 : memref<1000x16xf32, #tpu.memory_space<vmem>>) offsets(%arg10 : memref<1000xi32, #tpu.memory_space<vmem>>) semaphore(%arg20 : memref<!tpu.dma_semaphore, #tpu.memory_space<semaphore_mem>>)
      %eq3A = arith.constant 0 : i32
      %eq3A_85 = arith.cmpi eq, %scan3A_57, %eq3A : i32
      %mul3A_86 = arith.constant 2 : i32
      %mul3A_87 = arith.muli %mul3A_86, %scan3A_57 : i32
      %not3A_88 = arith.constant true
      %not3A_89 = arith.xori %eq3A_85, %not3A_88 : i1
      %convert_element_type3A_90 = arith.extui %not3A_89 : i1 to i32
      %cond3A_91 = arith.constant 0 : i32
      %cond3A_92 = arith.cmpi ne, %convert_element_type3A_90, %cond3A_91 : i32
      scf.if %cond3A_92 {
        %dma_wait3A_150 = arith.constant 0 : i32
        %dma_wait3A_151 = tpu.memref_slice %arg6[%mul3A_2, %dma_wait3A_150] : memref<800000x16xf32, #tpu.memory_space<hbm>> -> memref<1000x16xf32, #tpu.memory_space<hbm>>
        %dma_wait3A_152 = arith.constant 0 : i32
        %dma_wait3A_153 = tpu.memref_slice %arg6[%mul3A_2, %dma_wait3A_152] : memref<800000x16xf32, #tpu.memory_space<hbm>> -> memref<1000x16xf32, #tpu.memory_space<hbm>>
        tpu.wait_dma2 semaphore(%arg21 : memref<!tpu.dma_semaphore, #tpu.memory_space<semaphore_mem>>) src(%arg15 : memref<1000x16xf32, #tpu.memory_space<vmem>>) dst(%dma_wait3A_153 : memref<1000x16xf32, #tpu.memory_space<hbm>>)
      } else {
      }
      %scan3A_93 = arith.constant 0 : i32
      %scan3A_94 = arith.constant 0 : i32
      %scan3A_95 = arith.constant 125 : i32
      %scan3A_96 = arith.addi %scan3A_94, %scan3A_95 : i32
      %scan3A_97 = arith.constant 1 : i32
      scf.for %scan3A_150 = %scan3A_94 to %scan3A_96 step %scan3A_97  : i32 {
        %mul3A_151 = arith.constant 8 : i32
        %mul3A_152 = arith.muli %scan3A_150, %mul3A_151 : i32
        %add3A_153 = arith.constant 0 : i32
        %add3A_154 = arith.addi %mul3A_152, %add3A_153 : i32
        %get3A = arith.index_cast %add3A_154 : i32 to index
        %get3A_155 = arith.constant 0 : index
        %get3A_156 = tpu.vector_load %arg11[%get3A, %get3A_155] {strides = array<i32>} : memref<1000x16xf32, #tpu.memory_space<vmem>>, vector<1x16xf32>,
        %get3A_157 = vector.shape_cast %get3A_156 : vector<1x16xf32> to vector<16xf32>
        %add3A_158 = arith.constant 0 : i32
        %add3A_159 = arith.addi %mul3A_152, %add3A_158 : i32
        %get3A_160 = arith.index_cast %add3A_159 : i32 to index
        %get3A_161 = arith.constant 0 : index
        %get3A_162 = tpu.vector_load %arg13[%get3A_160, %get3A_161] {strides = array<i32>} : memref<1000x16xf32, #tpu.memory_space<vmem>>, vector<1x16xf32>,
        %get3A_163 = vector.shape_cast %get3A_162 : vector<1x16xf32> to vector<16xf32>
        %mul3A_164 = arith.mulf %get3A_157, %get3A_163 : vector<16xf32>
        %add3A_165 = arith.constant 0 : i32
        %add3A_166 = arith.addi %mul3A_152, %add3A_165 : i32
        %swap3A = arith.index_cast %add3A_166 : i32 to index
        %swap3A_167 = arith.constant 0 : index
        %swap3A_168 = tpu.vector_load %arg15[%swap3A, %swap3A_167] {strides = array<i32>} : memref<1000x16xf32, #tpu.memory_space<vmem>>, vector<1x16xf32>,
        %swap3A_169 = vector.shape_cast %swap3A_168 : vector<1x16xf32> to vector<16xf32>
        %swap3A_170 = vector.shape_cast %mul3A_164 : vector<16xf32> to vector<1x16xf32>
        tpu.vector_store %arg15[%swap3A, %swap3A_167], %swap3A_170 {strides = array<i32>} : memref<1000x16xf32, #tpu.memory_space<vmem>>, vector<1x16xf32>,
        %add3A_171 = arith.constant 1 : i32
        %add3A_172 = arith.addi %mul3A_152, %add3A_171 : i32
        %get3A_173 = arith.index_cast %add3A_172 : i32 to index
        %get3A_174 = arith.constant 0 : index
        %get3A_175 = tpu.vector_load %arg11[%get3A_173, %get3A_174] {strides = array<i32>} : memref<1000x16xf32, #tpu.memory_space<vmem>>, vector<1x16xf32>,
        %get3A_176 = vector.shape_cast %get3A_175 : vector<1x16xf32> to vector<16xf32>
        %add3A_177 = arith.constant 1 : i32
        %add3A_178 = arith.addi %mul3A_152, %add3A_177 : i32
        %get3A_179 = arith.index_cast %add3A_178 : i32 to index
        %get3A_180 = arith.constant 0 : index
        %get3A_181 = tpu.vector_load %arg13[%get3A_179, %get3A_180] {strides = array<i32>} : memref<1000x16xf32, #tpu.memory_space<vmem>>, vector<1x16xf32>,
        %get3A_182 = vector.shape_cast %get3A_181 : vector<1x16xf32> to vector<16xf32>
        %mul3A_183 = arith.mulf %get3A_176, %get3A_182 : vector<16xf32>
        %add3A_184 = arith.constant 1 : i32
        %add3A_185 = arith.addi %mul3A_152, %add3A_184 : i32
        %swap3A_186 = arith.index_cast %add3A_185 : i32 to index
        %swap3A_187 = arith.constant 0 : index
        %swap3A_188 = tpu.vector_load %arg15[%swap3A_186, %swap3A_187] {strides = array<i32>} : memref<1000x16xf32, #tpu.memory_space<vmem>>, vector<1x16xf32>,
        %swap3A_189 = vector.shape_cast %swap3A_188 : vector<1x16xf32> to vector<16xf32>
        %swap3A_190 = vector.shape_cast %mul3A_183 : vector<16xf32> to vector<1x16xf32>
        tpu.vector_store %arg15[%swap3A_186, %swap3A_187], %swap3A_190 {strides = array<i32>} : memref<1000x16xf32, #tpu.memory_space<vmem>>, vector<1x16xf32>,
        %add3A_191 = arith.constant 2 : i32
        %add3A_192 = arith.addi %mul3A_152, %add3A_191 : i32
        %get3A_193 = arith.index_cast %add3A_192 : i32 to index
        %get3A_194 = arith.constant 0 : index
        %get3A_195 = tpu.vector_load %arg11[%get3A_193, %get3A_194] {strides = array<i32>} : memref<1000x16xf32, #tpu.memory_space<vmem>>, vector<1x16xf32>,
        %get3A_196 = vector.shape_cast %get3A_195 : vector<1x16xf32> to vector<16xf32>
        %add3A_197 = arith.constant 2 : i32
        %add3A_198 = arith.addi %mul3A_152, %add3A_197 : i32
        %get3A_199 = arith.index_cast %add3A_198 : i32 to index
        %get3A_200 = arith.constant 0 : index
        %get3A_201 = tpu.vector_load %arg13[%get3A_199, %get3A_200] {strides = array<i32>} : memref<1000x16xf32, #tpu.memory_space<vmem>>, vector<1x16xf32>,
        %get3A_202 = vector.shape_cast %get3A_201 : vector<1x16xf32> to vector<16xf32>
        %mul3A_203 = arith.mulf %get3A_196, %get3A_202 : vector<16xf32>
        %add3A_204 = arith.constant 2 : i32
        %add3A_205 = arith.addi %mul3A_152, %add3A_204 : i32
        %swap3A_206 = arith.index_cast %add3A_205 : i32 to index
        %swap3A_207 = arith.constant 0 : index
        %swap3A_208 = tpu.vector_load %arg15[%swap3A_206, %swap3A_207] {strides = array<i32>} : memref<1000x16xf32, #tpu.memory_space<vmem>>, vector<1x16xf32>,
        %swap3A_209 = vector.shape_cast %swap3A_208 : vector<1x16xf32> to vector<16xf32>
        %swap3A_210 = vector.shape_cast %mul3A_203 : vector<16xf32> to vector<1x16xf32>
        tpu.vector_store %arg15[%swap3A_206, %swap3A_207], %swap3A_210 {strides = array<i32>} : memref<1000x16xf32, #tpu.memory_space<vmem>>, vector<1x16xf32>,
        %add3A_211 = arith.constant 3 : i32
        %add3A_212 = arith.addi %mul3A_152, %add3A_211 : i32
        %get3A_213 = arith.index_cast %add3A_212 : i32 to index
        %get3A_214 = arith.constant 0 : index
        %get3A_215 = tpu.vector_load %arg11[%get3A_213, %get3A_214] {strides = array<i32>} : memref<1000x16xf32, #tpu.memory_space<vmem>>, vector<1x16xf32>,
        %get3A_216 = vector.shape_cast %get3A_215 : vector<1x16xf32> to vector<16xf32>
        %add3A_217 = arith.constant 3 : i32
        %add3A_218 = arith.addi %mul3A_152, %add3A_217 : i32
        %get3A_219 = arith.index_cast %add3A_218 : i32 to index
        %get3A_220 = arith.constant 0 : index
        %get3A_221 = tpu.vector_load %arg13[%get3A_219, %get3A_220] {strides = array<i32>} : memref<1000x16xf32, #tpu.memory_space<vmem>>, vector<1x16xf32>,
        %get3A_222 = vector.shape_cast %get3A_221 : vector<1x16xf32> to vector<16xf32>
        %mul3A_223 = arith.mulf %get3A_216, %get3A_222 : vector<16xf32>
        %add3A_224 = arith.constant 3 : i32
        %add3A_225 = arith.addi %mul3A_152, %add3A_224 : i32
        %swap3A_226 = arith.index_cast %add3A_225 : i32 to index
        %swap3A_227 = arith.constant 0 : index
        %swap3A_228 = tpu.vector_load %arg15[%swap3A_226, %swap3A_227] {strides = array<i32>} : memref<1000x16xf32, #tpu.memory_space<vmem>>, vector<1x16xf32>,
        %swap3A_229 = vector.shape_cast %swap3A_228 : vector<1x16xf32> to vector<16xf32>
        %swap3A_230 = vector.shape_cast %mul3A_223 : vector<16xf32> to vector<1x16xf32>
        tpu.vector_store %arg15[%swap3A_226, %swap3A_227], %swap3A_230 {strides = array<i32>} : memref<1000x16xf32, #tpu.memory_space<vmem>>, vector<1x16xf32>,
        %add3A_231 = arith.constant 4 : i32
        %add3A_232 = arith.addi %mul3A_152, %add3A_231 : i32
        %get3A_233 = arith.index_cast %add3A_232 : i32 to index
        %get3A_234 = arith.constant 0 : index
        %get3A_235 = tpu.vector_load %arg11[%get3A_233, %get3A_234] {strides = array<i32>} : memref<1000x16xf32, #tpu.memory_space<vmem>>, vector<1x16xf32>,
        %get3A_236 = vector.shape_cast %get3A_235 : vector<1x16xf32> to vector<16xf32>
        %add3A_237 = arith.constant 4 : i32
        %add3A_238 = arith.addi %mul3A_152, %add3A_237 : i32
        %get3A_239 = arith.index_cast %add3A_238 : i32 to index
        %get3A_240 = arith.constant 0 : index
        %get3A_241 = tpu.vector_load %arg13[%get3A_239, %get3A_240] {strides = array<i32>} : memref<1000x16xf32, #tpu.memory_space<vmem>>, vector<1x16xf32>,
        %get3A_242 = vector.shape_cast %get3A_241 : vector<1x16xf32> to vector<16xf32>
        %mul3A_243 = arith.mulf %get3A_236, %get3A_242 : vector<16xf32>
        %add3A_244 = arith.constant 4 : i32
        %add3A_245 = arith.addi %mul3A_152, %add3A_244 : i32
        %swap3A_246 = arith.index_cast %add3A_245 : i32 to index
        %swap3A_247 = arith.constant 0 : index
        %swap3A_248 = tpu.vector_load %arg15[%swap3A_246, %swap3A_247] {strides = array<i32>} : memref<1000x16xf32, #tpu.memory_space<vmem>>, vector<1x16xf32>,
        %swap3A_249 = vector.shape_cast %swap3A_248 : vector<1x16xf32> to vector<16xf32>
        %swap3A_250 = vector.shape_cast %mul3A_243 : vector<16xf32> to vector<1x16xf32>
        tpu.vector_store %arg15[%swap3A_246, %swap3A_247], %swap3A_250 {strides = array<i32>} : memref<1000x16xf32, #tpu.memory_space<vmem>>, vector<1x16xf32>,
        %add3A_251 = arith.constant 5 : i32
        %add3A_252 = arith.addi %mul3A_152, %add3A_251 : i32
        %get3A_253 = arith.index_cast %add3A_252 : i32 to index
        %get3A_254 = arith.constant 0 : index
        %get3A_255 = tpu.vector_load %arg11[%get3A_253, %get3A_254] {strides = array<i32>} : memref<1000x16xf32, #tpu.memory_space<vmem>>, vector<1x16xf32>,
        %get3A_256 = vector.shape_cast %get3A_255 : vector<1x16xf32> to vector<16xf32>
        %add3A_257 = arith.constant 5 : i32
        %add3A_258 = arith.addi %mul3A_152, %add3A_257 : i32
        %get3A_259 = arith.index_cast %add3A_258 : i32 to index
        %get3A_260 = arith.constant 0 : index
        %get3A_261 = tpu.vector_load %arg13[%get3A_259, %get3A_260] {strides = array<i32>} : memref<1000x16xf32, #tpu.memory_space<vmem>>, vector<1x16xf32>,
        %get3A_262 = vector.shape_cast %get3A_261 : vector<1x16xf32> to vector<16xf32>
        %mul3A_263 = arith.mulf %get3A_256, %get3A_262 : vector<16xf32>
        %add3A_264 = arith.constant 5 : i32
        %add3A_265 = arith.addi %mul3A_152, %add3A_264 : i32
        %swap3A_266 = arith.index_cast %add3A_265 : i32 to index
        %swap3A_267 = arith.constant 0 : index
        %swap3A_268 = tpu.vector_load %arg15[%swap3A_266, %swap3A_267] {strides = array<i32>} : memref<1000x16xf32, #tpu.memory_space<vmem>>, vector<1x16xf32>,
        %swap3A_269 = vector.shape_cast %swap3A_268 : vector<1x16xf32> to vector<16xf32>
        %swap3A_270 = vector.shape_cast %mul3A_263 : vector<16xf32> to vector<1x16xf32>
        tpu.vector_store %arg15[%swap3A_266, %swap3A_267], %swap3A_270 {strides = array<i32>} : memref<1000x16xf32, #tpu.memory_space<vmem>>, vector<1x16xf32>,
        %add3A_271 = arith.constant 6 : i32
        %add3A_272 = arith.addi %mul3A_152, %add3A_271 : i32
        %get3A_273 = arith.index_cast %add3A_272 : i32 to index
        %get3A_274 = arith.constant 0 : index
        %get3A_275 = tpu.vector_load %arg11[%get3A_273, %get3A_274] {strides = array<i32>} : memref<1000x16xf32, #tpu.memory_space<vmem>>, vector<1x16xf32>,
        %get3A_276 = vector.shape_cast %get3A_275 : vector<1x16xf32> to vector<16xf32>
        %add3A_277 = arith.constant 6 : i32
        %add3A_278 = arith.addi %mul3A_152, %add3A_277 : i32
        %get3A_279 = arith.index_cast %add3A_278 : i32 to index
        %get3A_280 = arith.constant 0 : index
        %get3A_281 = tpu.vector_load %arg13[%get3A_279, %get3A_280] {strides = array<i32>} : memref<1000x16xf32, #tpu.memory_space<vmem>>, vector<1x16xf32>,
        %get3A_282 = vector.shape_cast %get3A_281 : vector<1x16xf32> to vector<16xf32>
        %mul3A_283 = arith.mulf %get3A_276, %get3A_282 : vector<16xf32>
        %add3A_284 = arith.constant 6 : i32
        %add3A_285 = arith.addi %mul3A_152, %add3A_284 : i32
        %swap3A_286 = arith.index_cast %add3A_285 : i32 to index
        %swap3A_287 = arith.constant 0 : index
        %swap3A_288 = tpu.vector_load %arg15[%swap3A_286, %swap3A_287] {strides = array<i32>} : memref<1000x16xf32, #tpu.memory_space<vmem>>, vector<1x16xf32>,
        %swap3A_289 = vector.shape_cast %swap3A_288 : vector<1x16xf32> to vector<16xf32>
        %swap3A_290 = vector.shape_cast %mul3A_283 : vector<16xf32> to vector<1x16xf32>
        tpu.vector_store %arg15[%swap3A_286, %swap3A_287], %swap3A_290 {strides = array<i32>} : memref<1000x16xf32, #tpu.memory_space<vmem>>, vector<1x16xf32>,
        %add3A_291 = arith.constant 7 : i32
        %add3A_292 = arith.addi %mul3A_152, %add3A_291 : i32
        %get3A_293 = arith.index_cast %add3A_292 : i32 to index
        %get3A_294 = arith.constant 0 : index
        %get3A_295 = tpu.vector_load %arg11[%get3A_293, %get3A_294] {strides = array<i32>} : memref<1000x16xf32, #tpu.memory_space<vmem>>, vector<1x16xf32>,
        %get3A_296 = vector.shape_cast %get3A_295 : vector<1x16xf32> to vector<16xf32>
        %add3A_297 = arith.constant 7 : i32
        %add3A_298 = arith.addi %mul3A_152, %add3A_297 : i32
        %get3A_299 = arith.index_cast %add3A_298 : i32 to index
        %get3A_300 = arith.constant 0 : index
        %get3A_301 = tpu.vector_load %arg13[%get3A_299, %get3A_300] {strides = array<i32>} : memref<1000x16xf32, #tpu.memory_space<vmem>>, vector<1x16xf32>,
        %get3A_302 = vector.shape_cast %get3A_301 : vector<1x16xf32> to vector<16xf32>
        %mul3A_303 = arith.mulf %get3A_296, %get3A_302 : vector<16xf32>
        %add3A_304 = arith.constant 7 : i32
        %add3A_305 = arith.addi %mul3A_152, %add3A_304 : i32
        %swap3A_306 = arith.index_cast %add3A_305 : i32 to index
        %swap3A_307 = arith.constant 0 : index
        %swap3A_308 = tpu.vector_load %arg15[%swap3A_306, %swap3A_307] {strides = array<i32>} : memref<1000x16xf32, #tpu.memory_space<vmem>>, vector<1x16xf32>,
        %swap3A_309 = vector.shape_cast %swap3A_308 : vector<1x16xf32> to vector<16xf32>
        %swap3A_310 = vector.shape_cast %mul3A_303 : vector<16xf32> to vector<1x16xf32>
        tpu.vector_store %arg15[%swap3A_306, %swap3A_307], %swap3A_310 {strides = array<i32>} : memref<1000x16xf32, #tpu.memory_space<vmem>>, vector<1x16xf32>,
      }
      %scan3A_98 = arith.constant 125 : i32
      %mul3A_99 = arith.constant 1000 : i32
      %mul3A_100 = arith.muli %mul3A_87, %mul3A_99 : i32
      %add3A_101 = arith.addi %mul3A_2, %mul3A_100 : i32
      %dma_start3A_102 = arith.constant 0 : i32
      %dma_start3A_103 = tpu.memref_slice %arg6[%add3A_101, %dma_start3A_102] : memref<800000x16xf32, #tpu.memory_space<hbm>> -> memref<1000x16xf32, #tpu.memory_space<hbm>>
      %dma_start3A_104 = arith.constant 0 : i32
      %dma_start3A_105 = tpu.memref_slice %arg6[%add3A_101, %dma_start3A_104] : memref<800000x16xf32, #tpu.memory_space<hbm>> -> memref<1000x16xf32, #tpu.memory_space<hbm>>
      tpu.enqueue_dma source(%arg15 : memref<1000x16xf32, #tpu.memory_space<vmem>>) target(%dma_start3A_105 : memref<1000x16xf32, #tpu.memory_space<hbm>>) target_semaphore(%arg21 : memref<!tpu.dma_semaphore, #tpu.memory_space<semaphore_mem>>)
      %dma_wait3A_106 = arith.constant 0 : i32
      %dma_wait3A_107 = arith.constant 0 : i32
      %dma_wait3A_108 = tpu.memref_slice %arg3[%dma_wait3A_106, %dma_wait3A_107] : memref<50000x16xf32, #tpu.memory_space<hbm>> -> memref<50000x16xf32, #tpu.memory_space<hbm>>
      tpu.wait_indirect_dma semaphore(%arg20 : memref<!tpu.dma_semaphore, #tpu.memory_space<semaphore_mem>>) src(%dma_wait3A_108 : memref<50000x16xf32, #tpu.memory_space<hbm>>) dst(%arg14 : memref<1000x16xf32, #tpu.memory_space<vmem>>)
      %dma_wait3A_109 = arith.constant 0 : i32
      %dma_wait3A_110 = arith.constant 0 : i32
      %dma_wait3A_111 = tpu.memref_slice %arg2[%dma_wait3A_109, %dma_wait3A_110] : memref<50000x16xf32, #tpu.memory_space<hbm>> -> memref<50000x16xf32, #tpu.memory_space<hbm>>
      tpu.wait_indirect_dma semaphore(%arg20 : memref<!tpu.dma_semaphore, #tpu.memory_space<semaphore_mem>>) src(%dma_wait3A_111 : memref<50000x16xf32, #tpu.memory_space<hbm>>) dst(%arg12 : memref<1000x16xf32, #tpu.memory_space<vmem>>)
      %lt3A = arith.constant 11 : i32
      %lt3A_112 = arith.cmpi slt, %scan3A_57, %lt3A : i32
      %convert_element_type3A_113 = arith.extui %lt3A_112 : i1 to i32
      %cond3A_114 = arith.constant 0 : i32
      %cond3A_115 = arith.cmpi ne, %convert_element_type3A_113, %cond3A_114 : i32
      scf.if %cond3A_115 {
        %mul3A_150 = arith.constant 2 : i32
        %mul3A_151 = arith.muli %mul3A_150, %scan3A_57 : i32
        %add3A_152 = arith.constant 3 : i32
        %add3A_153 = arith.addi %mul3A_151, %add3A_152 : i32
        %mul3A_154 = arith.constant 1000 : i32
        %mul3A_155 = arith.muli %add3A_153, %mul3A_154 : i32
        %add3A_156 = arith.addi %mul3A_2, %mul3A_155 : i32
        %dma_start3A_157 = tpu.memref_slice %arg4[%add3A_156] : memref<800000xi32, #tpu.memory_space<hbm>> -> memref<1000xi32, #tpu.memory_space<hbm>>
        %dma_start3A_158 = tpu.memref_slice %arg4[%add3A_156] : memref<800000xi32, #tpu.memory_space<hbm>> -> memref<1000xi32, #tpu.memory_space<hbm>>
        tpu.enqueue_dma source(%dma_start3A_158 : memref<1000xi32, #tpu.memory_space<hbm>>) target(%arg8 : memref<1000xi32, #tpu.memory_space<vmem>>) target_semaphore(%arg18 : memref<!tpu.dma_semaphore, #tpu.memory_space<semaphore_mem>>)
        %dma_start3A_159 = tpu.memref_slice %arg5[%add3A_156] : memref<800000xi32, #tpu.memory_space<hbm>> -> memref<1000xi32, #tpu.memory_space<hbm>>
        %dma_start3A_160 = tpu.memref_slice %arg5[%add3A_156] : memref<800000xi32, #tpu.memory_space<hbm>> -> memref<1000xi32, #tpu.memory_space<hbm>>
        tpu.enqueue_dma source(%dma_start3A_160 : memref<1000xi32, #tpu.memory_space<hbm>>) target(%arg10 : memref<1000xi32, #tpu.memory_space<vmem>>) target_semaphore(%arg18 : memref<!tpu.dma_semaphore, #tpu.memory_space<semaphore_mem>>)
      } else {
      }
      %dma_wait3A_116 = tpu.memref_slice %arg4[%mul3A_2] : memref<800000xi32, #tpu.memory_space<hbm>> -> memref<1000xi32, #tpu.memory_space<hbm>>
      %dma_wait3A_117 = tpu.memref_slice %arg4[%mul3A_2] : memref<800000xi32, #tpu.memory_space<hbm>> -> memref<1000xi32, #tpu.memory_space<hbm>>
      tpu.wait_dma2 semaphore(%arg17 : memref<!tpu.dma_semaphore, #tpu.memory_space<semaphore_mem>>) src(%dma_wait3A_117 : memref<1000xi32, #tpu.memory_space<hbm>>) dst(%arg7 : memref<1000xi32, #tpu.memory_space<vmem>>)
      %dma_wait3A_118 = tpu.memref_slice %arg5[%mul3A_2] : memref<800000xi32, #tpu.memory_space<hbm>> -> memref<1000xi32, #tpu.memory_space<hbm>>
      %dma_wait3A_119 = tpu.memref_slice %arg5[%mul3A_2] : memref<800000xi32, #tpu.memory_space<hbm>> -> memref<1000xi32, #tpu.memory_space<hbm>>
      tpu.wait_dma2 semaphore(%arg17 : memref<!tpu.dma_semaphore, #tpu.memory_space<semaphore_mem>>) src(%dma_wait3A_119 : memref<1000xi32, #tpu.memory_space<hbm>>) dst(%arg9 : memref<1000xi32, #tpu.memory_space<vmem>>)
      %dma_start3A_120 = arith.constant 0 : i32
      %dma_start3A_121 = arith.constant 0 : i32
      %dma_start3A_122 = tpu.memref_slice %arg3[%dma_start3A_120, %dma_start3A_121] : memref<50000x16xf32, #tpu.memory_space<hbm>> -> memref<50000x16xf32, #tpu.memory_space<hbm>>
      tpu.enqueue_indirect_dma source(%dma_start3A_122 : memref<50000x16xf32, #tpu.memory_space<hbm>>) target(%arg13 : memref<1000x16xf32, #tpu.memory_space<vmem>>) offsets(%arg7 : memref<1000xi32, #tpu.memory_space<vmem>>) semaphore(%arg19 : memref<!tpu.dma_semaphore, #tpu.memory_space<semaphore_mem>>)
      %dma_start3A_123 = arith.constant 0 : i32
      %dma_start3A_124 = arith.constant 0 : i32
      %dma_start3A_125 = tpu.memref_slice %arg2[%dma_start3A_123, %dma_start3A_124] : memref<50000x16xf32, #tpu.memory_space<hbm>> -> memref<50000x16xf32, #tpu.memory_space<hbm>>
      tpu.enqueue_indirect_dma source(%dma_start3A_125 : memref<50000x16xf32, #tpu.memory_space<hbm>>) target(%arg11 : memref<1000x16xf32, #tpu.memory_space<vmem>>) offsets(%arg9 : memref<1000xi32, #tpu.memory_space<vmem>>) semaphore(%arg19 : memref<!tpu.dma_semaphore, #tpu.memory_space<semaphore_mem>>)
      %eq3A_126 = arith.constant 0 : i32
      %eq3A_127 = arith.cmpi eq, %scan3A_57, %eq3A_126 : i32
      %mul3A_128 = arith.constant 2 : i32
      %mul3A_129 = arith.muli %mul3A_128, %scan3A_57 : i32
      %add3A_130 = arith.constant 1 : i32
      %add3A_131 = arith.addi %mul3A_129, %add3A_130 : i32
      %not3A_132 = arith.constant true
      %not3A_133 = arith.xori %eq3A_127, %not3A_132 : i1
      %convert_element_type3A_134 = arith.extui %not3A_133 : i1 to i32
      %cond3A_135 = arith.constant 0 : i32
      %cond3A_136 = arith.cmpi ne, %convert_element_type3A_134, %cond3A_135 : i32
      scf.if %cond3A_136 {
        %dma_wait3A_150 = arith.constant 0 : i32
        %dma_wait3A_151 = tpu.memref_slice %arg6[%mul3A_2, %dma_wait3A_150] : memref<800000x16xf32, #tpu.memory_space<hbm>> -> memref<1000x16xf32, #tpu.memory_space<hbm>>
        %dma_wait3A_152 = arith.constant 0 : i32
        %dma_wait3A_153 = tpu.memref_slice %arg6[%mul3A_2, %dma_wait3A_152] : memref<800000x16xf32, #tpu.memory_space<hbm>> -> memref<1000x16xf32, #tpu.memory_space<hbm>>
        tpu.wait_dma2 semaphore(%arg22 : memref<!tpu.dma_semaphore, #tpu.memory_space<semaphore_mem>>) src(%arg16 : memref<1000x16xf32, #tpu.memory_space<vmem>>) dst(%dma_wait3A_153 : memref<1000x16xf32, #tpu.memory_space<hbm>>)
      } else {
      }
      %scan3A_137 = arith.constant 0 : i32
      %scan3A_138 = arith.constant 0 : i32
      %scan3A_139 = arith.constant 125 : i32
      %scan3A_140 = arith.addi %scan3A_138, %scan3A_139 : i32
      %scan3A_141 = arith.constant 1 : i32
      scf.for %scan3A_150 = %scan3A_138 to %scan3A_140 step %scan3A_141  : i32 {
        %mul3A_151 = arith.constant 8 : i32
        %mul3A_152 = arith.muli %scan3A_150, %mul3A_151 : i32
        %add3A_153 = arith.constant 0 : i32
        %add3A_154 = arith.addi %mul3A_152, %add3A_153 : i32
        %get3A = arith.index_cast %add3A_154 : i32 to index
        %get3A_155 = arith.constant 0 : index
        %get3A_156 = tpu.vector_load %arg12[%get3A, %get3A_155] {strides = array<i32>} : memref<1000x16xf32, #tpu.memory_space<vmem>>, vector<1x16xf32>,
        %get3A_157 = vector.shape_cast %get3A_156 : vector<1x16xf32> to vector<16xf32>
        %add3A_158 = arith.constant 0 : i32
        %add3A_159 = arith.addi %mul3A_152, %add3A_158 : i32
        %get3A_160 = arith.index_cast %add3A_159 : i32 to index
        %get3A_161 = arith.constant 0 : index
        %get3A_162 = tpu.vector_load %arg14[%get3A_160, %get3A_161] {strides = array<i32>} : memref<1000x16xf32, #tpu.memory_space<vmem>>, vector<1x16xf32>,
        %get3A_163 = vector.shape_cast %get3A_162 : vector<1x16xf32> to vector<16xf32>
        %mul3A_164 = arith.mulf %get3A_157, %get3A_163 : vector<16xf32>
        %add3A_165 = arith.constant 0 : i32
        %add3A_166 = arith.addi %mul3A_152, %add3A_165 : i32
        %swap3A = arith.index_cast %add3A_166 : i32 to index
        %swap3A_167 = arith.constant 0 : index
        %swap3A_168 = tpu.vector_load %arg16[%swap3A, %swap3A_167] {strides = array<i32>} : memref<1000x16xf32, #tpu.memory_space<vmem>>, vector<1x16xf32>,
        %swap3A_169 = vector.shape_cast %swap3A_168 : vector<1x16xf32> to vector<16xf32>
        %swap3A_170 = vector.shape_cast %mul3A_164 : vector<16xf32> to vector<1x16xf32>
        tpu.vector_store %arg16[%swap3A, %swap3A_167], %swap3A_170 {strides = array<i32>} : memref<1000x16xf32, #tpu.memory_space<vmem>>, vector<1x16xf32>,
        %add3A_171 = arith.constant 1 : i32
        %add3A_172 = arith.addi %mul3A_152, %add3A_171 : i32
        %get3A_173 = arith.index_cast %add3A_172 : i32 to index
        %get3A_174 = arith.constant 0 : index
        %get3A_175 = tpu.vector_load %arg12[%get3A_173, %get3A_174] {strides = array<i32>} : memref<1000x16xf32, #tpu.memory_space<vmem>>, vector<1x16xf32>,
        %get3A_176 = vector.shape_cast %get3A_175 : vector<1x16xf32> to vector<16xf32>
        %add3A_177 = arith.constant 1 : i32
        %add3A_178 = arith.addi %mul3A_152, %add3A_177 : i32
        %get3A_179 = arith.index_cast %add3A_178 : i32 to index
        %get3A_180 = arith.constant 0 : index
        %get3A_181 = tpu.vector_load %arg14[%get3A_179, %get3A_180] {strides = array<i32>} : memref<1000x16xf32, #tpu.memory_space<vmem>>, vector<1x16xf32>,
        %get3A_182 = vector.shape_cast %get3A_181 : vector<1x16xf32> to vector<16xf32>
        %mul3A_183 = arith.mulf %get3A_176, %get3A_182 : vector<16xf32>
        %add3A_184 = arith.constant 1 : i32
        %add3A_185 = arith.addi %mul3A_152, %add3A_184 : i32
        %swap3A_186 = arith.index_cast %add3A_185 : i32 to index
        %swap3A_187 = arith.constant 0 : index
        %swap3A_188 = tpu.vector_load %arg16[%swap3A_186, %swap3A_187] {strides = array<i32>} : memref<1000x16xf32, #tpu.memory_space<vmem>>, vector<1x16xf32>,
        %swap3A_189 = vector.shape_cast %swap3A_188 : vector<1x16xf32> to vector<16xf32>
        %swap3A_190 = vector.shape_cast %mul3A_183 : vector<16xf32> to vector<1x16xf32>
        tpu.vector_store %arg16[%swap3A_186, %swap3A_187], %swap3A_190 {strides = array<i32>} : memref<1000x16xf32, #tpu.memory_space<vmem>>, vector<1x16xf32>,
        %add3A_191 = arith.constant 2 : i32
        %add3A_192 = arith.addi %mul3A_152, %add3A_191 : i32
        %get3A_193 = arith.index_cast %add3A_192 : i32 to index
        %get3A_194 = arith.constant 0 : index
        %get3A_195 = tpu.vector_load %arg12[%get3A_193, %get3A_194] {strides = array<i32>} : memref<1000x16xf32, #tpu.memory_space<vmem>>, vector<1x16xf32>,
        %get3A_196 = vector.shape_cast %get3A_195 : vector<1x16xf32> to vector<16xf32>
        %add3A_197 = arith.constant 2 : i32
        %add3A_198 = arith.addi %mul3A_152, %add3A_197 : i32
        %get3A_199 = arith.index_cast %add3A_198 : i32 to index
        %get3A_200 = arith.constant 0 : index
        %get3A_201 = tpu.vector_load %arg14[%get3A_199, %get3A_200] {strides = array<i32>} : memref<1000x16xf32, #tpu.memory_space<vmem>>, vector<1x16xf32>,
        %get3A_202 = vector.shape_cast %get3A_201 : vector<1x16xf32> to vector<16xf32>
        %mul3A_203 = arith.mulf %get3A_196, %get3A_202 : vector<16xf32>
        %add3A_204 = arith.constant 2 : i32
        %add3A_205 = arith.addi %mul3A_152, %add3A_204 : i32
        %swap3A_206 = arith.index_cast %add3A_205 : i32 to index
        %swap3A_207 = arith.constant 0 : index
        %swap3A_208 = tpu.vector_load %arg16[%swap3A_206, %swap3A_207] {strides = array<i32>} : memref<1000x16xf32, #tpu.memory_space<vmem>>, vector<1x16xf32>,
        %swap3A_209 = vector.shape_cast %swap3A_208 : vector<1x16xf32> to vector<16xf32>
        %swap3A_210 = vector.shape_cast %mul3A_203 : vector<16xf32> to vector<1x16xf32>
        tpu.vector_store %arg16[%swap3A_206, %swap3A_207], %swap3A_210 {strides = array<i32>} : memref<1000x16xf32, #tpu.memory_space<vmem>>, vector<1x16xf32>,
        %add3A_211 = arith.constant 3 : i32
        %add3A_212 = arith.addi %mul3A_152, %add3A_211 : i32
        %get3A_213 = arith.index_cast %add3A_212 : i32 to index
        %get3A_214 = arith.constant 0 : index
        %get3A_215 = tpu.vector_load %arg12[%get3A_213, %get3A_214] {strides = array<i32>} : memref<1000x16xf32, #tpu.memory_space<vmem>>, vector<1x16xf32>,
        %get3A_216 = vector.shape_cast %get3A_215 : vector<1x16xf32> to vector<16xf32>
        %add3A_217 = arith.constant 3 : i32
        %add3A_218 = arith.addi %mul3A_152, %add3A_217 : i32
        %get3A_219 = arith.index_cast %add3A_218 : i32 to index
        %get3A_220 = arith.constant 0 : index
        %get3A_221 = tpu.vector_load %arg14[%get3A_219, %get3A_220] {strides = array<i32>} : memref<1000x16xf32, #tpu.memory_space<vmem>>, vector<1x16xf32>,
        %get3A_222 = vector.shape_cast %get3A_221 : vector<1x16xf32> to vector<16xf32>
        %mul3A_223 = arith.mulf %get3A_216, %get3A_222 : vector<16xf32>
        %add3A_224 = arith.constant 3 : i32
        %add3A_225 = arith.addi %mul3A_152, %add3A_224 : i32
        %swap3A_226 = arith.index_cast %add3A_225 : i32 to index
        %swap3A_227 = arith.constant 0 : index
        %swap3A_228 = tpu.vector_load %arg16[%swap3A_226, %swap3A_227] {strides = array<i32>} : memref<1000x16xf32, #tpu.memory_space<vmem>>, vector<1x16xf32>,
        %swap3A_229 = vector.shape_cast %swap3A_228 : vector<1x16xf32> to vector<16xf32>
        %swap3A_230 = vector.shape_cast %mul3A_223 : vector<16xf32> to vector<1x16xf32>
        tpu.vector_store %arg16[%swap3A_226, %swap3A_227], %swap3A_230 {strides = array<i32>} : memref<1000x16xf32, #tpu.memory_space<vmem>>, vector<1x16xf32>,
        %add3A_231 = arith.constant 4 : i32
        %add3A_232 = arith.addi %mul3A_152, %add3A_231 : i32
        %get3A_233 = arith.index_cast %add3A_232 : i32 to index
        %get3A_234 = arith.constant 0 : index
        %get3A_235 = tpu.vector_load %arg12[%get3A_233, %get3A_234] {strides = array<i32>} : memref<1000x16xf32, #tpu.memory_space<vmem>>, vector<1x16xf32>,
        %get3A_236 = vector.shape_cast %get3A_235 : vector<1x16xf32> to vector<16xf32>
        %add3A_237 = arith.constant 4 : i32
        %add3A_238 = arith.addi %mul3A_152, %add3A_237 : i32
        %get3A_239 = arith.index_cast %add3A_238 : i32 to index
        %get3A_240 = arith.constant 0 : index
        %get3A_241 = tpu.vector_load %arg14[%get3A_239, %get3A_240] {strides = array<i32>} : memref<1000x16xf32, #tpu.memory_space<vmem>>, vector<1x16xf32>,
        %get3A_242 = vector.shape_cast %get3A_241 : vector<1x16xf32> to vector<16xf32>
        %mul3A_243 = arith.mulf %get3A_236, %get3A_242 : vector<16xf32>
        %add3A_244 = arith.constant 4 : i32
        %add3A_245 = arith.addi %mul3A_152, %add3A_244 : i32
        %swap3A_246 = arith.index_cast %add3A_245 : i32 to index
        %swap3A_247 = arith.constant 0 : index
        %swap3A_248 = tpu.vector_load %arg16[%swap3A_246, %swap3A_247] {strides = array<i32>} : memref<1000x16xf32, #tpu.memory_space<vmem>>, vector<1x16xf32>,
        %swap3A_249 = vector.shape_cast %swap3A_248 : vector<1x16xf32> to vector<16xf32>
        %swap3A_250 = vector.shape_cast %mul3A_243 : vector<16xf32> to vector<1x16xf32>
        tpu.vector_store %arg16[%swap3A_246, %swap3A_247], %swap3A_250 {strides = array<i32>} : memref<1000x16xf32, #tpu.memory_space<vmem>>, vector<1x16xf32>,
        %add3A_251 = arith.constant 5 : i32
        %add3A_252 = arith.addi %mul3A_152, %add3A_251 : i32
        %get3A_253 = arith.index_cast %add3A_252 : i32 to index
        %get3A_254 = arith.constant 0 : index
        %get3A_255 = tpu.vector_load %arg12[%get3A_253, %get3A_254] {strides = array<i32>} : memref<1000x16xf32, #tpu.memory_space<vmem>>, vector<1x16xf32>,
        %get3A_256 = vector.shape_cast %get3A_255 : vector<1x16xf32> to vector<16xf32>
        %add3A_257 = arith.constant 5 : i32
        %add3A_258 = arith.addi %mul3A_152, %add3A_257 : i32
        %get3A_259 = arith.index_cast %add3A_258 : i32 to index
        %get3A_260 = arith.constant 0 : index
        %get3A_261 = tpu.vector_load %arg14[%get3A_259, %get3A_260] {strides = array<i32>} : memref<1000x16xf32, #tpu.memory_space<vmem>>, vector<1x16xf32>,
        %get3A_262 = vector.shape_cast %get3A_261 : vector<1x16xf32> to vector<16xf32>
        %mul3A_263 = arith.mulf %get3A_256, %get3A_262 : vector<16xf32>
        %add3A_264 = arith.constant 5 : i32
        %add3A_265 = arith.addi %mul3A_152, %add3A_264 : i32
        %swap3A_266 = arith.index_cast %add3A_265 : i32 to index
        %swap3A_267 = arith.constant 0 : index
        %swap3A_268 = tpu.vector_load %arg16[%swap3A_266, %swap3A_267] {strides = array<i32>} : memref<1000x16xf32, #tpu.memory_space<vmem>>, vector<1x16xf32>,
        %swap3A_269 = vector.shape_cast %swap3A_268 : vector<1x16xf32> to vector<16xf32>
        %swap3A_270 = vector.shape_cast %mul3A_263 : vector<16xf32> to vector<1x16xf32>
        tpu.vector_store %arg16[%swap3A_266, %swap3A_267], %swap3A_270 {strides = array<i32>} : memref<1000x16xf32, #tpu.memory_space<vmem>>, vector<1x16xf32>,
        %add3A_271 = arith.constant 6 : i32
        %add3A_272 = arith.addi %mul3A_152, %add3A_271 : i32
        %get3A_273 = arith.index_cast %add3A_272 : i32 to index
        %get3A_274 = arith.constant 0 : index
        %get3A_275 = tpu.vector_load %arg12[%get3A_273, %get3A_274] {strides = array<i32>} : memref<1000x16xf32, #tpu.memory_space<vmem>>, vector<1x16xf32>,
        %get3A_276 = vector.shape_cast %get3A_275 : vector<1x16xf32> to vector<16xf32>
        %add3A_277 = arith.constant 6 : i32
        %add3A_278 = arith.addi %mul3A_152, %add3A_277 : i32
        %get3A_279 = arith.index_cast %add3A_278 : i32 to index
        %get3A_280 = arith.constant 0 : index
        %get3A_281 = tpu.vector_load %arg14[%get3A_279, %get3A_280] {strides = array<i32>} : memref<1000x16xf32, #tpu.memory_space<vmem>>, vector<1x16xf32>,
        %get3A_282 = vector.shape_cast %get3A_281 : vector<1x16xf32> to vector<16xf32>
        %mul3A_283 = arith.mulf %get3A_276, %get3A_282 : vector<16xf32>
        %add3A_284 = arith.constant 6 : i32
        %add3A_285 = arith.addi %mul3A_152, %add3A_284 : i32
        %swap3A_286 = arith.index_cast %add3A_285 : i32 to index
        %swap3A_287 = arith.constant 0 : index
        %swap3A_288 = tpu.vector_load %arg16[%swap3A_286, %swap3A_287] {strides = array<i32>} : memref<1000x16xf32, #tpu.memory_space<vmem>>, vector<1x16xf32>,
        %swap3A_289 = vector.shape_cast %swap3A_288 : vector<1x16xf32> to vector<16xf32>
        %swap3A_290 = vector.shape_cast %mul3A_283 : vector<16xf32> to vector<1x16xf32>
        tpu.vector_store %arg16[%swap3A_286, %swap3A_287], %swap3A_290 {strides = array<i32>} : memref<1000x16xf32, #tpu.memory_space<vmem>>, vector<1x16xf32>,
        %add3A_291 = arith.constant 7 : i32
        %add3A_292 = arith.addi %mul3A_152, %add3A_291 : i32
        %get3A_293 = arith.index_cast %add3A_292 : i32 to index
        %get3A_294 = arith.constant 0 : index
        %get3A_295 = tpu.vector_load %arg12[%get3A_293, %get3A_294] {strides = array<i32>} : memref<1000x16xf32, #tpu.memory_space<vmem>>, vector<1x16xf32>,
        %get3A_296 = vector.shape_cast %get3A_295 : vector<1x16xf32> to vector<16xf32>
        %add3A_297 = arith.constant 7 : i32
        %add3A_298 = arith.addi %mul3A_152, %add3A_297 : i32
        %get3A_299 = arith.index_cast %add3A_298 : i32 to index
        %get3A_300 = arith.constant 0 : index
        %get3A_301 = tpu.vector_load %arg14[%get3A_299, %get3A_300] {strides = array<i32>} : memref<1000x16xf32, #tpu.memory_space<vmem>>, vector<1x16xf32>,
        %get3A_302 = vector.shape_cast %get3A_301 : vector<1x16xf32> to vector<16xf32>
        %mul3A_303 = arith.mulf %get3A_296, %get3A_302 : vector<16xf32>
        %add3A_304 = arith.constant 7 : i32
        %add3A_305 = arith.addi %mul3A_152, %add3A_304 : i32
        %swap3A_306 = arith.index_cast %add3A_305 : i32 to index
        %swap3A_307 = arith.constant 0 : index
        %swap3A_308 = tpu.vector_load %arg16[%swap3A_306, %swap3A_307] {strides = array<i32>} : memref<1000x16xf32, #tpu.memory_space<vmem>>, vector<1x16xf32>,
        %swap3A_309 = vector.shape_cast %swap3A_308 : vector<1x16xf32> to vector<16xf32>
        %swap3A_310 = vector.shape_cast %mul3A_303 : vector<16xf32> to vector<1x16xf32>
        tpu.vector_store %arg16[%swap3A_306, %swap3A_307], %swap3A_310 {strides = array<i32>} : memref<1000x16xf32, #tpu.memory_space<vmem>>, vector<1x16xf32>,
      }
      %scan3A_142 = arith.constant 125 : i32
      %mul3A_143 = arith.constant 1000 : i32
      %mul3A_144 = arith.muli %add3A_131, %mul3A_143 : i32
      %add3A_145 = arith.addi %mul3A_2, %mul3A_144 : i32
      %dma_start3A_146 = arith.constant 0 : i32
      %dma_start3A_147 = tpu.memref_slice %arg6[%add3A_145, %dma_start3A_146] : memref<800000x16xf32, #tpu.memory_space<hbm>> -> memref<1000x16xf32, #tpu.memory_space<hbm>>
      %dma_start3A_148 = arith.constant 0 : i32
      %dma_start3A_149 = tpu.memref_slice %arg6[%add3A_145, %dma_start3A_148] : memref<800000x16xf32, #tpu.memory_space<hbm>> -> memref<1000x16xf32, #tpu.memory_space<hbm>>
      tpu.enqueue_dma source(%arg16 : memref<1000x16xf32, #tpu.memory_space<vmem>>) target(%dma_start3A_149 : memref<1000x16xf32, #tpu.memory_space<hbm>>) target_semaphore(%arg22 : memref<!tpu.dma_semaphore, #tpu.memory_space<semaphore_mem>>)
    }
    %scan3A_27 = arith.constant 12 : i32
    %dma_wait3A_28 = arith.constant 0 : i32
    %dma_wait3A_29 = arith.constant 0 : i32
    %dma_wait3A_30 = tpu.memref_slice %arg3[%dma_wait3A_28, %dma_wait3A_29] : memref<50000x16xf32, #tpu.memory_space<hbm>> -> memref<50000x16xf32, #tpu.memory_space<hbm>>
    tpu.wait_indirect_dma semaphore(%arg19 : memref<!tpu.dma_semaphore, #tpu.memory_space<semaphore_mem>>) src(%dma_wait3A_30 : memref<50000x16xf32, #tpu.memory_space<hbm>>) dst(%arg13 : memref<1000x16xf32, #tpu.memory_space<vmem>>)
    %dma_wait3A_31 = arith.constant 0 : i32
    %dma_wait3A_32 = arith.constant 0 : i32
    %dma_wait3A_33 = tpu.memref_slice %arg2[%dma_wait3A_31, %dma_wait3A_32] : memref<50000x16xf32, #tpu.memory_space<hbm>> -> memref<50000x16xf32, #tpu.memory_space<hbm>>
    tpu.wait_indirect_dma semaphore(%arg19 : memref<!tpu.dma_semaphore, #tpu.memory_space<semaphore_mem>>) src(%dma_wait3A_33 : memref<50000x16xf32, #tpu.memory_space<hbm>>) dst(%arg11 : memref<1000x16xf32, #tpu.memory_space<vmem>>)
    %not3A = arith.constant false
    %not3A_34 = arith.constant true
    %not3A_35 = arith.xori %not3A, %not3A_34 : i1
    %convert_element_type3A = arith.extui %not3A_35 : i1 to i32
    %cond3A = arith.constant 0 : i32
    %cond3A_36 = arith.cmpi ne, %convert_element_type3A, %cond3A : i32
    scf.if %cond3A_36 {
      %dma_wait3A_57 = arith.constant 0 : i32
      %dma_wait3A_58 = tpu.memref_slice %arg6[%mul3A_2, %dma_wait3A_57] : memref<800000x16xf32, #tpu.memory_space<hbm>> -> memref<1000x16xf32, #tpu.memory_space<hbm>>
      %dma_wait3A_59 = arith.constant 0 : i32
      %dma_wait3A_60 = tpu.memref_slice %arg6[%mul3A_2, %dma_wait3A_59] : memref<800000x16xf32, #tpu.memory_space<hbm>> -> memref<1000x16xf32, #tpu.memory_space<hbm>>
      tpu.wait_dma2 semaphore(%arg21 : memref<!tpu.dma_semaphore, #tpu.memory_space<semaphore_mem>>) src(%arg15 : memref<1000x16xf32, #tpu.memory_space<vmem>>) dst(%dma_wait3A_60 : memref<1000x16xf32, #tpu.memory_space<hbm>>)
    } else {
    }
    %scan3A_37 = arith.constant 0 : i32
    %scan3A_38 = arith.constant 0 : i32
    %scan3A_39 = arith.constant 125 : i32
    %scan3A_40 = arith.addi %scan3A_38, %scan3A_39 : i32
    %scan3A_41 = arith.constant 1 : i32
    scf.for %scan3A_57 = %scan3A_38 to %scan3A_40 step %scan3A_41  : i32 {
      %mul3A_58 = arith.constant 8 : i32
      %mul3A_59 = arith.muli %scan3A_57, %mul3A_58 : i32
      %add3A_60 = arith.constant 0 : i32
      %add3A_61 = arith.addi %mul3A_59, %add3A_60 : i32
      %get3A = arith.index_cast %add3A_61 : i32 to index
      %get3A_62 = arith.constant 0 : index
      %get3A_63 = tpu.vector_load %arg11[%get3A, %get3A_62] {strides = array<i32>} : memref<1000x16xf32, #tpu.memory_space<vmem>>, vector<1x16xf32>,
      %get3A_64 = vector.shape_cast %get3A_63 : vector<1x16xf32> to vector<16xf32>
      %add3A_65 = arith.constant 0 : i32
      %add3A_66 = arith.addi %mul3A_59, %add3A_65 : i32
      %get3A_67 = arith.index_cast %add3A_66 : i32 to index
      %get3A_68 = arith.constant 0 : index
      %get3A_69 = tpu.vector_load %arg13[%get3A_67, %get3A_68] {strides = array<i32>} : memref<1000x16xf32, #tpu.memory_space<vmem>>, vector<1x16xf32>,
      %get3A_70 = vector.shape_cast %get3A_69 : vector<1x16xf32> to vector<16xf32>
      %mul3A_71 = arith.mulf %get3A_64, %get3A_70 : vector<16xf32>
      %add3A_72 = arith.constant 0 : i32
      %add3A_73 = arith.addi %mul3A_59, %add3A_72 : i32
      %swap3A = arith.index_cast %add3A_73 : i32 to index
      %swap3A_74 = arith.constant 0 : index
      %swap3A_75 = tpu.vector_load %arg15[%swap3A, %swap3A_74] {strides = array<i32>} : memref<1000x16xf32, #tpu.memory_space<vmem>>, vector<1x16xf32>,
      %swap3A_76 = vector.shape_cast %swap3A_75 : vector<1x16xf32> to vector<16xf32>
      %swap3A_77 = vector.shape_cast %mul3A_71 : vector<16xf32> to vector<1x16xf32>
      tpu.vector_store %arg15[%swap3A, %swap3A_74], %swap3A_77 {strides = array<i32>} : memref<1000x16xf32, #tpu.memory_space<vmem>>, vector<1x16xf32>,
      %add3A_78 = arith.constant 1 : i32
      %add3A_79 = arith.addi %mul3A_59, %add3A_78 : i32
      %get3A_80 = arith.index_cast %add3A_79 : i32 to index
      %get3A_81 = arith.constant 0 : index
      %get3A_82 = tpu.vector_load %arg11[%get3A_80, %get3A_81] {strides = array<i32>} : memref<1000x16xf32, #tpu.memory_space<vmem>>, vector<1x16xf32>,
      %get3A_83 = vector.shape_cast %get3A_82 : vector<1x16xf32> to vector<16xf32>
      %add3A_84 = arith.constant 1 : i32
      %add3A_85 = arith.addi %mul3A_59, %add3A_84 : i32
      %get3A_86 = arith.index_cast %add3A_85 : i32 to index
      %get3A_87 = arith.constant 0 : index
      %get3A_88 = tpu.vector_load %arg13[%get3A_86, %get3A_87] {strides = array<i32>} : memref<1000x16xf32, #tpu.memory_space<vmem>>, vector<1x16xf32>,
      %get3A_89 = vector.shape_cast %get3A_88 : vector<1x16xf32> to vector<16xf32>
      %mul3A_90 = arith.mulf %get3A_83, %get3A_89 : vector<16xf32>
      %add3A_91 = arith.constant 1 : i32
      %add3A_92 = arith.addi %mul3A_59, %add3A_91 : i32
      %swap3A_93 = arith.index_cast %add3A_92 : i32 to index
      %swap3A_94 = arith.constant 0 : index
      %swap3A_95 = tpu.vector_load %arg15[%swap3A_93, %swap3A_94] {strides = array<i32>} : memref<1000x16xf32, #tpu.memory_space<vmem>>, vector<1x16xf32>,
      %swap3A_96 = vector.shape_cast %swap3A_95 : vector<1x16xf32> to vector<16xf32>
      %swap3A_97 = vector.shape_cast %mul3A_90 : vector<16xf32> to vector<1x16xf32>
      tpu.vector_store %arg15[%swap3A_93, %swap3A_94], %swap3A_97 {strides = array<i32>} : memref<1000x16xf32, #tpu.memory_space<vmem>>, vector<1x16xf32>,
      %add3A_98 = arith.constant 2 : i32
      %add3A_99 = arith.addi %mul3A_59, %add3A_98 : i32
      %get3A_100 = arith.index_cast %add3A_99 : i32 to index
      %get3A_101 = arith.constant 0 : index
      %get3A_102 = tpu.vector_load %arg11[%get3A_100, %get3A_101] {strides = array<i32>} : memref<1000x16xf32, #tpu.memory_space<vmem>>, vector<1x16xf32>,
      %get3A_103 = vector.shape_cast %get3A_102 : vector<1x16xf32> to vector<16xf32>
      %add3A_104 = arith.constant 2 : i32
      %add3A_105 = arith.addi %mul3A_59, %add3A_104 : i32
      %get3A_106 = arith.index_cast %add3A_105 : i32 to index
      %get3A_107 = arith.constant 0 : index
      %get3A_108 = tpu.vector_load %arg13[%get3A_106, %get3A_107] {strides = array<i32>} : memref<1000x16xf32, #tpu.memory_space<vmem>>, vector<1x16xf32>,
      %get3A_109 = vector.shape_cast %get3A_108 : vector<1x16xf32> to vector<16xf32>
      %mul3A_110 = arith.mulf %get3A_103, %get3A_109 : vector<16xf32>
      %add3A_111 = arith.constant 2 : i32
      %add3A_112 = arith.addi %mul3A_59, %add3A_111 : i32
      %swap3A_113 = arith.index_cast %add3A_112 : i32 to index
      %swap3A_114 = arith.constant 0 : index
      %swap3A_115 = tpu.vector_load %arg15[%swap3A_113, %swap3A_114] {strides = array<i32>} : memref<1000x16xf32, #tpu.memory_space<vmem>>, vector<1x16xf32>,
      %swap3A_116 = vector.shape_cast %swap3A_115 : vector<1x16xf32> to vector<16xf32>
      %swap3A_117 = vector.shape_cast %mul3A_110 : vector<16xf32> to vector<1x16xf32>
      tpu.vector_store %arg15[%swap3A_113, %swap3A_114], %swap3A_117 {strides = array<i32>} : memref<1000x16xf32, #tpu.memory_space<vmem>>, vector<1x16xf32>,
      %add3A_118 = arith.constant 3 : i32
      %add3A_119 = arith.addi %mul3A_59, %add3A_118 : i32
      %get3A_120 = arith.index_cast %add3A_119 : i32 to index
      %get3A_121 = arith.constant 0 : index
      %get3A_122 = tpu.vector_load %arg11[%get3A_120, %get3A_121] {strides = array<i32>} : memref<1000x16xf32, #tpu.memory_space<vmem>>, vector<1x16xf32>,
      %get3A_123 = vector.shape_cast %get3A_122 : vector<1x16xf32> to vector<16xf32>
      %add3A_124 = arith.constant 3 : i32
      %add3A_125 = arith.addi %mul3A_59, %add3A_124 : i32
      %get3A_126 = arith.index_cast %add3A_125 : i32 to index
      %get3A_127 = arith.constant 0 : index
      %get3A_128 = tpu.vector_load %arg13[%get3A_126, %get3A_127] {strides = array<i32>} : memref<1000x16xf32, #tpu.memory_space<vmem>>, vector<1x16xf32>,
      %get3A_129 = vector.shape_cast %get3A_128 : vector<1x16xf32> to vector<16xf32>
      %mul3A_130 = arith.mulf %get3A_123, %get3A_129 : vector<16xf32>
      %add3A_131 = arith.constant 3 : i32
      %add3A_132 = arith.addi %mul3A_59, %add3A_131 : i32
      %swap3A_133 = arith.index_cast %add3A_132 : i32 to index
      %swap3A_134 = arith.constant 0 : index
      %swap3A_135 = tpu.vector_load %arg15[%swap3A_133, %swap3A_134] {strides = array<i32>} : memref<1000x16xf32, #tpu.memory_space<vmem>>, vector<1x16xf32>,
      %swap3A_136 = vector.shape_cast %swap3A_135 : vector<1x16xf32> to vector<16xf32>
      %swap3A_137 = vector.shape_cast %mul3A_130 : vector<16xf32> to vector<1x16xf32>
      tpu.vector_store %arg15[%swap3A_133, %swap3A_134], %swap3A_137 {strides = array<i32>} : memref<1000x16xf32, #tpu.memory_space<vmem>>, vector<1x16xf32>,
      %add3A_138 = arith.constant 4 : i32
      %add3A_139 = arith.addi %mul3A_59, %add3A_138 : i32
      %get3A_140 = arith.index_cast %add3A_139 : i32 to index
      %get3A_141 = arith.constant 0 : index
      %get3A_142 = tpu.vector_load %arg11[%get3A_140, %get3A_141] {strides = array<i32>} : memref<1000x16xf32, #tpu.memory_space<vmem>>, vector<1x16xf32>,
      %get3A_143 = vector.shape_cast %get3A_142 : vector<1x16xf32> to vector<16xf32>
      %add3A_144 = arith.constant 4 : i32
      %add3A_145 = arith.addi %mul3A_59, %add3A_144 : i32
      %get3A_146 = arith.index_cast %add3A_145 : i32 to index
      %get3A_147 = arith.constant 0 : index
      %get3A_148 = tpu.vector_load %arg13[%get3A_146, %get3A_147] {strides = array<i32>} : memref<1000x16xf32, #tpu.memory_space<vmem>>, vector<1x16xf32>,
      %get3A_149 = vector.shape_cast %get3A_148 : vector<1x16xf32> to vector<16xf32>
      %mul3A_150 = arith.mulf %get3A_143, %get3A_149 : vector<16xf32>
      %add3A_151 = arith.constant 4 : i32
      %add3A_152 = arith.addi %mul3A_59, %add3A_151 : i32
      %swap3A_153 = arith.index_cast %add3A_152 : i32 to index
      %swap3A_154 = arith.constant 0 : index
      %swap3A_155 = tpu.vector_load %arg15[%swap3A_153, %swap3A_154] {strides = array<i32>} : memref<1000x16xf32, #tpu.memory_space<vmem>>, vector<1x16xf32>,
      %swap3A_156 = vector.shape_cast %swap3A_155 : vector<1x16xf32> to vector<16xf32>
      %swap3A_157 = vector.shape_cast %mul3A_150 : vector<16xf32> to vector<1x16xf32>
      tpu.vector_store %arg15[%swap3A_153, %swap3A_154], %swap3A_157 {strides = array<i32>} : memref<1000x16xf32, #tpu.memory_space<vmem>>, vector<1x16xf32>,
      %add3A_158 = arith.constant 5 : i32
      %add3A_159 = arith.addi %mul3A_59, %add3A_158 : i32
      %get3A_160 = arith.index_cast %add3A_159 : i32 to index
      %get3A_161 = arith.constant 0 : index
      %get3A_162 = tpu.vector_load %arg11[%get3A_160, %get3A_161] {strides = array<i32>} : memref<1000x16xf32, #tpu.memory_space<vmem>>, vector<1x16xf32>,
      %get3A_163 = vector.shape_cast %get3A_162 : vector<1x16xf32> to vector<16xf32>
      %add3A_164 = arith.constant 5 : i32
      %add3A_165 = arith.addi %mul3A_59, %add3A_164 : i32
      %get3A_166 = arith.index_cast %add3A_165 : i32 to index
      %get3A_167 = arith.constant 0 : index
      %get3A_168 = tpu.vector_load %arg13[%get3A_166, %get3A_167] {strides = array<i32>} : memref<1000x16xf32, #tpu.memory_space<vmem>>, vector<1x16xf32>,
      %get3A_169 = vector.shape_cast %get3A_168 : vector<1x16xf32> to vector<16xf32>
      %mul3A_170 = arith.mulf %get3A_163, %get3A_169 : vector<16xf32>
      %add3A_171 = arith.constant 5 : i32
      %add3A_172 = arith.addi %mul3A_59, %add3A_171 : i32
      %swap3A_173 = arith.index_cast %add3A_172 : i32 to index
      %swap3A_174 = arith.constant 0 : index
      %swap3A_175 = tpu.vector_load %arg15[%swap3A_173, %swap3A_174] {strides = array<i32>} : memref<1000x16xf32, #tpu.memory_space<vmem>>, vector<1x16xf32>,
      %swap3A_176 = vector.shape_cast %swap3A_175 : vector<1x16xf32> to vector<16xf32>
      %swap3A_177 = vector.shape_cast %mul3A_170 : vector<16xf32> to vector<1x16xf32>
      tpu.vector_store %arg15[%swap3A_173, %swap3A_174], %swap3A_177 {strides = array<i32>} : memref<1000x16xf32, #tpu.memory_space<vmem>>, vector<1x16xf32>,
      %add3A_178 = arith.constant 6 : i32
      %add3A_179 = arith.addi %mul3A_59, %add3A_178 : i32
      %get3A_180 = arith.index_cast %add3A_179 : i32 to index
      %get3A_181 = arith.constant 0 : index
      %get3A_182 = tpu.vector_load %arg11[%get3A_180, %get3A_181] {strides = array<i32>} : memref<1000x16xf32, #tpu.memory_space<vmem>>, vector<1x16xf32>,
      %get3A_183 = vector.shape_cast %get3A_182 : vector<1x16xf32> to vector<16xf32>
      %add3A_184 = arith.constant 6 : i32
      %add3A_185 = arith.addi %mul3A_59, %add3A_184 : i32
      %get3A_186 = arith.index_cast %add3A_185 : i32 to index
      %get3A_187 = arith.constant 0 : index
      %get3A_188 = tpu.vector_load %arg13[%get3A_186, %get3A_187] {strides = array<i32>} : memref<1000x16xf32, #tpu.memory_space<vmem>>, vector<1x16xf32>,
      %get3A_189 = vector.shape_cast %get3A_188 : vector<1x16xf32> to vector<16xf32>
      %mul3A_190 = arith.mulf %get3A_183, %get3A_189 : vector<16xf32>
      %add3A_191 = arith.constant 6 : i32
      %add3A_192 = arith.addi %mul3A_59, %add3A_191 : i32
      %swap3A_193 = arith.index_cast %add3A_192 : i32 to index
      %swap3A_194 = arith.constant 0 : index
      %swap3A_195 = tpu.vector_load %arg15[%swap3A_193, %swap3A_194] {strides = array<i32>} : memref<1000x16xf32, #tpu.memory_space<vmem>>, vector<1x16xf32>,
      %swap3A_196 = vector.shape_cast %swap3A_195 : vector<1x16xf32> to vector<16xf32>
      %swap3A_197 = vector.shape_cast %mul3A_190 : vector<16xf32> to vector<1x16xf32>
      tpu.vector_store %arg15[%swap3A_193, %swap3A_194], %swap3A_197 {strides = array<i32>} : memref<1000x16xf32, #tpu.memory_space<vmem>>, vector<1x16xf32>,
      %add3A_198 = arith.constant 7 : i32
      %add3A_199 = arith.addi %mul3A_59, %add3A_198 : i32
      %get3A_200 = arith.index_cast %add3A_199 : i32 to index
      %get3A_201 = arith.constant 0 : index
      %get3A_202 = tpu.vector_load %arg11[%get3A_200, %get3A_201] {strides = array<i32>} : memref<1000x16xf32, #tpu.memory_space<vmem>>, vector<1x16xf32>,
      %get3A_203 = vector.shape_cast %get3A_202 : vector<1x16xf32> to vector<16xf32>
      %add3A_204 = arith.constant 7 : i32
      %add3A_205 = arith.addi %mul3A_59, %add3A_204 : i32
      %get3A_206 = arith.index_cast %add3A_205 : i32 to index
      %get3A_207 = arith.constant 0 : index
      %get3A_208 = tpu.vector_load %arg13[%get3A_206, %get3A_207] {strides = array<i32>} : memref<1000x16xf32, #tpu.memory_space<vmem>>, vector<1x16xf32>,
      %get3A_209 = vector.shape_cast %get3A_208 : vector<1x16xf32> to vector<16xf32>
      %mul3A_210 = arith.mulf %get3A_203, %get3A_209 : vector<16xf32>
      %add3A_211 = arith.constant 7 : i32
      %add3A_212 = arith.addi %mul3A_59, %add3A_211 : i32
      %swap3A_213 = arith.index_cast %add3A_212 : i32 to index
      %swap3A_214 = arith.constant 0 : index
      %swap3A_215 = tpu.vector_load %arg15[%swap3A_213, %swap3A_214] {strides = array<i32>} : memref<1000x16xf32, #tpu.memory_space<vmem>>, vector<1x16xf32>,
      %swap3A_216 = vector.shape_cast %swap3A_215 : vector<1x16xf32> to vector<16xf32>
      %swap3A_217 = vector.shape_cast %mul3A_210 : vector<16xf32> to vector<1x16xf32>
      tpu.vector_store %arg15[%swap3A_213, %swap3A_214], %swap3A_217 {strides = array<i32>} : memref<1000x16xf32, #tpu.memory_space<vmem>>, vector<1x16xf32>,
    }
    %scan3A_42 = arith.constant 125 : i32
    %add3A_43 = arith.constant 24000 : i32
    %add3A_44 = arith.addi %mul3A_2, %add3A_43 : i32
    %dma_start3A_45 = arith.constant 0 : i32
    %dma_start3A_46 = tpu.memref_slice %arg6[%add3A_44, %dma_start3A_45] : memref<800000x16xf32, #tpu.memory_space<hbm>> -> memref<1000x16xf32, #tpu.memory_space<hbm>>
    %dma_start3A_47 = arith.constant 0 : i32
    %dma_start3A_48 = tpu.memref_slice %arg6[%add3A_44, %dma_start3A_47] : memref<800000x16xf32, #tpu.memory_space<hbm>> -> memref<1000x16xf32, #tpu.memory_space<hbm>>
    tpu.enqueue_dma source(%arg15 : memref<1000x16xf32, #tpu.memory_space<vmem>>) target(%dma_start3A_48 : memref<1000x16xf32, #tpu.memory_space<hbm>>) target_semaphore(%arg21 : memref<!tpu.dma_semaphore, #tpu.memory_space<semaphore_mem>>)
    %dma_wait3A_49 = arith.constant 0 : i32
    %dma_wait3A_50 = tpu.memref_slice %arg6[%mul3A_2, %dma_wait3A_49] : memref<800000x16xf32, #tpu.memory_space<hbm>> -> memref<1000x16xf32, #tpu.memory_space<hbm>>
    %dma_wait3A_51 = arith.constant 0 : i32
    %dma_wait3A_52 = tpu.memref_slice %arg6[%mul3A_2, %dma_wait3A_51] : memref<800000x16xf32, #tpu.memory_space<hbm>> -> memref<1000x16xf32, #tpu.memory_space<hbm>>
    tpu.wait_dma2 semaphore(%arg21 : memref<!tpu.dma_semaphore, #tpu.memory_space<semaphore_mem>>) src(%arg15 : memref<1000x16xf32, #tpu.memory_space<vmem>>) dst(%dma_wait3A_52 : memref<1000x16xf32, #tpu.memory_space<hbm>>)
    %dma_wait3A_53 = arith.constant 0 : i32
    %dma_wait3A_54 = tpu.memref_slice %arg6[%mul3A_2, %dma_wait3A_53] : memref<800000x16xf32, #tpu.memory_space<hbm>> -> memref<1000x16xf32, #tpu.memory_space<hbm>>
    %dma_wait3A_55 = arith.constant 0 : i32
    %dma_wait3A_56 = tpu.memref_slice %arg6[%mul3A_2, %dma_wait3A_55] : memref<800000x16xf32, #tpu.memory_space<hbm>> -> memref<1000x16xf32, #tpu.memory_space<hbm>>
    tpu.wait_dma2 semaphore(%arg22 : memref<!tpu.dma_semaphore, #tpu.memory_space<semaphore_mem>>) src(%arg16 : memref<1000x16xf32, #tpu.memory_space<vmem>>) dst(%dma_wait3A_56 : memref<1000x16xf32, #tpu.memory_space<hbm>>)
    return
  }
}

#map = affine_map<(d0, d1) -> (0, 0)>
#map1 = affine_map<(d0, d1) -> (0)>
#map2 = affine_map<(d0, d1) -> (0, 0, 0)>
module attributes {stable_mosaic.version = 14 : i64} {
  func.func @scatter(%arg0: i32, %arg1: i32, %arg2: memref<800000x16xf32, #tpu.memory_space<hbm>>, %arg3: memref<800000xi32, #tpu.memory_space<hbm>>, %arg4: memref<50000x16xf32, #tpu.memory_space<hbm>>, %arg5: memref<2x50000x16xf32, #tpu.memory_space<hbm>>, %arg6: memref<1000xi32, #tpu.memory_space<vmem>>, %arg7: memref<1000xi32, #tpu.memory_space<vmem>>, %arg8: memref<1000x16xf32, #tpu.memory_space<vmem>>, %arg9: memref<1000x16xf32, #tpu.memory_space<vmem>>, %arg10: memref<!tpu.dma_semaphore, #tpu.memory_space<semaphore_mem>>, %arg11: memref<!tpu.dma_semaphore, #tpu.memory_space<semaphore_mem>>, %arg12: memref<50000x16xf32, #tpu.memory_space<vmem_shared>>) attributes {dimension_semantics = [#tpu.dimension_semantics<core_parallel>, #tpu.dimension_semantics<subcore_parallel>], iteration_bounds = array<i64: 2, 16>, scalar_prefetch = 0 : i64, scratch_operands = 7 : i64, tpu.core_type = #tpu.core_type<sc_vector_subcore>, window_params = [{transform_indices = #map}, {transform_indices = #map1}, {transform_indices = #map}, {transform_indices = #map2}]} {
    %mul3A = arith.constant 2 : i32
    %mul3A_0 = arith.muli %arg1, %mul3A : i32
    %add3A = arith.addi %mul3A_0, %arg0 : i32
    %mul3A_1 = arith.constant 25000 : i32
    %mul3A_2 = arith.muli %add3A, %mul3A_1 : i32
    %mul3A_3 = arith.constant 3125 : i32
    %mul3A_4 = arith.muli %arg1, %mul3A_3 : i32
    "tpu.region"() ({
      %run_scoped3A = tpu.sem_alloc : memref<!tpu.dma_semaphore, #tpu.memory_space<semaphore_mem>>
      %dma_start3A_23 = arith.constant 0 : i32
      %dma_start3A_24 = tpu.memref_slice %arg12[%mul3A_4, %dma_start3A_23] : memref<50000x16xf32, #tpu.memory_space<vmem_shared>> -> memref<3125x16xf32, #tpu.memory_space<vmem_shared>>
      %dma_start3A_25 = arith.constant 0 : i32
      %dma_start3A_26 = tpu.memref_slice %arg4[%mul3A_4, %dma_start3A_25] : memref<50000x16xf32, #tpu.memory_space<hbm>> -> memref<3125x16xf32, #tpu.memory_space<hbm>>
      tpu.enqueue_dma source(%dma_start3A_26 : memref<3125x16xf32, #tpu.memory_space<hbm>>) target(%dma_start3A_24 : memref<3125x16xf32, #tpu.memory_space<vmem_shared>>) target_semaphore(%run_scoped3A : memref<!tpu.dma_semaphore, #tpu.memory_space<semaphore_mem>>)
      %dma_wait3A_27 = arith.constant 0 : i32
      %dma_wait3A_28 = tpu.memref_slice %arg12[%mul3A_4, %dma_wait3A_27] : memref<50000x16xf32, #tpu.memory_space<vmem_shared>> -> memref<3125x16xf32, #tpu.memory_space<vmem_shared>>
      %dma_wait3A_29 = arith.constant 0 : i32
      %dma_wait3A_30 = tpu.memref_slice %arg4[%mul3A_4, %dma_wait3A_29] : memref<50000x16xf32, #tpu.memory_space<hbm>> -> memref<3125x16xf32, #tpu.memory_space<hbm>>
      tpu.wait_dma2 semaphore(%run_scoped3A : memref<!tpu.dma_semaphore, #tpu.memory_space<semaphore_mem>>) src(%dma_wait3A_30 : memref<3125x16xf32, #tpu.memory_space<hbm>>) dst(%dma_wait3A_28 : memref<3125x16xf32, #tpu.memory_space<vmem_shared>>)
      tpu.yield
    }) : () -> ()
    %barrier3A = arith.constant 0 : index
    tpu.barrier barrier_id(%barrier3A)
    %add3A_5 = arith.constant 0 : i32
    %add3A_6 = arith.addi %mul3A_2, %add3A_5 : i32
    %dma_start3A = tpu.memref_slice %arg3[%add3A_6] : memref<800000xi32, #tpu.memory_space<hbm>> -> memref<1000xi32, #tpu.memory_space<hbm>>
    %dma_start3A_7 = tpu.memref_slice %arg3[%add3A_6] : memref<800000xi32, #tpu.memory_space<hbm>> -> memref<1000xi32, #tpu.memory_space<hbm>>
    tpu.enqueue_dma source(%dma_start3A_7 : memref<1000xi32, #tpu.memory_space<hbm>>) target(%arg6 : memref<1000xi32, #tpu.memory_space<vmem>>) target_semaphore(%arg10 : memref<!tpu.dma_semaphore, #tpu.memory_space<semaphore_mem>>)
    %dma_start3A_8 = arith.constant 0 : i32
    %dma_start3A_9 = tpu.memref_slice %arg2[%add3A_6, %dma_start3A_8] : memref<800000x16xf32, #tpu.memory_space<hbm>> -> memref<1000x16xf32, #tpu.memory_space<hbm>>
    %dma_start3A_10 = arith.constant 0 : i32
    %dma_start3A_11 = tpu.memref_slice %arg2[%add3A_6, %dma_start3A_10] : memref<800000x16xf32, #tpu.memory_space<hbm>> -> memref<1000x16xf32, #tpu.memory_space<hbm>>
    tpu.enqueue_dma source(%dma_start3A_11 : memref<1000x16xf32, #tpu.memory_space<hbm>>) target(%arg8 : memref<1000x16xf32, #tpu.memory_space<vmem>>) target_semaphore(%arg10 : memref<!tpu.dma_semaphore, #tpu.memory_space<semaphore_mem>>)
    %scan3A = arith.constant 0 : i32
    %scan3A_12 = arith.constant 0 : i32
    %scan3A_13 = arith.constant 12 : i32
    %scan3A_14 = arith.addi %scan3A_12, %scan3A_13 : i32
    %scan3A_15 = arith.constant 1 : i32
    scf.for %scan3A_23 = %scan3A_12 to %scan3A_14 step %scan3A_15  : i32 {
      %mul3A_24 = arith.constant 2 : i32
      %mul3A_25 = arith.muli %mul3A_24, %scan3A_23 : i32
      %add3A_26 = arith.constant 1 : i32
      %add3A_27 = arith.addi %mul3A_25, %add3A_26 : i32
      %mul3A_28 = arith.constant 1000 : i32
      %mul3A_29 = arith.muli %add3A_27, %mul3A_28 : i32
      %add3A_30 = arith.addi %mul3A_2, %mul3A_29 : i32
      %dma_start3A_31 = tpu.memref_slice %arg3[%add3A_30] : memref<800000xi32, #tpu.memory_space<hbm>> -> memref<1000xi32, #tpu.memory_space<hbm>>
      %dma_start3A_32 = tpu.memref_slice %arg3[%add3A_30] : memref<800000xi32, #tpu.memory_space<hbm>> -> memref<1000xi32, #tpu.memory_space<hbm>>
      tpu.enqueue_dma source(%dma_start3A_32 : memref<1000xi32, #tpu.memory_space<hbm>>) target(%arg7 : memref<1000xi32, #tpu.memory_space<vmem>>) target_semaphore(%arg11 : memref<!tpu.dma_semaphore, #tpu.memory_space<semaphore_mem>>)
      %dma_start3A_33 = arith.constant 0 : i32
      %dma_start3A_34 = tpu.memref_slice %arg2[%add3A_30, %dma_start3A_33] : memref<800000x16xf32, #tpu.memory_space<hbm>> -> memref<1000x16xf32, #tpu.memory_space<hbm>>
      %dma_start3A_35 = arith.constant 0 : i32
      %dma_start3A_36 = tpu.memref_slice %arg2[%add3A_30, %dma_start3A_35] : memref<800000x16xf32, #tpu.memory_space<hbm>> -> memref<1000x16xf32, #tpu.memory_space<hbm>>
      tpu.enqueue_dma source(%dma_start3A_36 : memref<1000x16xf32, #tpu.memory_space<hbm>>) target(%arg9 : memref<1000x16xf32, #tpu.memory_space<vmem>>) target_semaphore(%arg11 : memref<!tpu.dma_semaphore, #tpu.memory_space<semaphore_mem>>)
      %dma_wait3A_37 = tpu.memref_slice %arg3[%mul3A_2] : memref<800000xi32, #tpu.memory_space<hbm>> -> memref<1000xi32, #tpu.memory_space<hbm>>
      %dma_wait3A_38 = tpu.memref_slice %arg3[%mul3A_2] : memref<800000xi32, #tpu.memory_space<hbm>> -> memref<1000xi32, #tpu.memory_space<hbm>>
      tpu.wait_dma2 semaphore(%arg10 : memref<!tpu.dma_semaphore, #tpu.memory_space<semaphore_mem>>) src(%dma_wait3A_38 : memref<1000xi32, #tpu.memory_space<hbm>>) dst(%arg6 : memref<1000xi32, #tpu.memory_space<vmem>>)
      %dma_wait3A_39 = arith.constant 0 : i32
      %dma_wait3A_40 = tpu.memref_slice %arg2[%mul3A_2, %dma_wait3A_39] : memref<800000x16xf32, #tpu.memory_space<hbm>> -> memref<1000x16xf32, #tpu.memory_space<hbm>>
      %dma_wait3A_41 = arith.constant 0 : i32
      %dma_wait3A_42 = tpu.memref_slice %arg2[%mul3A_2, %dma_wait3A_41] : memref<800000x16xf32, #tpu.memory_space<hbm>> -> memref<1000x16xf32, #tpu.memory_space<hbm>>
      tpu.wait_dma2 semaphore(%arg10 : memref<!tpu.dma_semaphore, #tpu.memory_space<semaphore_mem>>) src(%dma_wait3A_42 : memref<1000x16xf32, #tpu.memory_space<hbm>>) dst(%arg8 : memref<1000x16xf32, #tpu.memory_space<vmem>>)
      "tpu.region"() ({
        %run_scoped3A = tpu.sem_alloc : memref<!tpu.dma_semaphore, #tpu.memory_space<semaphore_mem>>
        %dma_start3A_62 = arith.constant 0 : i32
        %dma_start3A_63 = arith.constant 0 : i32
        %dma_start3A_64 = tpu.memref_slice %arg12[%dma_start3A_62, %dma_start3A_63] : memref<50000x16xf32, #tpu.memory_space<vmem_shared>> -> memref<50000x16xf32, #tpu.memory_space<vmem_shared>>
        tpu.enqueue_indirect_dma source(%arg8 : memref<1000x16xf32, #tpu.memory_space<vmem>>) target(%dma_start3A_64 : memref<50000x16xf32, #tpu.memory_space<vmem_shared>>) offsets(%arg6 : memref<1000xi32, #tpu.memory_space<vmem>>) semaphore(%run_scoped3A : memref<!tpu.dma_semaphore, #tpu.memory_space<semaphore_mem>>) {add = true}
        %dma_wait3A_65 = arith.constant 0 : i32
        %dma_wait3A_66 = arith.constant 0 : i32
        %dma_wait3A_67 = tpu.memref_slice %arg12[%dma_wait3A_65, %dma_wait3A_66] : memref<50000x16xf32, #tpu.memory_space<vmem_shared>> -> memref<50000x16xf32, #tpu.memory_space<vmem_shared>>
        tpu.wait_indirect_dma semaphore(%run_scoped3A : memref<!tpu.dma_semaphore, #tpu.memory_space<semaphore_mem>>) src(%arg8 : memref<1000x16xf32, #tpu.memory_space<vmem>>) dst(%dma_wait3A_67 : memref<50000x16xf32, #tpu.memory_space<vmem_shared>>)
        tpu.yield
      }) : () -> ()
      %mul3A_43 = arith.constant 2 : i32
      %mul3A_44 = arith.muli %mul3A_43, %scan3A_23 : i32
      %add3A_45 = arith.constant 2 : i32
      %add3A_46 = arith.addi %mul3A_44, %add3A_45 : i32
      %mul3A_47 = arith.constant 1000 : i32
      %mul3A_48 = arith.muli %add3A_46, %mul3A_47 : i32
      %add3A_49 = arith.addi %mul3A_2, %mul3A_48 : i32
      %dma_start3A_50 = tpu.memref_slice %arg3[%add3A_49] : memref<800000xi32, #tpu.memory_space<hbm>> -> memref<1000xi32, #tpu.memory_space<hbm>>
      %dma_start3A_51 = tpu.memref_slice %arg3[%add3A_49] : memref<800000xi32, #tpu.memory_space<hbm>> -> memref<1000xi32, #tpu.memory_space<hbm>>
      tpu.enqueue_dma source(%dma_start3A_51 : memref<1000xi32, #tpu.memory_space<hbm>>) target(%arg6 : memref<1000xi32, #tpu.memory_space<vmem>>) target_semaphore(%arg10 : memref<!tpu.dma_semaphore, #tpu.memory_space<semaphore_mem>>)
      %dma_start3A_52 = arith.constant 0 : i32
      %dma_start3A_53 = tpu.memref_slice %arg2[%add3A_49, %dma_start3A_52] : memref<800000x16xf32, #tpu.memory_space<hbm>> -> memref<1000x16xf32, #tpu.memory_space<hbm>>
      %dma_start3A_54 = arith.constant 0 : i32
      %dma_start3A_55 = tpu.memref_slice %arg2[%add3A_49, %dma_start3A_54] : memref<800000x16xf32, #tpu.memory_space<hbm>> -> memref<1000x16xf32, #tpu.memory_space<hbm>>
      tpu.enqueue_dma source(%dma_start3A_55 : memref<1000x16xf32, #tpu.memory_space<hbm>>) target(%arg8 : memref<1000x16xf32, #tpu.memory_space<vmem>>) target_semaphore(%arg10 : memref<!tpu.dma_semaphore, #tpu.memory_space<semaphore_mem>>)
      %dma_wait3A_56 = tpu.memref_slice %arg3[%mul3A_2] : memref<800000xi32, #tpu.memory_space<hbm>> -> memref<1000xi32, #tpu.memory_space<hbm>>
      %dma_wait3A_57 = tpu.memref_slice %arg3[%mul3A_2] : memref<800000xi32, #tpu.memory_space<hbm>> -> memref<1000xi32, #tpu.memory_space<hbm>>
      tpu.wait_dma2 semaphore(%arg11 : memref<!tpu.dma_semaphore, #tpu.memory_space<semaphore_mem>>) src(%dma_wait3A_57 : memref<1000xi32, #tpu.memory_space<hbm>>) dst(%arg7 : memref<1000xi32, #tpu.memory_space<vmem>>)
      %dma_wait3A_58 = arith.constant 0 : i32
      %dma_wait3A_59 = tpu.memref_slice %arg2[%mul3A_2, %dma_wait3A_58] : memref<800000x16xf32, #tpu.memory_space<hbm>> -> memref<1000x16xf32, #tpu.memory_space<hbm>>
      %dma_wait3A_60 = arith.constant 0 : i32
      %dma_wait3A_61 = tpu.memref_slice %arg2[%mul3A_2, %dma_wait3A_60] : memref<800000x16xf32, #tpu.memory_space<hbm>> -> memref<1000x16xf32, #tpu.memory_space<hbm>>
      tpu.wait_dma2 semaphore(%arg11 : memref<!tpu.dma_semaphore, #tpu.memory_space<semaphore_mem>>) src(%dma_wait3A_61 : memref<1000x16xf32, #tpu.memory_space<hbm>>) dst(%arg9 : memref<1000x16xf32, #tpu.memory_space<vmem>>)
      "tpu.region"() ({
        %run_scoped3A = tpu.sem_alloc : memref<!tpu.dma_semaphore, #tpu.memory_space<semaphore_mem>>
        %dma_start3A_62 = arith.constant 0 : i32
        %dma_start3A_63 = arith.constant 0 : i32
        %dma_start3A_64 = tpu.memref_slice %arg12[%dma_start3A_62, %dma_start3A_63] : memref<50000x16xf32, #tpu.memory_space<vmem_shared>> -> memref<50000x16xf32, #tpu.memory_space<vmem_shared>>
        tpu.enqueue_indirect_dma source(%arg9 : memref<1000x16xf32, #tpu.memory_space<vmem>>) target(%dma_start3A_64 : memref<50000x16xf32, #tpu.memory_space<vmem_shared>>) offsets(%arg7 : memref<1000xi32, #tpu.memory_space<vmem>>) semaphore(%run_scoped3A : memref<!tpu.dma_semaphore, #tpu.memory_space<semaphore_mem>>) {add = true}
        %dma_wait3A_65 = arith.constant 0 : i32
        %dma_wait3A_66 = arith.constant 0 : i32
        %dma_wait3A_67 = tpu.memref_slice %arg12[%dma_wait3A_65, %dma_wait3A_66] : memref<50000x16xf32, #tpu.memory_space<vmem_shared>> -> memref<50000x16xf32, #tpu.memory_space<vmem_shared>>
        tpu.wait_indirect_dma semaphore(%run_scoped3A : memref<!tpu.dma_semaphore, #tpu.memory_space<semaphore_mem>>) src(%arg9 : memref<1000x16xf32, #tpu.memory_space<vmem>>) dst(%dma_wait3A_67 : memref<50000x16xf32, #tpu.memory_space<vmem_shared>>)
        tpu.yield
      }) : () -> ()
    }
    %scan3A_16 = arith.constant 12 : i32
    %dma_wait3A = tpu.memref_slice %arg3[%mul3A_2] : memref<800000xi32, #tpu.memory_space<hbm>> -> memref<1000xi32, #tpu.memory_space<hbm>>
    %dma_wait3A_17 = tpu.memref_slice %arg3[%mul3A_2] : memref<800000xi32, #tpu.memory_space<hbm>> -> memref<1000xi32, #tpu.memory_space<hbm>>
    tpu.wait_dma2 semaphore(%arg10 : memref<!tpu.dma_semaphore, #tpu.memory_space<semaphore_mem>>) src(%dma_wait3A_17 : memref<1000xi32, #tpu.memory_space<hbm>>) dst(%arg6 : memref<1000xi32, #tpu.memory_space<vmem>>)
    %dma_wait3A_18 = arith.constant 0 : i32
    %dma_wait3A_19 = tpu.memref_slice %arg2[%mul3A_2, %dma_wait3A_18] : memref<800000x16xf32, #tpu.memory_space<hbm>> -> memref<1000x16xf32, #tpu.memory_space<hbm>>
    %dma_wait3A_20 = arith.constant 0 : i32
    %dma_wait3A_21 = tpu.memref_slice %arg2[%mul3A_2, %dma_wait3A_20] : memref<800000x16xf32, #tpu.memory_space<hbm>> -> memref<1000x16xf32, #tpu.memory_space<hbm>>
    tpu.wait_dma2 semaphore(%arg10 : memref<!tpu.dma_semaphore, #tpu.memory_space<semaphore_mem>>) src(%dma_wait3A_21 : memref<1000x16xf32, #tpu.memory_space<hbm>>) dst(%arg8 : memref<1000x16xf32, #tpu.memory_space<vmem>>)
    "tpu.region"() ({
      %run_scoped3A = tpu.sem_alloc : memref<!tpu.dma_semaphore, #tpu.memory_space<semaphore_mem>>
      %dma_start3A_23 = arith.constant 0 : i32
      %dma_start3A_24 = arith.constant 0 : i32
      %dma_start3A_25 = tpu.memref_slice %arg12[%dma_start3A_23, %dma_start3A_24] : memref<50000x16xf32, #tpu.memory_space<vmem_shared>> -> memref<50000x16xf32, #tpu.memory_space<vmem_shared>>
      tpu.enqueue_indirect_dma source(%arg8 : memref<1000x16xf32, #tpu.memory_space<vmem>>) target(%dma_start3A_25 : memref<50000x16xf32, #tpu.memory_space<vmem_shared>>) offsets(%arg6 : memref<1000xi32, #tpu.memory_space<vmem>>) semaphore(%run_scoped3A : memref<!tpu.dma_semaphore, #tpu.memory_space<semaphore_mem>>) {add = true}
      %dma_wait3A_26 = arith.constant 0 : i32
      %dma_wait3A_27 = arith.constant 0 : i32
      %dma_wait3A_28 = tpu.memref_slice %arg12[%dma_wait3A_26, %dma_wait3A_27] : memref<50000x16xf32, #tpu.memory_space<vmem_shared>> -> memref<50000x16xf32, #tpu.memory_space<vmem_shared>>
      tpu.wait_indirect_dma semaphore(%run_scoped3A : memref<!tpu.dma_semaphore, #tpu.memory_space<semaphore_mem>>) src(%arg8 : memref<1000x16xf32, #tpu.memory_space<vmem>>) dst(%dma_wait3A_28 : memref<50000x16xf32, #tpu.memory_space<vmem_shared>>)
      tpu.yield
    }) : () -> ()
    %barrier3A_22 = arith.constant 0 : index
    tpu.barrier barrier_id(%barrier3A_22)
    "tpu.region"() ({
      %run_scoped3A = tpu.sem_alloc : memref<!tpu.dma_semaphore, #tpu.memory_space<semaphore_mem>>
      %dma_start3A_23 = arith.constant 0 : i32
      %dma_start3A_24 = tpu.memref_slice %arg5[%arg0, %mul3A_4, %dma_start3A_23] : memref<2x50000x16xf32, #tpu.memory_space<hbm>> -> memref<1x3125x16xf32, #tpu.memory_space<hbm>>
      %dma_start3A_25 = tpu.memref_squeeze %dma_start3A_24 : memref<1x3125x16xf32, #tpu.memory_space<hbm>> -> memref<3125x16xf32, #tpu.memory_space<hbm>>
      %dma_start3A_26 = arith.constant 0 : i32
      %dma_start3A_27 = tpu.memref_slice %arg12[%mul3A_4, %dma_start3A_26] : memref<50000x16xf32, #tpu.memory_space<vmem_shared>> -> memref<3125x16xf32, #tpu.memory_space<vmem_shared>>
      tpu.enqueue_dma source(%dma_start3A_27 : memref<3125x16xf32, #tpu.memory_space<vmem_shared>>) target(%dma_start3A_25 : memref<3125x16xf32, #tpu.memory_space<hbm>>) target_semaphore(%run_scoped3A : memref<!tpu.dma_semaphore, #tpu.memory_space<semaphore_mem>>)
      %dma_wait3A_28 = arith.constant 0 : i32
      %dma_wait3A_29 = tpu.memref_slice %arg5[%arg0, %mul3A_4, %dma_wait3A_28] : memref<2x50000x16xf32, #tpu.memory_space<hbm>> -> memref<1x3125x16xf32, #tpu.memory_space<hbm>>
      %dma_wait3A_30 = tpu.memref_squeeze %dma_wait3A_29 : memref<1x3125x16xf32, #tpu.memory_space<hbm>> -> memref<3125x16xf32, #tpu.memory_space<hbm>>
      %dma_wait3A_31 = arith.constant 0 : i32
      %dma_wait3A_32 = tpu.memref_slice %arg12[%mul3A_4, %dma_wait3A_31] : memref<50000x16xf32, #tpu.memory_space<vmem_shared>> -> memref<3125x16xf32, #tpu.memory_space<vmem_shared>>
      tpu.wait_dma2 semaphore(%run_scoped3A : memref<!tpu.dma_semaphore, #tpu.memory_space<semaphore_mem>>) src(%dma_wait3A_32 : memref<3125x16xf32, #tpu.memory_space<vmem_shared>>) dst(%dma_wait3A_30 : memref<3125x16xf32, #tpu.memory_space<hbm>>)
      tpu.yield
    }) : () -> ()
    return
  }
}

module attributes {stable_mosaic.version = 14 : i64} {
  func.func @_tables_body(%arg0: memref<6250x128xf32, #tpu.memory_space<vmem>>, %arg1: memref<128x128xf32, #tpu.memory_space<vmem>>, %arg2: memref<128x128xf32, #tpu.memory_space<vmem>>, %arg3: memref<6250x128xf32, #tpu.memory_space<vmem>>, %arg4: memref<6250x128xf32, #tpu.memory_space<vmem>>) attributes {dimension_semantics = [], scalar_prefetch = 0 : i64, scratch_operands = 0 : i64, tpu.core_type = #tpu.core_type<tc>} {
    %get3A = arith.constant 0 : index
    %get3A_0 = arith.constant 0 : index
    %get3A_1 = vector.load %arg0[%get3A, %get3A_0] : memref<6250x128xf32, #tpu.memory_space<vmem>>, vector<6250x128xf32>
    %get3A_2 = arith.constant 0 : index
    %get3A_3 = arith.constant 0 : index
    %get3A_4 = vector.load %arg1[%get3A_2, %get3A_3] : memref<128x128xf32, #tpu.memory_space<vmem>>, vector<128x128xf32>
    %dot_general3A = arith.constant dense<0.000000e+00> : vector<6250x128xf32>
    %dot_general3A_5 = tpu.matmul %get3A_1, %get3A_4, %dot_general3A {dimension_numbers = #tpu.dot_dimension_numbers<[1], [0], [0], [1], [0, 0, 1, 1], [], []>, transpose_lhs_hint = false} : vector<6250x128xf32>, vector<128x128xf32>, vector<6250x128xf32> -> vector<6250x128xf32>
    %swap3A = arith.constant 0 : index
    %swap3A_6 = arith.constant 0 : index
    %swap3A_7 = vector.load %arg3[%swap3A, %swap3A_6] : memref<6250x128xf32, #tpu.memory_space<vmem>>, vector<6250x128xf32>
    tpu.vector_store %arg3[%swap3A, %swap3A_6], %dot_general3A_5 {strides = array<i32>} : memref<6250x128xf32, #tpu.memory_space<vmem>>, vector<6250x128xf32>,
    %get3A_8 = arith.constant 0 : index
    %get3A_9 = arith.constant 0 : index
    %get3A_10 = vector.load %arg2[%get3A_8, %get3A_9] : memref<128x128xf32, #tpu.memory_space<vmem>>, vector<128x128xf32>
    %dot_general3A_11 = arith.constant dense<0.000000e+00> : vector<6250x128xf32>
    %dot_general3A_12 = tpu.matmul %get3A_1, %get3A_10, %dot_general3A_11 {dimension_numbers = #tpu.dot_dimension_numbers<[1], [0], [0], [1], [0, 0, 1, 1], [], []>, transpose_lhs_hint = false} : vector<6250x128xf32>, vector<128x128xf32>, vector<6250x128xf32> -> vector<6250x128xf32>
    %swap3A_13 = arith.constant 0 : index
    %swap3A_14 = arith.constant 0 : index
    %swap3A_15 = vector.load %arg4[%swap3A_13, %swap3A_14] : memref<6250x128xf32, #tpu.memory_space<vmem>>, vector<6250x128xf32>
    tpu.vector_store %arg4[%swap3A_13, %swap3A_14], %dot_general3A_12 {strides = array<i32>} : memref<6250x128xf32, #tpu.memory_space<vmem>>, vector<6250x128xf32>,
    return
  }
}

module attributes {stable_mosaic.version = 14 : i64} {
  func.func @_mid_body(%arg0: i32, %arg1: memref<10000x128xf32, #tpu.memory_space<vmem>>, %arg2: memref<128x128xf32, #tpu.memory_space<vmem>>, %arg3: memref<1x128xf32, #tpu.memory_space<vmem>>, %arg4: memref<128x128xf32, #tpu.memory_space<vmem>>, %arg5: memref<1x128xf32, #tpu.memory_space<vmem>>, %arg6: memref<10000x128xf32, #tpu.memory_space<vmem>>) attributes {dimension_semantics = [#tpu.dimension_semantics<arbitrary>], iteration_bounds = array<i64: 10>, scalar_prefetch = 0 : i64, scratch_operands = 0 : i64, tpu.core_type = #tpu.core_type<tc>, window_params = [{transform_indices = @transform_0, window_bounds = array<i64: 10000, 128>}, {pipeline_mode = #tpu.pipeline_mode<synchronous>, transform_indices = @transform_1, window_bounds = array<i64: 128, 128>}, {pipeline_mode = #tpu.pipeline_mode<synchronous>, transform_indices = @transform_2, window_bounds = array<i64: 1, 128>}, {pipeline_mode = #tpu.pipeline_mode<synchronous>, transform_indices = @transform_3, window_bounds = array<i64: 128, 128>}, {pipeline_mode = #tpu.pipeline_mode<synchronous>, transform_indices = @transform_4, window_bounds = array<i64: 1, 128>}, {transform_indices = @transform_5, window_bounds = array<i64: 10000, 128>}]} {
    %get3A = arith.constant 0 : index
    %get3A_0 = arith.constant 0 : index
    %get3A_1 = vector.load %arg1[%get3A, %get3A_0] : memref<10000x128xf32, #tpu.memory_space<vmem>>, vector<10000x128xf32>
    %gt3A = arith.constant 0.000000e+00 : f32
    %gt3A_2 = vector.broadcast %gt3A : f32 to vector<10000x128xf32>
    %gt3A_3 = arith.cmpf ogt, %get3A_1, %gt3A_2 : vector<10000x128xf32>
    %min3A = arith.constant 0.000000e+00 : f32
    %min3A_4 = vector.broadcast %min3A : f32 to vector<10000x128xf32>
    %min3A_5 = arith.minimumf %get3A_1, %min3A_4 : vector<10000x128xf32>
    %exp3A = math.exp %min3A_5 : vector<10000x128xf32>
    %sub3A = arith.constant 1.000000e+00 : f32
    %sub3A_6 = vector.broadcast %sub3A : f32 to vector<10000x128xf32>
    %sub3A_7 = arith.subf %exp3A, %sub3A_6 : vector<10000x128xf32>
    %select_n3A = arith.select %gt3A_3, %get3A_1, %sub3A_7 : vector<10000x128xi1>, vector<10000x128xf32>
    %get3A_8 = arith.constant 0 : index
    %get3A_9 = arith.constant 0 : index
    %get3A_10 = vector.load %arg2[%get3A_8, %get3A_9] : memref<128x128xf32, #tpu.memory_space<vmem>>, vector<128x128xf32>
    %dot_general3A = arith.constant dense<0.000000e+00> : vector<10000x128xf32>
    %dot_general3A_11 = tpu.matmul %select_n3A, %get3A_10, %dot_general3A {dimension_numbers = #tpu.dot_dimension_numbers<[1], [0], [0], [1], [0, 0, 1, 1], [], []>, transpose_lhs_hint = false} : vector<10000x128xf32>, vector<128x128xf32>, vector<10000x128xf32> -> vector<10000x128xf32>
    %get3A_12 = arith.constant 0 : index
    %get3A_13 = arith.constant 0 : index
    %get3A_14 = vector.load %arg3[%get3A_12, %get3A_13] : memref<1x128xf32, #tpu.memory_space<vmem>>, vector<1x128xf32>
    %add3A = vector.broadcast %get3A_14 : vector<1x128xf32> to vector<10000x128xf32>
    %add3A_15 = arith.addf %dot_general3A_11, %add3A : vector<10000x128xf32>
    %logistic3A = arith.negf %add3A_15 : vector<10000x128xf32>
    %logistic3A_16 = math.exp %logistic3A : vector<10000x128xf32>
    %logistic3A_17 = arith.constant 1.000000e+00 : f32
    %logistic3A_18 = vector.broadcast %logistic3A_17 : f32 to vector<10000x128xf32>
    %logistic3A_19 = arith.addf %logistic3A_18, %logistic3A_16 : vector<10000x128xf32>
    %logistic3A_20 = arith.divf %logistic3A_18, %logistic3A_19 : vector<10000x128xf32>
    %get3A_21 = arith.constant 0 : index
    %get3A_22 = arith.constant 0 : index
    %get3A_23 = vector.load %arg4[%get3A_21, %get3A_22] : memref<128x128xf32, #tpu.memory_space<vmem>>, vector<128x128xf32>
    %dot_general3A_24 = arith.constant dense<0.000000e+00> : vector<10000x128xf32>
    %dot_general3A_25 = tpu.matmul %select_n3A, %get3A_23, %dot_general3A_24 {dimension_numbers = #tpu.dot_dimension_numbers<[1], [0], [0], [1], [0, 0, 1, 1], [], []>, transpose_lhs_hint = false} : vector<10000x128xf32>, vector<128x128xf32>, vector<10000x128xf32> -> vector<10000x128xf32>
    %get3A_26 = arith.constant 0 : index
    %get3A_27 = arith.constant 0 : index
    %get3A_28 = vector.load %arg5[%get3A_26, %get3A_27] : memref<1x128xf32, #tpu.memory_space<vmem>>, vector<1x128xf32>
    %add3A_29 = vector.broadcast %get3A_28 : vector<1x128xf32> to vector<10000x128xf32>
    %add3A_30 = arith.addf %dot_general3A_25, %add3A_29 : vector<10000x128xf32>
    %custom_jvp_call3A = arith.constant 0.000000e+00 : f32
    %max3A = vector.broadcast %custom_jvp_call3A : f32 to vector<10000x128xf32>
    %max3A_31 = arith.maximumf %add3A_30, %max3A : vector<10000x128xf32>
    %sub3A_32 = vector.broadcast %custom_jvp_call3A : f32 to vector<10000x128xf32>
    %sub3A_33 = arith.subf %add3A_30, %sub3A_32 : vector<10000x128xf32>
    %ne3A = arith.cmpf one, %sub3A_33, %sub3A_33 : vector<10000x128xf32>
    %add3A_34 = vector.broadcast %custom_jvp_call3A : f32 to vector<10000x128xf32>
    %add3A_35 = arith.addf %add3A_30, %add3A_34 : vector<10000x128xf32>
    %abs3A = math.absf %sub3A_33 : vector<10000x128xf32>
    %neg3A = arith.constant 0.000000e+00 : f32
    %neg3A_36 = vector.broadcast %neg3A : f32 to vector<10000x128xf32>
    %neg3A_37 = arith.subf %neg3A_36, %abs3A : vector<10000x128xf32>
    %exp3A_38 = math.exp %neg3A_37 : vector<10000x128xf32>
    %log1p3A = math.log1p %exp3A_38 : vector<10000x128xf32>
    %add3A_39 = arith.addf %max3A_31, %log1p3A : vector<10000x128xf32>
    %select_n3A_40 = arith.select %ne3A, %add3A_35, %add3A_39 : vector<10000x128xi1>, vector<10000x128xf32>
    %mul3A = arith.mulf %logistic3A_20, %select_n3A_40 : vector<10000x128xf32>
    %swap3A = arith.constant 0 : index
    %swap3A_41 = arith.constant 0 : index
    %swap3A_42 = vector.load %arg6[%swap3A, %swap3A_41] : memref<10000x128xf32, #tpu.memory_space<vmem>>, vector<10000x128xf32>
    tpu.vector_store %arg6[%swap3A, %swap3A_41], %mul3A {strides = array<i32>} : memref<10000x128xf32, #tpu.memory_space<vmem>>, vector<10000x128xf32>,
    return
  }
  func.func @transform_0(%arg0: i32) -> (i32, i32) {
    %c0_i32 = arith.constant 0 : i32
    %c0_i32_0 = arith.constant 0 : i32
    return %arg0, %c0_i32 : i32, i32
  }
  func.func @transform_1(%arg0: i32) -> (i32, i32) {
    %c0_i32 = arith.constant 0 : i32
    %c0_i32_0 = arith.constant 0 : i32
    %c0_i32_1 = arith.constant 0 : i32
    return %c0_i32, %c0_i32_0 : i32, i32
  }
  func.func @transform_2(%arg0: i32) -> (i32, i32) {
    %c0_i32 = arith.constant 0 : i32
    %c0_i32_0 = arith.constant 0 : i32
    %c0_i32_1 = arith.constant 0 : i32
    return %c0_i32, %c0_i32_0 : i32, i32
  }
  func.func @transform_3(%arg0: i32) -> (i32, i32) {
    %c0_i32 = arith.constant 0 : i32
    %c0_i32_0 = arith.constant 0 : i32
    %c0_i32_1 = arith.constant 0 : i32
    return %c0_i32, %c0_i32_0 : i32, i32
  }
  func.func @transform_4(%arg0: i32) -> (i32, i32) {
    %c0_i32 = arith.constant 0 : i32
    %c0_i32_0 = arith.constant 0 : i32
    %c0_i32_1 = arith.constant 0 : i32
    return %c0_i32, %c0_i32_0 : i32, i32
  }
  func.func @transform_5(%arg0: i32) -> (i32, i32) {
    %c0_i32 = arith.constant 0 : i32
    %c0_i32_0 = arith.constant 0 : i32
    return %arg0, %c0_i32 : i32, i32
  }
}

module attributes {stable_mosaic.version = 14 : i64} {
  func.func @_finale_body(%arg0: memref<6250x128xf32, #tpu.memory_space<vmem>>, %arg1: memref<2x6250x128xf32, #tpu.memory_space<vmem>>, %arg2: memref<2x6250x128xf32, #tpu.memory_space<vmem>>, %arg3: memref<1x128xf32, #tpu.memory_space<vmem>>, %arg4: memref<1x128xf32, #tpu.memory_space<vmem>>, %arg5: memref<6250x128xf32, #tpu.memory_space<vmem>>) attributes {dimension_semantics = [], scalar_prefetch = 0 : i64, scratch_operands = 0 : i64, tpu.core_type = #tpu.core_type<tc>} {
    %get3A = arith.constant 0 : index
    %get3A_0 = arith.constant 0 : index
    %get3A_1 = vector.load %arg0[%get3A, %get3A_0] : memref<6250x128xf32, #tpu.memory_space<vmem>>, vector<6250x128xf32>
    %get3A_2 = arith.constant 0 : index
    %get3A_3 = arith.constant 0 : index
    %get3A_4 = arith.constant 0 : index
    %get3A_5 = vector.load %arg1[%get3A_2, %get3A_3, %get3A_4] : memref<2x6250x128xf32, #tpu.memory_space<vmem>>, vector<1x6250x128xf32>
    %get3A_6 = vector.shape_cast %get3A_5 : vector<1x6250x128xf32> to vector<6250x128xf32>
    %get3A_7 = arith.constant 1 : index
    %get3A_8 = arith.constant 0 : index
    %get3A_9 = arith.constant 0 : index
    %get3A_10 = vector.load %arg1[%get3A_7, %get3A_8, %get3A_9] : memref<2x6250x128xf32, #tpu.memory_space<vmem>>, vector<1x6250x128xf32>
    %get3A_11 = vector.shape_cast %get3A_10 : vector<1x6250x128xf32> to vector<6250x128xf32>
    %add3A = arith.addf %get3A_6, %get3A_11 : vector<6250x128xf32>
    %add3A_12 = arith.addf %get3A_1, %add3A : vector<6250x128xf32>
    %get3A_13 = arith.constant 0 : index
    %get3A_14 = arith.constant 0 : index
    %get3A_15 = arith.constant 0 : index
    %get3A_16 = vector.load %arg2[%get3A_13, %get3A_14, %get3A_15] : memref<2x6250x128xf32, #tpu.memory_space<vmem>>, vector<1x6250x128xf32>
    %get3A_17 = vector.shape_cast %get3A_16 : vector<1x6250x128xf32> to vector<6250x128xf32>
    %get3A_18 = arith.constant 1 : index
    %get3A_19 = arith.constant 0 : index
    %get3A_20 = arith.constant 0 : index
    %get3A_21 = vector.load %arg2[%get3A_18, %get3A_19, %get3A_20] : memref<2x6250x128xf32, #tpu.memory_space<vmem>>, vector<1x6250x128xf32>
    %get3A_22 = vector.shape_cast %get3A_21 : vector<1x6250x128xf32> to vector<6250x128xf32>
    %add3A_23 = arith.addf %get3A_17, %get3A_22 : vector<6250x128xf32>
    %add3A_24 = arith.addf %add3A_12, %add3A_23 : vector<6250x128xf32>
    %iota3A = tpu.iota {dimensions = array<i32: 0>} : vector<128x128xi32>
    %iota3A_25 = tpu.iota {dimensions = array<i32: 1>} : vector<128x128xi32>
    %jit3A = arith.constant 16 : i32
    %eq3A = arith.constant 0 : i32
    %eq3A_26 = arith.cmpi eq, %jit3A, %eq3A : i32
    %jit3A_27 = arith.constant 1 : i32
    %select_n3A = arith.select %eq3A_26, %jit3A_27, %jit3A : i32
    %rem3A = vector.broadcast %select_n3A : i32 to vector<128x128xi32>
    %rem3A_28 = arith.remsi %iota3A, %rem3A : vector<128x128xi32>
    %ne3A = arith.constant 0 : i32
    %ne3A_29 = vector.broadcast %ne3A : i32 to vector<128x128xi32>
    %ne3A_30 = arith.cmpi ne, %rem3A_28, %ne3A_29 : vector<128x128xi32>
    %lt3A = arith.constant 0 : i32
    %lt3A_31 = vector.broadcast %lt3A : i32 to vector<128x128xi32>
    %lt3A_32 = arith.cmpi slt, %rem3A_28, %lt3A_31 : vector<128x128xi32>
    %lt3A_33 = arith.constant 0 : i32
    %lt3A_34 = arith.cmpi slt, %select_n3A, %lt3A_33 : i32
    %ne3A_35 = vector.broadcast %lt3A_34 : i1 to vector<128x128xi1>
    %ne3A_36 = vector.broadcast %ne3A_35 : vector<128x128xi1> to vector<128x128xi1>
    %ne3A_37 = arith.xori %lt3A_32, %ne3A_36 : vector<128x128xi1>
    %and3A = arith.andi %ne3A_37, %ne3A_30 : vector<128x128xi1>
    %add3A_38 = vector.broadcast %select_n3A : i32 to vector<128x128xi32>
    %add3A_39 = arith.addi %rem3A_28, %add3A_38 : vector<128x128xi32>
    %select_n3A_40 = arith.select %and3A, %add3A_39, %rem3A_28 : vector<128x128xi1>, vector<128x128xi32>
    %jit3A_41 = arith.constant 16 : i32
    %eq3A_42 = arith.constant 0 : i32
    %eq3A_43 = arith.cmpi eq, %jit3A_41, %eq3A_42 : i32
    %jit3A_44 = arith.constant 1 : i32
    %select_n3A_45 = arith.select %eq3A_43, %jit3A_44, %jit3A_41 : i32
    %rem3A_46 = vector.broadcast %select_n3A_45 : i32 to vector<128x128xi32>
    %rem3A_47 = arith.remsi %iota3A_25, %rem3A_46 : vector<128x128xi32>
    %ne3A_48 = arith.constant 0 : i32
    %ne3A_49 = vector.broadcast %ne3A_48 : i32 to vector<128x128xi32>
    %ne3A_50 = arith.cmpi ne, %rem3A_47, %ne3A_49 : vector<128x128xi32>
    %lt3A_51 = arith.constant 0 : i32
    %lt3A_52 = vector.broadcast %lt3A_51 : i32 to vector<128x128xi32>
    %lt3A_53 = arith.cmpi slt, %rem3A_47, %lt3A_52 : vector<128x128xi32>
    %lt3A_54 = arith.constant 0 : i32
    %lt3A_55 = arith.cmpi slt, %select_n3A_45, %lt3A_54 : i32
    %ne3A_56 = vector.broadcast %lt3A_55 : i1 to vector<128x128xi1>
    %ne3A_57 = vector.broadcast %ne3A_56 : vector<128x128xi1> to vector<128x128xi1>
    %ne3A_58 = arith.xori %lt3A_53, %ne3A_57 : vector<128x128xi1>
    %and3A_59 = arith.andi %ne3A_58, %ne3A_50 : vector<128x128xi1>
    %add3A_60 = vector.broadcast %select_n3A_45 : i32 to vector<128x128xi32>
    %add3A_61 = arith.addi %rem3A_47, %add3A_60 : vector<128x128xi32>
    %select_n3A_62 = arith.select %and3A_59, %add3A_61, %rem3A_47 : vector<128x128xi1>, vector<128x128xi32>
    %eq3A_63 = arith.cmpi eq, %select_n3A_40, %select_n3A_62 : vector<128x128xi32>
    %jit3A_64 = arith.constant 2.000000e-05 : f32
    %jit3A_65 = arith.constant 0.000000e+00 : f32
    %broadcast_in_dim3A = vector.broadcast %jit3A_64 : f32 to vector<128x128xf32>
    %broadcast_in_dim3A_66 = vector.broadcast %jit3A_65 : f32 to vector<128x128xf32>
    %select_n3A_67 = arith.select %eq3A_63, %broadcast_in_dim3A, %broadcast_in_dim3A_66 : vector<128x128xi1>, vector<128x128xf32>
    %reduce_sum3A = arith.constant dense<0.000000e+00> : vector<128xf32>
    %reduce_sum3A_68 = vector.multi_reduction <add>, %add3A_24, %reduce_sum3A [0] : vector<6250x128xf32> to vector<128xf32>
    %broadcast_in_dim3A_69 = vector.shape_cast %reduce_sum3A_68 : vector<128xf32> to vector<1x128xf32>
    %dot_general3A = arith.constant dense<0.000000e+00> : vector<1x128xf32>
    %dot_general3A_70 = tpu.matmul %broadcast_in_dim3A_69, %select_n3A_67, %dot_general3A {dimension_numbers = #tpu.dot_dimension_numbers<[1], [0], [0], [1], [0, 0, 1, 1], [], []>, transpose_lhs_hint = false} : vector<1x128xf32>, vector<128x128xf32>, vector<1x128xf32> -> vector<1x128xf32>
    %sub3A = vector.broadcast %dot_general3A_70 : vector<1x128xf32> to vector<6250x128xf32>
    %sub3A_71 = arith.subf %add3A_24, %sub3A : vector<6250x128xf32>
    %mul3A = arith.mulf %sub3A_71, %sub3A_71 : vector<6250x128xf32>
    %reduce_sum3A_72 = arith.constant dense<0.000000e+00> : vector<128xf32>
    %reduce_sum3A_73 = vector.multi_reduction <add>, %mul3A, %reduce_sum3A_72 [0] : vector<6250x128xf32> to vector<128xf32>
    %broadcast_in_dim3A_74 = vector.shape_cast %reduce_sum3A_73 : vector<128xf32> to vector<1x128xf32>
    %dot_general3A_75 = arith.constant dense<0.000000e+00> : vector<1x128xf32>
    %dot_general3A_76 = tpu.matmul %broadcast_in_dim3A_74, %select_n3A_67, %dot_general3A_75 {dimension_numbers = #tpu.dot_dimension_numbers<[1], [0], [0], [1], [0, 0, 1, 1], [], []>, transpose_lhs_hint = false} : vector<1x128xf32>, vector<128x128xf32>, vector<1x128xf32> -> vector<1x128xf32>
    %add3A_77 = arith.constant 9.99999974E-6 : f32
    %add3A_78 = vector.broadcast %add3A_77 : f32 to vector<1x128xf32>
    %add3A_79 = arith.addf %dot_general3A_76, %add3A_78 : vector<1x128xf32>
    %rsqrt3A = math.rsqrt %add3A_79 : vector<1x128xf32>
    %mul3A_80 = vector.broadcast %rsqrt3A : vector<1x128xf32> to vector<6250x128xf32>
    %mul3A_81 = arith.mulf %sub3A_71, %mul3A_80 : vector<6250x128xf32>
    %get3A_82 = arith.constant 0 : index
    %get3A_83 = arith.constant 0 : index
    %get3A_84 = vector.load %arg3[%get3A_82, %get3A_83] : memref<1x128xf32, #tpu.memory_space<vmem>>, vector<1x128xf32>
    %mul3A_85 = vector.broadcast %get3A_84 : vector<1x128xf32> to vector<6250x128xf32>
    %mul3A_86 = arith.mulf %mul3A_81, %mul3A_85 : vector<6250x128xf32>
    %get3A_87 = arith.constant 0 : index
    %get3A_88 = arith.constant 0 : index
    %get3A_89 = vector.load %arg4[%get3A_87, %get3A_88] : memref<1x128xf32, #tpu.memory_space<vmem>>, vector<1x128xf32>
    %add3A_90 = vector.broadcast %get3A_89 : vector<1x128xf32> to vector<6250x128xf32>
    %add3A_91 = arith.addf %mul3A_86, %add3A_90 : vector<6250x128xf32>
    %add3A_92 = arith.addf %get3A_1, %add3A_91 : vector<6250x128xf32>
    %custom_jvp_call3A = arith.constant 0.000000e+00 : f32
    %max3A = vector.broadcast %custom_jvp_call3A : f32 to vector<6250x128xf32>
    %max3A_93 = arith.maximumf %add3A_92, %max3A : vector<6250x128xf32>
    %sub3A_94 = vector.broadcast %custom_jvp_call3A : f32 to vector<6250x128xf32>
    %sub3A_95 = arith.subf %add3A_92, %sub3A_94 : vector<6250x128xf32>
    %ne3A_96 = arith.cmpf one, %sub3A_95, %sub3A_95 : vector<6250x128xf32>
    %add3A_97 = vector.broadcast %custom_jvp_call3A : f32 to vector<6250x128xf32>
    %add3A_98 = arith.addf %add3A_92, %add3A_97 : vector<6250x128xf32>
    %abs3A = math.absf %sub3A_95 : vector<6250x128xf32>
    %neg3A = arith.constant 0.000000e+00 : f32
    %neg3A_99 = vector.broadcast %neg3A : f32 to vector<6250x128xf32>
    %neg3A_100 = arith.subf %neg3A_99, %abs3A : vector<6250x128xf32>
    %exp3A = math.exp %neg3A_100 : vector<6250x128xf32>
    %log1p3A = math.log1p %exp3A : vector<6250x128xf32>
    %add3A_101 = arith.addf %max3A_93, %log1p3A : vector<6250x128xf32>
    %select_n3A_102 = arith.select %ne3A_96, %add3A_98, %add3A_101 : vector<6250x128xi1>, vector<6250x128xf32>
    %swap3A = arith.constant 0 : index
    %swap3A_103 = arith.constant 0 : index
    %swap3A_104 = vector.load %arg5[%swap3A, %swap3A_103] : memref<6250x128xf32, #tpu.memory_space<vmem>>, vector<6250x128xf32>
    tpu.vector_store %arg5[%swap3A, %swap3A_103], %select_n3A_102 {strides = array<i32>} : memref<6250x128xf32, #tpu.memory_space<vmem>>, vector<6250x128xf32>,
    return
  }
}

</mosaic_0001>

<sc_bundles>
// kernel: kernel.10.cloned.1.call-start
scs
__scs_entry_jumppad:
0x0: {  	(pc) =	sbr.rel $0x88, $3  }
0x1: {  	(tag) =	ssettag $0x0;
	lr =	simm.s32 $0x1  }
0x2: {  	[smem:$0x3F98] =	sst lr;
	_ =	strace $0xD0000000  }
0x3: {  	_ = 	snop  }
0x4: {  	_ = 	snop  }
0x5: {  	_ = 	snop  }
0x6: {  	_ = 	snop  }
0x7: {  	_ = 	snop  }
__scs_overlays_trampoline_lowered:
0x8: {  	[smem:$0x3FA7] =	sst s0  }
0x9: {  	[smem:$0x3FA8] =	sst s1  }
0xa: {  	[smem:$0x3FA9] =	sst s2  }
0xb: {  	[smem:$0x3FAA] =	sst s3  }
0xc: {  	[smem:$0x3FAB] =	sst s4  }
0xd: {  	[smem:$0x3FAC] =	sst s5  }
0xe: {  	[smem:$0x3FAD] =	sst s6  }
0xf: {  	[smem:$0x3FAE] =	sst s7  }
0x10: {  	[smem:$0x3FAF] =	sst s8  }
0x11: {  	[smem:$0x3FB0] =	sst s9;
	s0 =	simm.s32 @!p0 $0x0  }
0x12: {  	s1 =	sld [smem:$0x3F96];
	s0 =	simm.s32 @p0 $0x1  }
0x13: {  	[smem:$0x3FB1] =	sst s0;
	s0 =	simm.s32 @!p1 $0x0  }
0x14: {  	s2 =	sld [smem:$0x3F95];
	s0 =	simm.s32 @p1 $0x1  }
0x15: {  	[smem:$0x3FB2] =	sst s0;
	s0 =	simm.s32 @!p2 $0x0  }
0x16: {  	s3 =	sld [smem:$0x3FDB];
	s0 =	simm.s32 @p2 $0x1  }
0x17: {  	s4 =	simm.s32 $0x1BF5;
	[smem:$0x3FB4] =	sst s0  }
0x18: {  	s0 =	sld [smem:$0x3F97];
	_ =	swait.ge [sflag:s4], $0x0  }
0x19: {  	s7 =	sld [smem:$0x3F98]  }
0x1a: {  	s8 =	sadd.s32 $0xFFFFE003, lr  }
0x1b: {  	s9 =	sadd.s32 $0xFFFFFEF7, lr;
	s5 =	simm.s32 $0xFFFFFFFF;
	p2 =	slt.u32 s8, $0xFFFFF086  }
0x1c: {  	p1 =	slt.u32 s9, $0xF7A;
	s5 =	simm.s32 @!p2 $0x0  }
0x1d: {  	s5 =	simm.s32 @p1 $0x1;
	p0 =	seq.s32 s7, s2  }
0x1e: {  	s7 =	smul.u32 @!p0 $0xF7A, s2;
	p2 =	seq.s32 @!p0 s5, $0x0  }
0x1f: {  	s9 =	smul.u32 $0xF7A, s1;
	s8 =	simm.s32 @!p0 $0x1BF5;
	p2 =	por !p2, p0  }
0x20: {  	[sflag:s8] =	ssyncset.s32 @!p0 $0xFFFFF086;
	s6 =	sadd.s32 @!p0 s3, s7;
	s7 =	simm.s32 @!p0 $0x108  }
0x21: {  	s3 =	sadd.s32 s3, s9;
	s6 =	sadd.s32 @!p0 $0x88, s6;
	s7 =	simm.s32 @p2 $0x1082  }
0x22: {  	[simem:s7], [sflag:s8] =	dma.local @!p0 [hbm:s6], $0xF7A  }
0x23: {  	s9 =	sor.u32 $0xD0000000, s2;
	s6 =	simm.s32 $0x108;
	_ =	swait.ge @!p0 [sflag:s8], $0x0  }
0x24: {  	s3 =	sadd.s32 $0x88, s3;
	s6 =	simm.s32 @!p1 $0x1082;
	[sflag:s4] =	ssyncset.s32 $0xFFFFF086  }
0x25: {  	[simem:s6], [sflag:s4] =	dma.local [hbm:s3], $0xF7A  }
0x26: {  	[smem:$0x3F98] =	sst s1;
	(tag) =	ssettag s2;
	_ =	strace s9  }
0x27: {  	s1 =	sld [smem:$0x3FA8]  }
0x28: {  	s2 =	sld [smem:$0x3FA9]  }
0x29: {  	s4 =	sld [smem:$0x3FAB]  }
0x2a: {  	p0 =	seq.s32 s5, $0x0;
	s5 =	sld [smem:$0x3FAC]  }
0x2b: {  	s6 =	sld [smem:$0x3FAD]  }
0x2c: {  	s7 =	sld [smem:$0x3FAE]  }
0x2d: {  	s3 =	simm.s32 $0x108;
	s8 =	sld [smem:$0x3FAF]  }
0x2e: {  	s3 =	simm.s32 @!p0 $0x1082;
	s9 =	sld [smem:$0x3FB0]  }
0x2f: {  	lr =	sadd.s32 s0, s3;
	s0 =	sld [smem:$0x3FA7]  }
0x30: {  	s3 =	sld [smem:$0x3FAA]  }
0x31: {  	[smem:$0x3FB3] =	sst s10  }
0x32: {  	s10 =	sld [smem:$0x3FB1];
	_ =	sdelay $0x3  }
0x33: {  	p0 =	seq.s32 s10, $0x1;
	s10 =	sld [smem:$0x3FB3];
	_ =	sdelay $0x3  }
0x34: {  	[smem:$0x3FB3] =	sst s10  }
0x35: {  	s10 =	sld [smem:$0x3FB2];
	_ =	sdelay $0x3  }
0x36: {  	p1 =	seq.s32 s10, $0x1;
	s10 =	sld [smem:$0x3FB3];
	_ =	sdelay $0x3  }
0x37: {  	[smem:$0x3FB3] =	sst s10  }
0x38: {  	s10 =	sld [smem:$0x3FB4]  }
0x39: {  	_ = 	snop;
	(pc) =	sbr.ind lr, $3  }
0x3a: {  	_ = 	snop  }
0x3b: {  	_ = 	snop  }
0x3c: {  	p2 =	seq.s32 s10, $0x1;
	s10 =	sld [smem:$0x3FB3]  }
0x3d: {  	_ =	shalt  }
0x3e: {  	_ =	shalt  }
0x3f: {  	_ =	shalt  }
0x40: {  	_ =	shalt  }
0x41: {  	_ =	shalt  }
0x42: {  	_ =	shalt  }
0x43: {  	_ =	shalt  }
0x44: {  	_ =	shalt  }
0x45: {  	_ =	shalt  }
0x46: {  	_ =	shalt  }
0x47: {  	_ =	shalt  }
0x48: {  	_ =	shalt  }
0x49: {  	_ =	shalt  }
0x4a: {  	_ =	shalt  }
0x4b: {  	_ =	shalt  }
0x4c: {  	_ =	shalt  }
0x4d: {  	_ =	shalt  }
0x4e: {  	_ =	shalt  }
0x4f: {  	_ =	shalt  }
0x50: {  	_ =	shalt  }
0x51: {  	_ =	shalt  }
0x52: {  	_ =	shalt  }
0x53: {  	_ =	shalt  }
0x54: {  	_ =	shalt  }
0x55: {  	_ =	shalt  }
0x56: {  	_ =	shalt  }
0x57: {  	_ =	shalt  }
0x58: {  	_ =	shalt  }
0x59: {  	_ =	shalt  }
0x5a: {  	_ =	shalt  }
0x5b: {  	_ =	shalt  }
0x5c: {  	_ =	shalt  }
0x5d: {  	_ =	shalt  }
0x5e: {  	_ =	shalt  }
0x5f: {  	_ =	shalt  }
0x60: {  	_ =	shalt  }
0x61: {  	_ =	shalt  }
0x62: {  	_ =	shalt  }
0x63: {  	_ =	shalt  }
0x64: {  	_ =	shalt  }
0x65: {  	_ =	shalt  }
0x66: {  	_ =	shalt  }
0x67: {  	_ =	shalt  }
0x68: {  	_ =	shalt  }
0x69: {  	_ =	shalt  }
0x6a: {  	_ =	shalt  }
0x6b: {  	_ =	shalt  }
0x6c: {  	_ =	shalt  }
0x6d: {  	_ =	shalt  }
0x6e: {  	_ =	shalt  }
0x6f: {  	_ =	shalt  }
0x70: {  	_ =	shalt  }
0x71: {  	_ =	shalt  }
0x72: {  	_ =	shalt  }
0x73: {  	_ =	shalt  }
0x74: {  	_ =	shalt  }
0x75: {  	_ =	shalt  }
0x76: {  	_ =	shalt  }
0x77: {  	_ =	shalt  }
0x78: {  	_ =	shalt  }
0x79: {  	_ =	shalt  }
0x7a: {  	_ =	shalt  }
0x7b: {  	_ =	shalt  }
0x7c: {  	_ =	shalt  }
0x7d: {  	_ =	shalt  }
0x7e: {  	_ =	shalt  }
0x7f: {  	_ =	shalt  }
0x80: {  	_ =	shalt  }
0x81: {  	_ =	shalt  }
0x82: {  	_ =	shalt  }
0x83: {  	_ =	shalt  }
0x84: {  	_ =	shalt  }
0x85: {  	_ =	shalt  }
0x86: {  	_ =	shalt  }
0x87: {  	_ =	shalt  }
.Lfunc_end0:
.L_simem_size_0:
called_computation_lowered:
.L_overlay_start_0:
0x88: {  	s2 =	sld [smem:$0x3FD9]  }
0x89: {  	s3 =	sld [smem:$0x3FFE];
	_ =	sdelay $0x1  }
0x8a: {  	s1 =	srdreg.scid  }
0x8b: {  	s0 =	sand.u32 $0x1, s1  }
0x8c: {  	s17 =	sshll.u32 s0, $0xA;
	s2 =	sadd.s32 s3, s2  }
0x8d: {  	s2 =	sadd.s32 s2, s17  }
0x8e: {  	[smem:$0x3FBF] =	sst s2  }
0x8f: {  	_ = 	snop  }
0x90: {  	(tm) =	ssettm $0x1  }
0x91: {  	s18 =	sld [smem:$0x3FFB];
	_ =	sdelay $0x3  }
0x92: {  	_ =	strace s18  }
0x93: {  	s2 =	sld [smem:$0x3FFC];
	_ =	sdelay $0x3  }
0x94: {  	_ =	strace s2  }
0x95: {  	s2 =	sld [smem:$0x3FFD];
	_ =	sdelay $0x3  }
0x96: {  	_ =	strace s2  }
0x97: {  	_ =	strace $0x8FFFFFFF  }
0x98: {  	s19 =	sld [smem:$0x3FDB];
	_ =	sdelay $0x1  }
0x99: {  	s20 =	simm.s32 $_scs_section_size  }
0x9a: {  	s4 =	simm.s32 $_size__tile_overlayer_lowered;
	s5 =	simm.s32 $_tile_overlayer_lowered  }
0x9b: {  	s6 =	simm.s32 $0x1BFF;
	s21 =	sshll.u32 s5, $0x1;
	s3 =	sadd.s32 s20, s19  }
0x9c: {  	s22 =	simm.s32 $0x0;
	s4 =	sshll.u32 s4, $0x1;
	s5 =	sadd.s32 s21, s3  }
0x9d: {  	[timem:s22], [sflag:s6] =	dma.local [hbm:s5], s4  }
0x9e: {  	_ =	swait.ge [sflag:s6], s4  }
0x9f: {  	s4 =	ssub.s32 $0x0, s4;
	[sflag:s6] =	ssyncset.done $0x0  }
0xa0: {  	[sflag:s6] =	ssyncadd.s32 s4;
	_ =	sdelay $0x1  }
0xa1: {  	s23 =	simm.s32 $0x1B8B  }
0xa2: {  	_ =	swait.ge [sflag:s23], $0x1  }
0xa3: {  	[sflag:s23] =	ssyncset.done $0x0  }
0xa4: {  	[sflag:s23] =	ssyncadd.s32 $0xFFFFFFFF  }
0xa5: {  	s4 =	sld [smem:$0x0]  }
0xa6: {  	s5 =	sand.u32 $0xFFFFFFFE, s1  }
0xa7: {  	p0 =	sne.s32 s1, s5  }
0xa8: {  	s5 =	sshll.u32 @p0 s5, $0xE  }
0xa9: {  	s5 =	sadd.s32 @p0 $0x11B8D, s5;
	s6 =	sshll.u32 @p0 s4, $0x11  }
0xaa: {  	s5 =	sor.u32 @p0 s6, s5  }
0xab: {  	[sflag:s5] =	ssyncadd.remote.s32 @p0 $0x1;
	_ =	sdelay $0x1  }
0xac: {  	s5 =	simm.s32 @p0 $0x1B8D  }
0xad: {  	_ =	swait.eq @p0 [sflag:s5], $0x1  }
0xae: {  	[sflag:s5] =	ssyncadd.s32 @p0 $0xFFFFFFFF  }
0xaf: {  	s6 =	sshll.u32 @!p0 s1, $0xE  }
0xb0: {  	s6 =	sor.u32 @!p0 $0x4000, s6;
	s5 =	simm.s32 @!p0 $0x1B8D  }
0xb1: {  	s4 =	sshll.u32 @!p0 s4, $0x11;
	s6 =	sadd.s32 @!p0 $0x11B8D, s6;
	_ =	swait.eq @!p0 [sflag:s5], $0x1  }
0xb2: {  	s4 =	sor.u32 @!p0 s4, s6;
	[sflag:s5] =	ssyncadd.s32 @!p0 $0xFFFFFFFF  }
0xb3: {  	s25 =	simm.s32 $0x1B8E;
	s24 =	sld [smem:$0x3FFE];
	[sflag:s4] =	ssyncadd.remote.s32 @!p0 $0x1  }
0xb4: {  	s26 =	simm.s32 $execute0_lowered;
	[smem:$0x3FD2] =	sst s25  }
0xb5: {  	s5 =	sshll.u32 s26, $0x1;
	_ =	strace $0x80000049;
	[dreg:$0x1] =	wrdreg $0xFFFFFFFF  }
0xb6: {  	s28 =	simm.s32 $_size_execute0_lowered;
	s3 =	sadd.s32 s3, s5;
	[dreg:$0x0] =	wrdreg $0x0  }
0xb7: {  	s5 =	sshll.u32 s28, $0x1;
	[dreg:$0x2] =	wrdreg s3  }
0xb8: {  	[dreg:$0x3] =	wrdreg s5  }
0xb9: {  	[dreg:$0x4] =	wrdreg $0xC0  }
0xba: {  	_ =	task [dreg:s22], $0x5FFFF  }
0xbb: {  	[dreg:$0x1] =	wrdreg $0xFFFFFFFF  }
0xbc: {  	[dreg:$0x0] =	wrdreg $0x60  }
0xbd: {  	[dreg:$0x2] =	wrdreg s24  }
0xbe: {  	[dreg:$0x3] =	wrdreg $0x9  }
0xbf: {  	_ =	task.clear_ibuf [dreg:s22], $0x4FFFF;
	_ =	strace $0x90000049  }
0xc0: {  	s29 =	simm.s32 $0x9;
	_ =	strace $0x8000004B  }
0xc1: {  	_ =	swait.ge [sflag:s29], $0x1  }
0xc2: {  	[sflag:s29] =	ssyncadd.s32 $0xFFFFFFFF  }
0xc3: {  	_ =	strace $0x9000004B  }
0xc4: {  	_ =	sfence  }
0xc5: {  	s30 =	sld [smem:$0x0];
	_ =	sdelay $0x2  }
0xc6: {  	s31 =	sshll.u32 s1, $0xD;
	s1 =	sshrl.u32 s1, $0x2  }
0xc7: {  	s4 =	sand.u32 $0x4000, s31;
	s1 =	sadd.s32 s1, s30  }
0xc8: {  	s0 =	sor.u32 s4, s0;
	s1 =	sshll.u32 s1, $0x11  }
0xc9: {  	s0 =	sor.u32 s1, s0  }
0xca: {  	s0 =	sadd.s32 $0x8F2B, s0  }
0xcb: {  	[sflag:s0] =	ssyncadd.remote.s32 $0x1  }
0xcc: {  	_ =	sfence.sel $0xFFFF  }
0xcd: {  	[dreg:$0x0] =	wrdreg $0xFFFFFFFF;
	(pc) =	sbr.abs _section_cstart, $3  }
0xce: {  	[dreg:$0x1] =	wrdreg $0xFFFFFFFF  }
0xcf: {  	_ =	task.clear_ibuf [dreg:s22], $0x2FFFF;
	_ =	strace $0x9FFFFFFF  }
0xd0: {  	(tm) =	ssettm $0x7FFFFFFF  }
0xd1: {  	_ =	shalt  }
tec
execute0_lowered:
.L_overlay_start_1:
0x0: {  	(tag) =	ssettag $0x1  }
0x1: {  	s0 =	rddreg [dreg:$0x0];
	s2 =	simm.s32 $0x0  }
0x2: {  	s1 =	srdreg.scid;
	s4 =	stileid.u32;
	s18 =	simm.s32 $0x7D0  }
0x3: {  	s19 =	simm.s32 $0x1;
	s20 =	simm.s32 $0x3E8;
	s21 =	simm.s32 $0x8CA0  }
0x4: {  	s22 =	simm.s32 $0xFA0;
	s28 =	simm.s32 $0x4E20;
	s29 =	simm.s32 $0x109A0  }
0x5: {  	s30 =	simm.s32 $0x4;
	s31 =	simm.s32 $0x14820;
	[smem:$0x7FF] =	sst s2  }
0x6: {  	s3 =	sadd.s32 $0x6D000, s0;
	s1 =	sand.u32 $0x1, s1;
	s5 =	sshll.u32 s4, $0x1  }
0x7: {  	s4 =	sadd.s32 $0x85800, s0;
	s9 =	ssub.s32 $0x2, s1;
	s1 =	sor.u32 s1, s5  }
0x8: {  	s7 =	sadd.s32 $0x54800, s0;
	s8 =	sadd.s32 $0x224A00, s0;
	s6 =	smul.u32 $0x61A8, s1  }
0x9: {  	_ =	strace $0x8000004A;
	s10 =	sshrl.u32 s9, $0x1;
	s1 =	smul.u32 $0x61A80, s1  }
0xa: {  	s5 =	sadd.s32 $0x23800, s0;
	s23 =	ssub.s32 s9, s10;
	s24 =	sshrl.u32 s6, $0x3  }
0xb: {  	s9 =	sadd.s32 $0x3E8, s6;
	s1 =	sshrl.u32 s1, $0x3;
	s14 =	sadd.s32 $0x7D0, s6  }
0xc: {  	s15 =	sadd.s32 $0xBB8, s6;
	s0 =	smax.u32 s23, $0x1;
	s23 =	simm.s32 $0xBB8  }
0xd: {  	s11 =	sadd.s32 s5, s24;
	s10 =	sadd.s32 s7, s24;
	[dreg:$0x7] =	wrdreg s0  }
0xe: {  	s25 =	sshrl.u32 s9, $0x3;
	s1 =	sadd.s32 s8, s1;
	[dreg:$0x2] =	wrdreg s11  }
0xf: {  	s24 =	simm.s32 $0x3;
	[dreg:$0x3] =	wrdreg s10;
	s26 =	sadd.s32 s5, s25  }
0x10: {  	s0 =	simm.s32 $0x5;
	s10 =	sadd.s32 s7, s25;
	[dreg:$0x4] =	wrdreg s26  }
0x11: {  	s1 =	sadd.s32 $0xBB80, s1;
	s25 =	simm.s32 $0x2;
	[dreg:$0x5] =	wrdreg s10  }
0x12: {  	[dreg:$0x6] =	wrdreg s1;
	s26 =	simm.s32 $0xCB20;
	s10 =	simm.s32 $0x0  }
.LBB2_1:
0x13: {  	s1 =	rddreg [dreg:$0x2]  }
0x14: {  	[tilespmem:s2], [sflag:$0x1] =	stream.linear.gather [hbm4b:s1+s2], $0x3E8, $0x38;
	[tilespmem:$0x186A0] =	vst v63  }
0x15: {  	s13 =	rddreg [dreg:$0x3]  }
0x16: {  	[tilespmem:s18], [sflag:$0x1] =	stream.linear.gather [hbm4b:s13+s2], $0x3E8, $0x38;
	[tilespmem:$0x186A0] =	vst v63  }
0x17: {  	_ =	swait.ge [sflag:s19], $0x3E8  }
0x18: {  	[sflag:s19] =	ssyncset.done $0x0  }
0x19: {  	[sflag:s19] =	ssyncadd.s32 $0xFFFFFC18  }
0x1a: {  	_ =	swait.ge [sflag:s19], $0x3E8  }
0x1b: {  	[sflag:s19] =	ssyncset.done $0x0  }
0x1c: {  	[sflag:s19] =	ssyncadd.s32 $0xFFFFFC18  }
0x1d: {  	[tilespmem:s21], [sflag:$0x3] =	stream.indirect.gather [hbm4b:s4+s20], $0x10, s2, s20, $0xb8;
	[tilespmem:$0x186A0] =	vst v63  }
0x1e: {  	_ = 	snop  }
0x1f: {  	[tilespmem:s22], [sflag:$0x3] =	stream.indirect.gather [hbm4b:s3+s20], $0x10, s18, s20, $0xb8;
	[tilespmem:$0x186A0] =	vst v63  }
0x20: {  	s16 =	rddreg [dreg:$0x4]  }
0x21: {  	[tilespmem:s20], [sflag:$0x2] =	stream.linear.gather [hbm4b:s16+s2], $0x3E8, $0x38;
	[tilespmem:$0x186A0] =	vst v63  }
0x22: {  	s11 =	simm.s32 $0x0;
	s17 =	rddreg [dreg:$0x5]  }
0x23: {  	[tilespmem:s23], [sflag:$0x2] =	stream.linear.gather [hbm4b:s17+s2], $0x3E8, $0x38;
	[tilespmem:$0x186A0] =	vst v63  }
.LBB2_2:
0x24: {  	_ =	swait.ge [sflag:s24], $0x3E80  }
0x25: {  	s12 =	smul.u32 $0x7D0, s11;
	[sflag:s24] =	ssyncset.done $0x0  }
0x26: {  	[sflag:s24] =	ssyncadd.s32 $0xFFFFC180  }
0x27: {  	s13 =	sadd.s32 s12, s14;
	_ =	swait.ge [sflag:s24], $0x3E80  }
0x28: {  	s13 =	sshrl.u32 s13, $0x3;
	[sflag:s24] =	ssyncset.done $0x0  }
0x29: {  	s16 =	sadd.s32 s5, s13;
	[sflag:s24] =	ssyncadd.s32 $0xFFFFC180  }
0x2a: {  	[tilespmem:s2], [sflag:$0x1] =	stream.linear.gather [hbm4b:s16+s2], $0x3E8, $0x38;
	[tilespmem:$0x186A0] =	vst v63  }
0x2b: {  	s13 =	sadd.s32 s7, s13  }
0x2c: {  	[tilespmem:s18], [sflag:$0x1] =	stream.linear.gather [hbm4b:s13+s2], $0x3E8, $0x38;
	[tilespmem:$0x186A0] =	vst v63  }
0x2d: {  	_ =	swait.ge [sflag:s25], $0x3E8  }
0x2e: {  	[sflag:s25] =	ssyncset.done $0x0  }
0x2f: {  	[sflag:s25] =	ssyncadd.s32 $0xFFFFFC18  }
0x30: {  	_ =	swait.ge [sflag:s25], $0x3E8  }
0x31: {  	[sflag:s25] =	ssyncset.done $0x0  }
0x32: {  	p0 =	seq.s32 s11, $0x0;
	[sflag:s25] =	ssyncadd.s32 $0xFFFFFC18  }
0x33: {  	[tilespmem:s26], [sflag:$0x4] =	stream.indirect.gather [hbm4b:s4+s20], $0x10, s20, s20, $0xb8;
	[tilespmem:$0x186A0] =	vst v63  }
0x34: {  	s13 =	simm.s32 @!p0 $0x5  }
0x35: {  	[tilespmem:s28], [sflag:$0x4] =	stream.indirect.gather [hbm4b:s3+s20], $0x10, s23, s20, $0xb8;
	[tilespmem:$0x186A0] =	vst v63  }
0x36: {  	_ =	swait.ge @!p0 [sflag:s13], $0x3E80  }
0x37: {  	[sflag:s13] =	ssyncset.done @!p0 $0x0  }
0x38: {  	[sflag:s13] =	ssyncadd.s32 @!p0 $0xFFFFC180;
	s13 =	simm.s32 $0x0  }
0x39: {  	v0 =	vld [tilespmem:s13+$0x1010]  }
0x3a: {  	v1 =	vld [tilespmem:s13+$0x8D10]  }
0x3b: {  	v2 =	vld [tilespmem:s13+$0xFA0]  }
0x3c: {  	v3 =	vld [tilespmem:s13+$0x8CA0]  }
0x3d: {  	v4 =	vld [tilespmem:s13+$0xFB0]  }
0x3e: {  	v5 =	vld [tilespmem:s13+$0x8CB0]  }
0x3f: {  	v6 =	vld [tilespmem:s13+$0xFC0]  }
0x40: {  	v7 =	vld [tilespmem:s13+$0xFD0]  }
0x41: {  	v0 =	vmul.f32 v1, v0;
	v1 =	vld [tilespmem:s13+$0x8CC0]  }
0x42: {  	v8 =	vld [tilespmem:s13+$0x8CD0]  }
0x43: {  	v9 =	vld [tilespmem:s13+$0x8CE0];
	v2 =	vmul.f32 v3, v2  }
0x44: {  	[tilespmem:s13+$0x10A10] =	vst v0;
	v0 =	vmul.f32 v5, v4;
	v5 =	vld [tilespmem:s13+$0xFE0]  }
0x45: {  	v3 =	vld [tilespmem:s13+$0x8CF0];
	[tilespmem:s13+$0x109A0] =	vst v2  }
0x46: {  	v2 =	vld [tilespmem:s13+$0xFF0];
	[tilespmem:s13+$0x109B0] =	vst v0;
	v0 =	vmul.f32 v1, v6  }
0x47: {  	v4 =	vld [tilespmem:s13+$0x8D00];
	v6 =	vmul.f32 v8, v7  }
0x48: {  	s16 =	simm.s32 $0x80;
	[tilespmem:s13+$0x109C0] =	vst v0;
	v0 =	vld [tilespmem:s13+$0x1000]  }
0x49: {  	s17 =	simm.s32 $0x400;
	v5 =	vmul.f32 v9, v5;
	v1 =	vld [tilespmem:s16+$0x1010];
	[tilespmem:s13+$0x109D0] =	vst v6  }
.LBB2_3:
0x4a: {  	p1 =	sne.s32 s17, $0xF800;
	v6 =	vld [tilespmem:s16+$0x8D10]  }
0x4b: {  	v7 =	vld [tilespmem:s16+$0xFA0];
	[tilespmem:s13+$0x109E0] =	vst v5;
	v2 =	vmul.f32 v3, v2  }
0x4c: {  	v3 =	vld [tilespmem:s16+$0x8CA0]  }
0x4d: {  	v5 =	vld [tilespmem:s16+$0xFB0];
	[tilespmem:s13+$0x109F0] =	vst v2;
	v0 =	vmul.f32 v4, v0  }
0x4e: {  	v2 =	vld [tilespmem:s16+$0x8CB0]  }
0x4f: {  	v4 =	vld [tilespmem:s16+$0xFC0];
	v1 =	vmul.f32 v6, v1;
	[tilespmem:s13+$0x10A00] =	vst v0;
	s13 =	smov.u32 s16  }
0x50: {  	v0 =	vld [tilespmem:s13+$0x8CC0]  }
0x51: {  	v3 =	vmul.f32 v3, v7;
	v6 =	vld [tilespmem:s13+$0xFD0];
	[tilespmem:s13+$0x10A10] =	vst v1  }
0x52: {  	v1 =	vld [tilespmem:s13+$0x8CD0]  }
0x53: {  	[tilespmem:s13+$0x109A0] =	vst v3;
	v2 =	vmul.f32 v2, v5;
	v5 =	vld [tilespmem:s13+$0xFE0]  }
0x54: {  	v7 =	vld [tilespmem:s13+$0x8CE0]  }
.Ltmp0:
0x55: {  	[tilespmem:s13+$0x109B0] =	vst v2;
	v0 =	vmul.f32 v0, v4;
	v2 =	vld [tilespmem:s13+$0xFF0];
	(pc) =	sbr.rel @p1 .LBB2_3-.Ltmp0, $4  }
0x56: {  	v3 =	vld [tilespmem:s13+$0x8CF0]  }
0x57: {  	[tilespmem:s13+$0x109C0] =	vst v0;
	v6 =	vmul.f32 v1, v6;
	v0 =	vld [tilespmem:s13+$0x1000]  }
0x58: {  	s16 =	sshra.s32 s17, $0x2;
	v4 =	vld [tilespmem:s13+$0x8D00]  }
0x59: {  	s17 =	sadd.s32 $0x200, s17;
	v1 =	vld [tilespmem:s16+$0x1010];
	[tilespmem:s13+$0x109D0] =	vst v6;
	v5 =	vmul.f32 v7, v5  }
0x5a: {  	v6 =	vld [tilespmem:s16+$0x8D10]  }
0x5b: {  	v7 =	vld [tilespmem:s16+$0xFA0];
	[tilespmem:s13+$0x109E0] =	vst v5;
	v2 =	vmul.f32 v3, v2  }
0x5c: {  	v3 =	vld [tilespmem:s16+$0x8CA0]  }
0x5d: {  	v5 =	vld [tilespmem:s16+$0xFB0];
	[tilespmem:s13+$0x109F0] =	vst v2;
	v0 =	vmul.f32 v4, v0  }
0x5e: {  	v2 =	vld [tilespmem:s16+$0x8CB0]  }
0x5f: {  	v4 =	vld [tilespmem:s16+$0xFC0];
	[tilespmem:s13+$0x10A00] =	vst v0  }
0x60: {  	v0 =	vmul.f32 v6, v1;
	v1 =	vld [tilespmem:s16+$0x8CC0]  }
0x61: {  	v6 =	vld [tilespmem:s16+$0xFD0]  }
0x62: {  	v3 =	vmul.f32 v3, v7;
	[tilespmem:s16+$0x10A10] =	vst v0;
	v0 =	vld [tilespmem:s16+$0x8CD0]  }
0x63: {  	v7 =	vld [tilespmem:s16+$0x8D00]  }
0x64: {  	[tilespmem:s16+$0x109A0] =	vst v3;
	v2 =	vmul.f32 v2, v5;
	v3 =	vld [tilespmem:s16+$0xFE0]  }
0x65: {  	v5 =	vld [tilespmem:s16+$0x8CE0]  }
0x66: {  	[tilespmem:s16+$0x109B0] =	vst v2;
	v1 =	vmul.f32 v1, v4;
	v2 =	vld [tilespmem:s16+$0xFF0]  }
0x67: {  	v4 =	vld [tilespmem:s16+$0x8CF0]  }
0x68: {  	[tilespmem:s16+$0x109C0] =	vst v1;
	v1 =	vld [tilespmem:s16+$0x1000];
	_ =	sdelay $0x1  }
0x69: {  	v0 =	vmul.f32 v0, v6  }
0x6a: {  	v3 =	vmul.f32 v5, v3  }
0x6b: {  	[tilespmem:s16+$0x109D0] =	vst v0;
	v0 =	vmul.f32 v4, v2  }
0x6c: {  	s17 =	sadd.s32 s6, s12;
	[tilespmem:s16+$0x109E0] =	vst v3;
	v1 =	vmul.f32 v7, v1  }
0x6d: {  	s13 =	sshll.u32 s17, $0x1;
	[tilespmem:s16+$0x109F0] =	vst v0  }
0x6e: {  	s13 =	sadd.s32 s8, s13;
	[tilespmem:s16+$0x10A00] =	vst v1  }
0x6f: {  	[hbm4b:s13+s2] =	stream.linear.scatter [tilespmem:s29], [sflag:$0x5], $0x3E80, $0x38;
	[tilespmem:$0x186A0] =	vst v63  }
0x70: {  	_ =	swait.ge [sflag:s30], $0x3E80  }
0x71: {  	[sflag:s30] =	ssyncset.done $0x0  }
0x72: {  	p1 =	seq.s32 s11, $0xB;
	[sflag:s30] =	ssyncadd.s32 $0xFFFFC180  }
0x73: {  	s13 =	sadd.s32 @!p1 s12, s15;
	_ =	swait.ge [sflag:s30], $0x3E80  }
0x74: {  	s1 =	simm.s32 @!p1 $0x3E8;
	s13 =	sshrl.u32 @!p1 s13, $0x3;
	[sflag:s30] =	ssyncset.done $0x0  }
0x75: {  	s17 =	simm.s32 @!p1 $0x0;
	s16 =	sadd.s32 @!p1 s5, s13;
	[sflag:s30] =	ssyncadd.s32 $0xFFFFC180  }
0x76: {  	[tilespmem:s1], [sflag:$0x2] =	stream.linear.gather @!p1 [hbm4b:s16+s17], $0x3E8, $0x38;
	[tilespmem:$0x186A0] =	vst v63  }
0x77: {  	s1 =	sadd.s32 @!p1 s7, s13;
	s13 =	simm.s32 @!p1 $0xBB8  }
0x78: {  	[tilespmem:s13], [sflag:$0x2] =	stream.linear.gather @!p1 [hbm4b:s1+s17], $0x3E8, $0x38;
	[tilespmem:$0x186A0] =	vst v63  }
0x79: {  	_ =	swait.ge [sflag:s19], $0x3E8  }
0x7a: {  	[sflag:s19] =	ssyncset.done $0x0  }
0x7b: {  	[sflag:s19] =	ssyncadd.s32 $0xFFFFFC18  }
0x7c: {  	_ =	swait.ge [sflag:s19], $0x3E8  }
0x7d: {  	[sflag:s19] =	ssyncset.done $0x0  }
0x7e: {  	[sflag:s19] =	ssyncadd.s32 $0xFFFFFC18  }
0x7f: {  	[tilespmem:s21], [sflag:$0x3] =	stream.indirect.gather [hbm4b:s4+s20], $0x10, s2, s20, $0xb8;
	[tilespmem:$0x186A0] =	vst v63  }
0x80: {  	s1 =	simm.s32 @!p0 $0x6  }
0x81: {  	[tilespmem:s22], [sflag:$0x3] =	stream.indirect.gather [hbm4b:s3+s20], $0x10, s18, s20, $0xb8;
	[tilespmem:$0x186A0] =	vst v63  }
0x82: {  	_ =	swait.ge @!p0 [sflag:s1], $0x3E80  }
0x83: {  	[sflag:s1] =	ssyncset.done @!p0 $0x0  }
0x84: {  	s13 =	simm.s32 $0x0;
	[sflag:s1] =	ssyncadd.s32 @!p0 $0xFFFFC180  }
0x85: {  	v0 =	vld [tilespmem:s13+$0x4E90]  }
0x86: {  	v1 =	vld [tilespmem:s13+$0xCB90]  }
0x87: {  	v2 =	vld [tilespmem:s13+$0x4E20]  }
0x88: {  	v3 =	vld [tilespmem:s13+$0xCB20]  }
0x89: {  	v4 =	vld [tilespmem:s13+$0x4E30]  }
0x8a: {  	v5 =	vld [tilespmem:s13+$0xCB30]  }
0x8b: {  	v6 =	vld [tilespmem:s13+$0x4E40]  }
0x8c: {  	v7 =	vld [tilespmem:s13+$0x4E50]  }
0x8d: {  	v0 =	vmul.f32 v1, v0;
	v1 =	vld [tilespmem:s13+$0xCB40]  }
0x8e: {  	v8 =	vld [tilespmem:s13+$0xCB50]  }
0x8f: {  	v9 =	vld [tilespmem:s13+$0xCB60];
	v2 =	vmul.f32 v3, v2  }
0x90: {  	[tilespmem:s13+$0x14890] =	vst v0;
	v0 =	vmul.f32 v5, v4;
	v5 =	vld [tilespmem:s13+$0x4E60]  }
0x91: {  	v3 =	vld [tilespmem:s13+$0xCB70];
	[tilespmem:s13+$0x14820] =	vst v2  }
0x92: {  	v2 =	vld [tilespmem:s13+$0x4E70];
	[tilespmem:s13+$0x14830] =	vst v0;
	v0 =	vmul.f32 v1, v6  }
0x93: {  	v4 =	vld [tilespmem:s13+$0xCB80];
	v6 =	vmul.f32 v8, v7  }
0x94: {  	s16 =	simm.s32 $0x80;
	[tilespmem:s13+$0x14840] =	vst v0;
	v0 =	vld [tilespmem:s13+$0x4E80]  }
0x95: {  	s17 =	simm.s32 $0x400;
	v5 =	vmul.f32 v9, v5;
	v1 =	vld [tilespmem:s16+$0x4E90];
	[tilespmem:s13+$0x14850] =	vst v6  }
.LBB2_5:
0x96: {  	p0 =	sne.s32 s17, $0xF800;
	v6 =	vld [tilespmem:s16+$0xCB90]  }
0x97: {  	v7 =	vld [tilespmem:s16+$0x4E20];
	[tilespmem:s13+$0x14860] =	vst v5;
	v2 =	vmul.f32 v3, v2  }
0x98: {  	v3 =	vld [tilespmem:s16+$0xCB20]  }
0x99: {  	v5 =	vld [tilespmem:s16+$0x4E30];
	[tilespmem:s13+$0x14870] =	vst v2;
	v0 =	vmul.f32 v4, v0  }
0x9a: {  	v2 =	vld [tilespmem:s16+$0xCB30]  }
0x9b: {  	v4 =	vld [tilespmem:s16+$0x4E40];
	v1 =	vmul.f32 v6, v1;
	[tilespmem:s13+$0x14880] =	vst v0;
	s13 =	smov.u32 s16  }
0x9c: {  	v0 =	vld [tilespmem:s13+$0xCB40]  }
0x9d: {  	v3 =	vmul.f32 v3, v7;
	v6 =	vld [tilespmem:s13+$0x4E50];
	[tilespmem:s13+$0x14890] =	vst v1  }
0x9e: {  	v1 =	vld [tilespmem:s13+$0xCB50]  }
0x9f: {  	[tilespmem:s13+$0x14820] =	vst v3;
	v2 =	vmul.f32 v2, v5;
	v5 =	vld [tilespmem:s13+$0x4E60]  }
0xa0: {  	v7 =	vld [tilespmem:s13+$0xCB60]  }
.Ltmp1:
0xa1: {  	[tilespmem:s13+$0x14830] =	vst v2;
	v0 =	vmul.f32 v0, v4;
	v2 =	vld [tilespmem:s13+$0x4E70];
	(pc) =	sbr.rel @p0 .LBB2_5-.Ltmp1, $4  }
0xa2: {  	v3 =	vld [tilespmem:s13+$0xCB70]  }
0xa3: {  	[tilespmem:s13+$0x14840] =	vst v0;
	v6 =	vmul.f32 v1, v6;
	v0 =	vld [tilespmem:s13+$0x4E80]  }
0xa4: {  	s16 =	sshra.s32 s17, $0x2;
	v4 =	vld [tilespmem:s13+$0xCB80]  }
0xa5: {  	s17 =	sadd.s32 $0x200, s17;
	v1 =	vld [tilespmem:s16+$0x4E90];
	[tilespmem:s13+$0x14850] =	vst v6;
	v5 =	vmul.f32 v7, v5  }
0xa6: {  	v6 =	vld [tilespmem:s16+$0xCB90]  }
0xa7: {  	v7 =	vld [tilespmem:s16+$0x4E20];
	[tilespmem:s13+$0x14860] =	vst v5;
	v2 =	vmul.f32 v3, v2  }
0xa8: {  	v51 =	vld [tilespmem:s16+$0xCB20]  }
0xa9: {  	v5 =	vld [tilespmem:s16+$0x4E30];
	[tilespmem:s13+$0x14870] =	vst v2;
	v0 =	vmul.f32 v4, v0  }
0xaa: {  	v2 =	vld [tilespmem:s16+$0xCB30]  }
0xab: {  	v52 =	vld [tilespmem:s16+$0x4E40];
	[tilespmem:s13+$0x14880] =	vst v0  }
0xac: {  	v54 =	vld [tilespmem:s16+$0xCB40]  }
0xad: {  	v55 =	vld [tilespmem:s16+$0x4E50]  }
0xae: {  	v56 =	vld [tilespmem:s16+$0xCB50]  }
0xaf: {  	v57 =	vld [tilespmem:s16+$0x4E60]  }
0xb0: {  	v58 =	vld [tilespmem:s16+$0xCB60]  }
0xb1: {  	v59 =	vld [tilespmem:s16+$0x4E70]  }
0xb2: {  	v53 =	vmul.f32 v6, v1;
	v60 =	vld [tilespmem:s16+$0xCB70]  }
0xb3: {  	v61 =	vld [tilespmem:s16+$0x4E80];
	v3 =	vmul.f32 v51, v7  }
0xb4: {  	v62 =	vld [tilespmem:s16+$0xCB80];
	[tilespmem:s16+$0x14890] =	vst v53;
	v2 =	vmul.f32 v2, v5  }
0xb5: {  	[tilespmem:s16+$0x14820] =	vst v3;
	v1 =	vmul.f32 v54, v52  }
0xb6: {  	s11 =	sadd.s32 $0x1, s11;
	[tilespmem:s16+$0x14830] =	vst v2;
	v0 =	vmul.f32 v56, v55  }
0xb7: {  	p0 =	sne.s32 s11, $0xC;
	v3 =	vmul.f32 v58, v57;
	[tilespmem:s16+$0x14840] =	vst v1  }
.Ltmp2:
0xb8: {  	s1 =	sadd.s32 s12, s9;
	v63 =	vmul.f32 v60, v59;
	[tilespmem:s16+$0x14850] =	vst v0;
	(pc) =	sbr.rel @p0 .LBB2_2-.Ltmp2, $4  }
0xb9: {  	s1 =	sshll.u32 s1, $0x1;
	[tilespmem:s16+$0x14860] =	vst v3;
	v1 =	vmul.f32 v62, v61  }
0xba: {  	s1 =	sand.u32 $0x1FFFFFF0, s1;
	[tilespmem:s16+$0x14870] =	vst v63  }
0xbb: {  	s1 =	sadd.s32 s8, s1;
	[tilespmem:s16+$0x14880] =	vst v1  }
0xbc: {  	[hbm4b:s1+s2] =	stream.linear.scatter [tilespmem:s31], [sflag:$0x6], $0x3E80, $0x38;
	[tilespmem:$0x186A0] =	vst v63  }
0xbd: {  	_ =	swait.ge [sflag:s24], $0x3E80  }
0xbe: {  	[sflag:s24] =	ssyncset.done $0x0  }
0xbf: {  	[sflag:s24] =	ssyncadd.s32 $0xFFFFC180  }
0xc0: {  	_ =	swait.ge [sflag:s24], $0x3E80  }
0xc1: {  	[sflag:s24] =	ssyncset.done $0x0  }
0xc2: {  	[sflag:s24] =	ssyncadd.s32 $0xFFFFC180  }
0xc3: {  	_ =	swait.ge [sflag:s0], $0x3E80  }
0xc4: {  	[sflag:s0] =	ssyncset.done $0x0  }
0xc5: {  	s11 =	simm.s32 $0x0;
	[sflag:s0] =	ssyncadd.s32 $0xFFFFC180  }
0xc6: {  	v0 =	vld [tilespmem:s11+$0x1010]  }
0xc7: {  	v1 =	vld [tilespmem:s11+$0x8D10]  }
0xc8: {  	v2 =	vld [tilespmem:s11+$0xFA0]  }
0xc9: {  	v3 =	vld [tilespmem:s11+$0x8CA0]  }
0xca: {  	v4 =	vld [tilespmem:s11+$0xFB0]  }
0xcb: {  	v5 =	vld [tilespmem:s11+$0x8CB0]  }
0xcc: {  	v6 =	vld [tilespmem:s11+$0xFC0]  }
0xcd: {  	v7 =	vld [tilespmem:s11+$0xFD0]  }
0xce: {  	v0 =	vmul.f32 v1, v0;
	v1 =	vld [tilespmem:s11+$0x8CC0]  }
0xcf: {  	v8 =	vld [tilespmem:s11+$0x8CD0]  }
0xd0: {  	v9 =	vld [tilespmem:s11+$0x8CE0];
	v2 =	vmul.f32 v3, v2  }
0xd1: {  	[tilespmem:s11+$0x10A10] =	vst v0;
	v0 =	vmul.f32 v5, v4;
	v5 =	vld [tilespmem:s11+$0xFE0]  }
0xd2: {  	v3 =	vld [tilespmem:s11+$0x8CF0];
	[tilespmem:s11+$0x109A0] =	vst v2  }
0xd3: {  	v2 =	vld [tilespmem:s11+$0xFF0];
	[tilespmem:s11+$0x109B0] =	vst v0;
	v0 =	vmul.f32 v1, v6  }
0xd4: {  	v4 =	vld [tilespmem:s11+$0x8D00];
	v6 =	vmul.f32 v8, v7  }
0xd5: {  	s12 =	simm.s32 $0x80;
	[tilespmem:s11+$0x109C0] =	vst v0;
	v0 =	vld [tilespmem:s11+$0x1000]  }
0xd6: {  	s13 =	simm.s32 $0x400;
	v5 =	vmul.f32 v9, v5;
	v1 =	vld [tilespmem:s12+$0x1010];
	[tilespmem:s11+$0x109D0] =	vst v6  }
.LBB2_8:
0xd7: {  	p0 =	sne.s32 s13, $0xF800;
	v6 =	vld [tilespmem:s12+$0x8D10]  }
0xd8: {  	v7 =	vld [tilespmem:s12+$0xFA0];
	[tilespmem:s11+$0x109E0] =	vst v5;
	v2 =	vmul.f32 v3, v2  }
0xd9: {  	v3 =	vld [tilespmem:s12+$0x8CA0]  }
0xda: {  	v5 =	vld [tilespmem:s12+$0xFB0];
	[tilespmem:s11+$0x109F0] =	vst v2;
	v0 =	vmul.f32 v4, v0  }
0xdb: {  	v2 =	vld [tilespmem:s12+$0x8CB0]  }
0xdc: {  	v4 =	vld [tilespmem:s12+$0xFC0];
	v1 =	vmul.f32 v6, v1;
	[tilespmem:s11+$0x10A00] =	vst v0;
	s11 =	smov.u32 s12  }
0xdd: {  	v0 =	vld [tilespmem:s11+$0x8CC0]  }
0xde: {  	v3 =	vmul.f32 v3, v7;
	v6 =	vld [tilespmem:s11+$0xFD0];
	[tilespmem:s11+$0x10A10] =	vst v1  }
0xdf: {  	v1 =	vld [tilespmem:s11+$0x8CD0]  }
0xe0: {  	[tilespmem:s11+$0x109A0] =	vst v3;
	v2 =	vmul.f32 v2, v5;
	v5 =	vld [tilespmem:s11+$0xFE0]  }
0xe1: {  	v7 =	vld [tilespmem:s11+$0x8CE0]  }
.Ltmp3:
0xe2: {  	[tilespmem:s11+$0x109B0] =	vst v2;
	v0 =	vmul.f32 v0, v4;
	v2 =	vld [tilespmem:s11+$0xFF0];
	(pc) =	sbr.rel @p0 .LBB2_8-.Ltmp3, $4  }
0xe3: {  	v3 =	vld [tilespmem:s11+$0x8CF0]  }
0xe4: {  	[tilespmem:s11+$0x109C0] =	vst v0;
	v6 =	vmul.f32 v1, v6;
	v0 =	vld [tilespmem:s11+$0x1000]  }
0xe5: {  	s12 =	sshra.s32 s13, $0x2;
	v4 =	vld [tilespmem:s11+$0x8D00]  }
0xe6: {  	s13 =	sadd.s32 $0x200, s13;
	v1 =	vld [tilespmem:s12+$0x1010];
	[tilespmem:s11+$0x109D0] =	vst v6;
	v5 =	vmul.f32 v7, v5  }
0xe7: {  	v6 =	vld [tilespmem:s12+$0x8D10]  }
0xe8: {  	v7 =	vld [tilespmem:s12+$0xFA0];
	[tilespmem:s11+$0x109E0] =	vst v5;
	v2 =	vmul.f32 v3, v2  }
0xe9: {  	v51 =	vld [tilespmem:s12+$0x8CA0]  }
0xea: {  	v5 =	vld [tilespmem:s12+$0xFB0];
	[tilespmem:s11+$0x109F0] =	vst v2;
	v0 =	vmul.f32 v4, v0  }
0xeb: {  	v2 =	vld [tilespmem:s12+$0x8CB0]  }
0xec: {  	v52 =	vld [tilespmem:s12+$0xFC0];
	[tilespmem:s11+$0x10A00] =	vst v0  }
0xed: {  	v54 =	vld [tilespmem:s12+$0x8CC0]  }
0xee: {  	v55 =	vld [tilespmem:s12+$0xFD0]  }
0xef: {  	v56 =	vld [tilespmem:s12+$0x8CD0]  }
0xf0: {  	v57 =	vld [tilespmem:s12+$0xFE0]  }
0xf1: {  	v58 =	vld [tilespmem:s12+$0x8CE0]  }
0xf2: {  	v59 =	vld [tilespmem:s12+$0xFF0]  }
0xf3: {  	v53 =	vmul.f32 v6, v1;
	v60 =	vld [tilespmem:s12+$0x8CF0]  }
0xf4: {  	v61 =	vld [tilespmem:s12+$0x1000];
	v3 =	vmul.f32 v51, v7  }
0xf5: {  	v62 =	vld [tilespmem:s12+$0x8D00];
	[tilespmem:s12+$0x10A10] =	vst v53;
	v2 =	vmul.f32 v2, v5  }
0xf6: {  	[tilespmem:s12+$0x109A0] =	vst v3;
	v1 =	vmul.f32 v54, v52  }
0xf7: {  	[tilespmem:s12+$0x109B0] =	vst v2;
	v0 =	vmul.f32 v56, v55  }
0xf8: {  	v3 =	vmul.f32 v58, v57;
	[tilespmem:s12+$0x109C0] =	vst v1  }
0xf9: {  	v63 =	vmul.f32 v60, v59;
	[tilespmem:s12+$0x109D0] =	vst v0  }
0xfa: {  	[tilespmem:s12+$0x109E0] =	vst v3;
	v1 =	vmul.f32 v62, v61  }
0xfb: {  	[tilespmem:s12+$0x109F0] =	vst v63  }
0xfc: {  	s1 =	rddreg [dreg:$0x6];
	[tilespmem:s12+$0x10A00] =	vst v1  }
0xfd: {  	[hbm4b:s1+s2] =	stream.linear.scatter [tilespmem:s29], [sflag:$0x5], $0x3E80, $0x38;
	[tilespmem:$0x186A0] =	vst v63  }
0xfe: {  	_ =	swait.ge [sflag:s0], $0x3E80  }
0xff: {  	[sflag:s0] =	ssyncset.done $0x0  }
0x100: {  	s16 =	simm.s32 $0x6;
	[sflag:s0] =	ssyncadd.s32 $0xFFFFC180  }
0x101: {  	_ =	swait.ge [sflag:s16], $0x3E80  }
0x102: {  	s10 =	sadd.s32 $0x1, s10;
	s17 =	rddreg [dreg:$0x7]  }
0x103: {  	p0 =	sne.s32 s10, s17  }
.Ltmp4:
0x104: {  	_ = 	snop;
	(pc) =	sbr.rel @p0 .LBB2_1-.Ltmp4, $3  }
0x105: {  	_ =	sdelay $0x1  }
0x106: {  	[sflag:s16] =	ssyncset.done $0x0  }
0x107: {  	[sflag:s16] =	ssyncadd.s32 $0xFFFFC180  }
0x108: {  	_ =	sfence.sel $0x180000  }
0x109: {  	[bflag:$0x0] =	sbarrier.arrive $0xFFFF  }
0x10a: {  	_ =	strace $0x9000004A  }
0x10b: {  	s0 =	stileid.u32;
	[bflag:$0x2] =	sbarrier.arrive $0xFFFF  }
0x10c: {  	p0 =	sne.s32 s0, $0x0;
	s0 =	rddreg [dreg:$0x1]  }
0x10d: {  	s0 =	sadd.s32 @!p0 $0x100000, s0  }
0x10e: {  	[sflag:s0] =	ssyncadd.tile.s32 @!p0 $0x1;
	_ =	shalt  }
.Lfunc_end2:
_tile_overlayer_lowered:
.L_overlay_start_2:
0x10f: {  	(tag) =	ssettag $0x2  }
0x110: {  	s0 =	rddreg [dreg:$0x0];
	s2 =	stileid.u32  }
0x111: {  	s1 =	rddreg [dreg:$0x1];
	p0 =	sne.s32 s2, $0x0  }
0x112: {  	s3 =	rddreg [dreg:$0x2];
	[bflag:$0x3] =	sbarrier.arrive $0xFFFF;
	s2 =	simm.s32 @!p0 $0x1C07  }
0x113: {  	[timem:s3], [sflag:s2] =	dma.local @!p0 [hbm:s0], s1  }
0x114: {  	s0 =	simm.s32 @!p0 $0x7  }
0x115: {  	_ =	swait.ge @!p0 [sflag:s0], s1  }
0x116: {  	s1 =	ssub.s32 @!p0 $0x0, s1;
	[sflag:s0] =	ssyncset.done @!p0 $0x0  }
0x117: {  	[sflag:s0] =	ssyncadd.s32 @!p0 s1  }
0x118: {  	[bflag:$0x3] =	sbarrier.arrive $0xFFFF  }
0x119: {  	_ =	shalt  }

// kernel: kernel.13.cloned.1.call-start
scs
__scs_entry_jumppad:
0x0: {  	(pc) =	sbr.rel $0x88, $3  }
0x1: {  	(tag) =	ssettag $0x0;
	lr =	simm.s32 $0x1  }
0x2: {  	[smem:$0x3F98] =	sst lr;
	_ =	strace $0xD0000000  }
0x3: {  	_ = 	snop  }
0x4: {  	_ = 	snop  }
0x5: {  	_ = 	snop  }
0x6: {  	_ = 	snop  }
0x7: {  	_ = 	snop  }
__scs_overlays_trampoline_lowered:
0x8: {  	[smem:$0x3FA7] =	sst s0  }
0x9: {  	[smem:$0x3FA8] =	sst s1  }
0xa: {  	[smem:$0x3FA9] =	sst s2  }
0xb: {  	[smem:$0x3FAA] =	sst s3  }
0xc: {  	[smem:$0x3FAB] =	sst s4  }
0xd: {  	[smem:$0x3FAC] =	sst s5  }
0xe: {  	[smem:$0x3FAD] =	sst s6  }
0xf: {  	[smem:$0x3FAE] =	sst s7  }
0x10: {  	[smem:$0x3FAF] =	sst s8  }
0x11: {  	[smem:$0x3FB0] =	sst s9;
	s0 =	simm.s32 @!p0 $0x0  }
0x12: {  	s1 =	sld [smem:$0x3F96];
	s0 =	simm.s32 @p0 $0x1  }
0x13: {  	[smem:$0x3FB1] =	sst s0;
	s0 =	simm.s32 @!p1 $0x0  }
0x14: {  	s2 =	sld [smem:$0x3F95];
	s0 =	simm.s32 @p1 $0x1  }
0x15: {  	[smem:$0x3FB2] =	sst s0;
	s0 =	simm.s32 @!p2 $0x0  }
0x16: {  	s3 =	sld [smem:$0x3FDB];
	s0 =	simm.s32 @p2 $0x1  }
0x17: {  	s4 =	simm.s32 $0x1BF5;
	[smem:$0x3FB4] =	sst s0  }
0x18: {  	s0 =	sld [smem:$0x3F97];
	_ =	swait.ge [sflag:s4], $0x0  }
0x19: {  	s7 =	sld [smem:$0x3F98]  }
0x1a: {  	s8 =	sadd.s32 $0xFFFFE003, lr  }
0x1b: {  	s9 =	sadd.s32 $0xFFFFFEF7, lr;
	s5 =	simm.s32 $0xFFFFFFFF;
	p2 =	slt.u32 s8, $0xFFFFF086  }
0x1c: {  	p1 =	slt.u32 s9, $0xF7A;
	s5 =	simm.s32 @!p2 $0x0  }
0x1d: {  	s5 =	simm.s32 @p1 $0x1;
	p0 =	seq.s32 s7, s2  }
0x1e: {  	s7 =	smul.u32 @!p0 $0xF7A, s2;
	p2 =	seq.s32 @!p0 s5, $0x0  }
0x1f: {  	s9 =	smul.u32 $0xF7A, s1;
	s8 =	simm.s32 @!p0 $0x1BF5;
	p2 =	por !p2, p0  }
0x20: {  	[sflag:s8] =	ssyncset.s32 @!p0 $0xFFFFF086;
	s6 =	sadd.s32 @!p0 s3, s7;
	s7 =	simm.s32 @!p0 $0x108  }
0x21: {  	s3 =	sadd.s32 s3, s9;
	s6 =	sadd.s32 @!p0 $0x88, s6;
	s7 =	simm.s32 @p2 $0x1082  }
0x22: {  	[simem:s7], [sflag:s8] =	dma.local @!p0 [hbm:s6], $0xF7A  }
0x23: {  	s9 =	sor.u32 $0xD0000000, s2;
	s6 =	simm.s32 $0x108;
	_ =	swait.ge @!p0 [sflag:s8], $0x0  }
0x24: {  	s3 =	sadd.s32 $0x88, s3;
	s6 =	simm.s32 @!p1 $0x1082;
	[sflag:s4] =	ssyncset.s32 $0xFFFFF086  }
0x25: {  	[simem:s6], [sflag:s4] =	dma.local [hbm:s3], $0xF7A  }
0x26: {  	[smem:$0x3F98] =	sst s1;
	(tag) =	ssettag s2;
	_ =	strace s9  }
0x27: {  	s1 =	sld [smem:$0x3FA8]  }
0x28: {  	s2 =	sld [smem:$0x3FA9]  }
0x29: {  	s4 =	sld [smem:$0x3FAB]  }
0x2a: {  	p0 =	seq.s32 s5, $0x0;
	s5 =	sld [smem:$0x3FAC]  }
0x2b: {  	s6 =	sld [smem:$0x3FAD]  }
0x2c: {  	s7 =	sld [smem:$0x3FAE]  }
0x2d: {  	s3 =	simm.s32 $0x108;
	s8 =	sld [smem:$0x3FAF]  }
0x2e: {  	s3 =	simm.s32 @!p0 $0x1082;
	s9 =	sld [smem:$0x3FB0]  }
0x2f: {  	lr =	sadd.s32 s0, s3;
	s0 =	sld [smem:$0x3FA7]  }
0x30: {  	s3 =	sld [smem:$0x3FAA]  }
0x31: {  	[smem:$0x3FB3] =	sst s10  }
0x32: {  	s10 =	sld [smem:$0x3FB1];
	_ =	sdelay $0x3  }
0x33: {  	p0 =	seq.s32 s10, $0x1;
	s10 =	sld [smem:$0x3FB3];
	_ =	sdelay $0x3  }
0x34: {  	[smem:$0x3FB3] =	sst s10  }
0x35: {  	s10 =	sld [smem:$0x3FB2];
	_ =	sdelay $0x3  }
0x36: {  	p1 =	seq.s32 s10, $0x1;
	s10 =	sld [smem:$0x3FB3];
	_ =	sdelay $0x3  }
0x37: {  	[smem:$0x3FB3] =	sst s10  }
0x38: {  	s10 =	sld [smem:$0x3FB4]  }
0x39: {  	_ = 	snop;
	(pc) =	sbr.ind lr, $3  }
0x3a: {  	_ = 	snop  }
0x3b: {  	_ = 	snop  }
0x3c: {  	p2 =	seq.s32 s10, $0x1;
	s10 =	sld [smem:$0x3FB3]  }
0x3d: {  	_ =	shalt  }
0x3e: {  	_ =	shalt  }
0x3f: {  	_ =	shalt  }
0x40: {  	_ =	shalt  }
0x41: {  	_ =	shalt  }
0x42: {  	_ =	shalt  }
0x43: {  	_ =	shalt  }
0x44: {  	_ =	shalt  }
0x45: {  	_ =	shalt  }
0x46: {  	_ =	shalt  }
0x47: {  	_ =	shalt  }
0x48: {  	_ =	shalt  }
0x49: {  	_ =	shalt  }
0x4a: {  	_ =	shalt  }
0x4b: {  	_ =	shalt  }
0x4c: {  	_ =	shalt  }
0x4d: {  	_ =	shalt  }
0x4e: {  	_ =	shalt  }
0x4f: {  	_ =	shalt  }
0x50: {  	_ =	shalt  }
0x51: {  	_ =	shalt  }
0x52: {  	_ =	shalt  }
0x53: {  	_ =	shalt  }
0x54: {  	_ =	shalt  }
0x55: {  	_ =	shalt  }
0x56: {  	_ =	shalt  }
0x57: {  	_ =	shalt  }
0x58: {  	_ =	shalt  }
0x59: {  	_ =	shalt  }
0x5a: {  	_ =	shalt  }
0x5b: {  	_ =	shalt  }
0x5c: {  	_ =	shalt  }
0x5d: {  	_ =	shalt  }
0x5e: {  	_ =	shalt  }
0x5f: {  	_ =	shalt  }
0x60: {  	_ =	shalt  }
0x61: {  	_ =	shalt  }
0x62: {  	_ =	shalt  }
0x63: {  	_ =	shalt  }
0x64: {  	_ =	shalt  }
0x65: {  	_ =	shalt  }
0x66: {  	_ =	shalt  }
0x67: {  	_ =	shalt  }
0x68: {  	_ =	shalt  }
0x69: {  	_ =	shalt  }
0x6a: {  	_ =	shalt  }
0x6b: {  	_ =	shalt  }
0x6c: {  	_ =	shalt  }
0x6d: {  	_ =	shalt  }
0x6e: {  	_ =	shalt  }
0x6f: {  	_ =	shalt  }
0x70: {  	_ =	shalt  }
0x71: {  	_ =	shalt  }
0x72: {  	_ =	shalt  }
0x73: {  	_ =	shalt  }
0x74: {  	_ =	shalt  }
0x75: {  	_ =	shalt  }
0x76: {  	_ =	shalt  }
0x77: {  	_ =	shalt  }
0x78: {  	_ =	shalt  }
0x79: {  	_ =	shalt  }
0x7a: {  	_ =	shalt  }
0x7b: {  	_ =	shalt  }
0x7c: {  	_ =	shalt  }
0x7d: {  	_ =	shalt  }
0x7e: {  	_ =	shalt  }
0x7f: {  	_ =	shalt  }
0x80: {  	_ =	shalt  }
0x81: {  	_ =	shalt  }
0x82: {  	_ =	shalt  }
0x83: {  	_ =	shalt  }
0x84: {  	_ =	shalt  }
0x85: {  	_ =	shalt  }
0x86: {  	_ =	shalt  }
0x87: {  	_ =	shalt  }
.Lfunc_end0:
.L_simem_size_0:
called_computation.1_lowered:
.L_overlay_start_0:
0x88: {  	s2 =	sld [smem:$0x3FD9]  }
0x89: {  	s3 =	sld [smem:$0x3FFE];
	_ =	sdelay $0x1  }
0x8a: {  	s1 =	srdreg.scid  }
0x8b: {  	s0 =	sand.u32 $0x1, s1  }
0x8c: {  	s16 =	sshll.u32 s0, $0xA;
	s2 =	sadd.s32 s3, s2  }
0x8d: {  	s2 =	sadd.s32 s2, s16  }
0x8e: {  	[smem:$0x3FBF] =	sst s2  }
0x8f: {  	_ = 	snop  }
0x90: {  	(tm) =	ssettm $0x1  }
0x91: {  	s17 =	sld [smem:$0x3FFB];
	_ =	sdelay $0x3  }
0x92: {  	_ =	strace s17  }
0x93: {  	s2 =	sld [smem:$0x3FFC];
	_ =	sdelay $0x3  }
0x94: {  	_ =	strace s2  }
0x95: {  	s2 =	sld [smem:$0x3FFD];
	_ =	sdelay $0x3  }
0x96: {  	_ =	strace s2  }
0x97: {  	_ =	strace $0x8FFFFFFF  }
0x98: {  	s18 =	sld [smem:$0x3FDB];
	_ =	sdelay $0x1  }
0x99: {  	s19 =	simm.s32 $_scs_section_size  }
0x9a: {  	s4 =	simm.s32 $_size__tile_overlayer_lowered;
	s5 =	simm.s32 $_tile_overlayer_lowered  }
0x9b: {  	s22 =	simm.s32 $0x1BFF;
	s21 =	sshll.u32 s5, $0x1;
	s2 =	sadd.s32 s19, s18  }
0x9c: {  	s6 =	simm.s32 $0x0;
	s20 =	sshll.u32 s4, $0x1;
	s4 =	sadd.s32 s21, s2  }
0x9d: {  	[timem:s6], [sflag:s22] =	dma.local [hbm:s4], s20  }
0x9e: {  	_ =	swait.ge [sflag:s22], s20  }
0x9f: {  	s3 =	ssub.s32 $0x0, s20;
	[sflag:s22] =	ssyncset.done $0x0  }
0xa0: {  	[sflag:s22] =	ssyncadd.s32 s3;
	_ =	sdelay $0x1  }
0xa1: {  	s23 =	simm.s32 $0x1B8B  }
0xa2: {  	_ =	swait.ge [sflag:s23], $0x1  }
0xa3: {  	[sflag:s23] =	ssyncset.done $0x0  }
0xa4: {  	s25 =	simm.s32 $0x1B8E;
	s24 =	sld [smem:$0x3FFE];
	[sflag:s23] =	ssyncadd.s32 $0xFFFFFFFF  }
0xa5: {  	s26 =	simm.s32 $execute0_lowered;
	[smem:$0x3FD2] =	sst s25  }
0xa6: {  	s4 =	sshll.u32 s26, $0x1;
	_ =	strace $0x80000046;
	[dreg:$0x1] =	wrdreg $0xFFFFFFFF  }
0xa7: {  	s28 =	simm.s32 $_size_execute0_lowered;
	s2 =	sadd.s32 s2, s4;
	[dreg:$0x0] =	wrdreg $0x0  }
0xa8: {  	s4 =	sshll.u32 s28, $0x1;
	[dreg:$0x2] =	wrdreg s2  }
0xa9: {  	[dreg:$0x3] =	wrdreg s4  }
0xaa: {  	[dreg:$0x4] =	wrdreg $0xC0  }
0xab: {  	_ =	task [dreg:s6], $0x5FFFF  }
0xac: {  	[dreg:$0x1] =	wrdreg $0xFFFFFFFF  }
0xad: {  	[dreg:$0x0] =	wrdreg $0x60  }
0xae: {  	[dreg:$0x2] =	wrdreg s24  }
0xaf: {  	[dreg:$0x3] =	wrdreg $0xA  }
0xb0: {  	_ =	task.clear_ibuf [dreg:s6], $0x4FFFF;
	_ =	strace $0x90000046  }
0xb1: {  	s29 =	simm.s32 $0xA;
	_ =	strace $0x80000048  }
0xb2: {  	_ =	swait.ge [sflag:s29], $0x1  }
0xb3: {  	[sflag:s29] =	ssyncadd.s32 $0xFFFFFFFF  }
0xb4: {  	_ =	strace $0x90000048  }
0xb5: {  	_ =	sfence  }
0xb6: {  	s30 =	sld [smem:$0x0];
	_ =	sdelay $0x2  }
0xb7: {  	s31 =	sshll.u32 s1, $0xD;
	s1 =	sshrl.u32 s1, $0x2  }
0xb8: {  	s3 =	sand.u32 $0x4000, s31;
	s1 =	sadd.s32 s1, s30  }
0xb9: {  	s0 =	sor.u32 s3, s0;
	s1 =	sshll.u32 s1, $0x11  }
0xba: {  	s0 =	sor.u32 s1, s0  }
0xbb: {  	s0 =	sadd.s32 $0x8F2B, s0  }
0xbc: {  	[sflag:s0] =	ssyncadd.remote.s32 $0x1  }
0xbd: {  	_ =	sfence.sel $0xFFFF  }
0xbe: {  	[dreg:$0x0] =	wrdreg $0xFFFFFFFF;
	(pc) =	sbr.abs _section_cstart, $3  }
0xbf: {  	[dreg:$0x1] =	wrdreg $0xFFFFFFFF  }
0xc0: {  	_ =	task.clear_ibuf [dreg:s6], $0x2FFFF;
	_ =	strace $0x9FFFFFFF  }
0xc1: {  	(tm) =	ssettm $0x7FFFFFFF  }
tec
execute0_lowered:
.L_overlay_start_1:
0x0: {  	(tag) =	ssettag $0x1  }
0x1: {  	s0 =	rddreg [dreg:$0x0];
	s2 =	simm.s32 $0x0  }
0x2: {  	s1 =	srdreg.scid;
	s4 =	stileid.u32;
	s18 =	simm.s32 $0x7D0  }
0x3: {  	s19 =	simm.s32 $0x1;
	s20 =	simm.s32 $0x3E8;
	s21 =	simm.s32 $0x8CA0  }
0x4: {  	s22 =	simm.s32 $0xFA0;
	s28 =	simm.s32 $0x4E20;
	s29 =	simm.s32 $0x109A0  }
0x5: {  	s30 =	simm.s32 $0x4;
	s31 =	simm.s32 $0x14820;
	[smem:$0x7FF] =	sst s2  }
0x6: {  	s3 =	sadd.s32 $0x6D000, s0;
	s1 =	sand.u32 $0x1, s1;
	s5 =	sshll.u32 s4, $0x1  }
0x7: {  	s4 =	sadd.s32 $0x85800, s0;
	s9 =	ssub.s32 $0x2, s1;
	s1 =	sor.u32 s1, s5  }
0x8: {  	s7 =	sadd.s32 $0x3C000, s0;
	s8 =	sadd.s32 $0x9E000, s0;
	s6 =	smul.u32 $0x61A8, s1  }
0x9: {  	_ =	strace $0x80000047;
	s10 =	sshrl.u32 s9, $0x1;
	s1 =	smul.u32 $0x61A80, s1  }
0xa: {  	s5 =	sadd.s32 $0xB000, s0;
	s23 =	ssub.s32 s9, s10;
	s24 =	sshrl.u32 s6, $0x3  }
0xb: {  	s9 =	sadd.s32 $0x3E8, s6;
	s1 =	sshrl.u32 s1, $0x3;
	s14 =	sadd.s32 $0x7D0, s6  }
0xc: {  	s15 =	sadd.s32 $0xBB8, s6;
	s0 =	smax.u32 s23, $0x1;
	s23 =	simm.s32 $0xBB8  }
0xd: {  	s11 =	sadd.s32 s5, s24;
	s10 =	sadd.s32 s7, s24;
	[dreg:$0x7] =	wrdreg s0  }
0xe: {  	s25 =	sshrl.u32 s9, $0x3;
	s1 =	sadd.s32 s8, s1;
	[dreg:$0x2] =	wrdreg s11  }
0xf: {  	s24 =	simm.s32 $0x3;
	[dreg:$0x3] =	wrdreg s10;
	s26 =	sadd.s32 s5, s25  }
0x10: {  	s0 =	simm.s32 $0x5;
	s10 =	sadd.s32 s7, s25;
	[dreg:$0x4] =	wrdreg s26  }
0x11: {  	s1 =	sadd.s32 $0xBB80, s1;
	s25 =	simm.s32 $0x2;
	[dreg:$0x5] =	wrdreg s10  }
0x12: {  	[dreg:$0x6] =	wrdreg s1;
	s26 =	simm.s32 $0xCB20;
	s10 =	simm.s32 $0x0  }
.LBB2_1:
0x13: {  	s1 =	rddreg [dreg:$0x2]  }
0x14: {  	[tilespmem:s2], [sflag:$0x1] =	stream.linear.gather [hbm4b:s1+s2], $0x3E8, $0x38;
	[tilespmem:$0x186A0] =	vst v63  }
0x15: {  	s13 =	rddreg [dreg:$0x3]  }
0x16: {  	[tilespmem:s18], [sflag:$0x1] =	stream.linear.gather [hbm4b:s13+s2], $0x3E8, $0x38;
	[tilespmem:$0x186A0] =	vst v63  }
0x17: {  	_ =	swait.ge [sflag:s19], $0x3E8  }
0x18: {  	[sflag:s19] =	ssyncset.done $0x0  }
0x19: {  	[sflag:s19] =	ssyncadd.s32 $0xFFFFFC18  }
0x1a: {  	_ =	swait.ge [sflag:s19], $0x3E8  }
0x1b: {  	[sflag:s19] =	ssyncset.done $0x0  }
0x1c: {  	[sflag:s19] =	ssyncadd.s32 $0xFFFFFC18  }
0x1d: {  	[tilespmem:s21], [sflag:$0x3] =	stream.indirect.gather [hbm4b:s4+s20], $0x10, s2, s20, $0xb8;
	[tilespmem:$0x186A0] =	vst v63  }
0x1e: {  	_ = 	snop  }
0x1f: {  	[tilespmem:s22], [sflag:$0x3] =	stream.indirect.gather [hbm4b:s3+s20], $0x10, s18, s20, $0xb8;
	[tilespmem:$0x186A0] =	vst v63  }
0x20: {  	s16 =	rddreg [dreg:$0x4]  }
0x21: {  	[tilespmem:s20], [sflag:$0x2] =	stream.linear.gather [hbm4b:s16+s2], $0x3E8, $0x38;
	[tilespmem:$0x186A0] =	vst v63  }
0x22: {  	s11 =	simm.s32 $0x0;
	s17 =	rddreg [dreg:$0x5]  }
0x23: {  	[tilespmem:s23], [sflag:$0x2] =	stream.linear.gather [hbm4b:s17+s2], $0x3E8, $0x38;
	[tilespmem:$0x186A0] =	vst v63  }
.LBB2_2:
0x24: {  	_ =	swait.ge [sflag:s24], $0x3E80  }
0x25: {  	s12 =	smul.u32 $0x7D0, s11;
	[sflag:s24] =	ssyncset.done $0x0  }
0x26: {  	[sflag:s24] =	ssyncadd.s32 $0xFFFFC180  }
0x27: {  	s13 =	sadd.s32 s12, s14;
	_ =	swait.ge [sflag:s24], $0x3E80  }
0x28: {  	s13 =	sshrl.u32 s13, $0x3;
	[sflag:s24] =	ssyncset.done $0x0  }
0x29: {  	s16 =	sadd.s32 s5, s13;
	[sflag:s24] =	ssyncadd.s32 $0xFFFFC180  }
0x2a: {  	[tilespmem:s2], [sflag:$0x1] =	stream.linear.gather [hbm4b:s16+s2], $0x3E8, $0x38;
	[tilespmem:$0x186A0] =	vst v63  }
0x2b: {  	s13 =	sadd.s32 s7, s13  }
0x2c: {  	[tilespmem:s18], [sflag:$0x1] =	stream.linear.gather [hbm4b:s13+s2], $0x3E8, $0x38;
	[tilespmem:$0x186A0] =	vst v63  }
0x2d: {  	_ =	swait.ge [sflag:s25], $0x3E8  }
0x2e: {  	[sflag:s25] =	ssyncset.done $0x0  }
0x2f: {  	[sflag:s25] =	ssyncadd.s32 $0xFFFFFC18  }
0x30: {  	_ =	swait.ge [sflag:s25], $0x3E8  }
0x31: {  	[sflag:s25] =	ssyncset.done $0x0  }
0x32: {  	p0 =	seq.s32 s11, $0x0;
	[sflag:s25] =	ssyncadd.s32 $0xFFFFFC18  }
0x33: {  	[tilespmem:s26], [sflag:$0x4] =	stream.indirect.gather [hbm4b:s4+s20], $0x10, s20, s20, $0xb8;
	[tilespmem:$0x186A0] =	vst v63  }
0x34: {  	s13 =	simm.s32 @!p0 $0x5  }
0x35: {  	[tilespmem:s28], [sflag:$0x4] =	stream.indirect.gather [hbm4b:s3+s20], $0x10, s23, s20, $0xb8;
	[tilespmem:$0x186A0] =	vst v63  }
0x36: {  	_ =	swait.ge @!p0 [sflag:s13], $0x3E80  }
0x37: {  	[sflag:s13] =	ssyncset.done @!p0 $0x0  }
0x38: {  	[sflag:s13] =	ssyncadd.s32 @!p0 $0xFFFFC180;
	s13 =	simm.s32 $0x0  }
0x39: {  	v0 =	vld [tilespmem:s13+$0x1010]  }
0x3a: {  	v1 =	vld [tilespmem:s13+$0x8D10]  }
0x3b: {  	v2 =	vld [tilespmem:s13+$0xFA0]  }
0x3c: {  	v3 =	vld [tilespmem:s13+$0x8CA0]  }
0x3d: {  	v4 =	vld [tilespmem:s13+$0xFB0]  }
0x3e: {  	v5 =	vld [tilespmem:s13+$0x8CB0]  }
0x3f: {  	v6 =	vld [tilespmem:s13+$0xFC0]  }
0x40: {  	v7 =	vld [tilespmem:s13+$0xFD0]  }
0x41: {  	v0 =	vmul.f32 v1, v0;
	v1 =	vld [tilespmem:s13+$0x8CC0]  }
0x42: {  	v8 =	vld [tilespmem:s13+$0x8CD0]  }
0x43: {  	v9 =	vld [tilespmem:s13+$0x8CE0];
	v2 =	vmul.f32 v3, v2  }
0x44: {  	[tilespmem:s13+$0x10A10] =	vst v0;
	v0 =	vmul.f32 v5, v4;
	v5 =	vld [tilespmem:s13+$0xFE0]  }
0x45: {  	v3 =	vld [tilespmem:s13+$0x8CF0];
	[tilespmem:s13+$0x109A0] =	vst v2  }
0x46: {  	v2 =	vld [tilespmem:s13+$0xFF0];
	[tilespmem:s13+$0x109B0] =	vst v0;
	v0 =	vmul.f32 v1, v6  }
0x47: {  	v4 =	vld [tilespmem:s13+$0x8D00];
	v6 =	vmul.f32 v8, v7  }
0x48: {  	s16 =	simm.s32 $0x80;
	[tilespmem:s13+$0x109C0] =	vst v0;
	v0 =	vld [tilespmem:s13+$0x1000]  }
0x49: {  	s17 =	simm.s32 $0x400;
	v5 =	vmul.f32 v9, v5;
	v1 =	vld [tilespmem:s16+$0x1010];
	[tilespmem:s13+$0x109D0] =	vst v6  }
.LBB2_3:
0x4a: {  	p1 =	sne.s32 s17, $0xF800;
	v6 =	vld [tilespmem:s16+$0x8D10]  }
0x4b: {  	v7 =	vld [tilespmem:s16+$0xFA0];
	[tilespmem:s13+$0x109E0] =	vst v5;
	v2 =	vmul.f32 v3, v2  }
0x4c: {  	v3 =	vld [tilespmem:s16+$0x8CA0]  }
0x4d: {  	v5 =	vld [tilespmem:s16+$0xFB0];
	[tilespmem:s13+$0x109F0] =	vst v2;
	v0 =	vmul.f32 v4, v0  }
0x4e: {  	v2 =	vld [tilespmem:s16+$0x8CB0]  }
0x4f: {  	v4 =	vld [tilespmem:s16+$0xFC0];
	v1 =	vmul.f32 v6, v1;
	[tilespmem:s13+$0x10A00] =	vst v0;
	s13 =	smov.u32 s16  }
0x50: {  	v0 =	vld [tilespmem:s13+$0x8CC0]  }
0x51: {  	v3 =	vmul.f32 v3, v7;
	v6 =	vld [tilespmem:s13+$0xFD0];
	[tilespmem:s13+$0x10A10] =	vst v1  }
0x52: {  	v1 =	vld [tilespmem:s13+$0x8CD0]  }
0x53: {  	[tilespmem:s13+$0x109A0] =	vst v3;
	v2 =	vmul.f32 v2, v5;
	v5 =	vld [tilespmem:s13+$0xFE0]  }
0x54: {  	v7 =	vld [tilespmem:s13+$0x8CE0]  }
.Ltmp0:
0x55: {  	[tilespmem:s13+$0x109B0] =	vst v2;
	v0 =	vmul.f32 v0, v4;
	v2 =	vld [tilespmem:s13+$0xFF0];
	(pc) =	sbr.rel @p1 .LBB2_3-.Ltmp0, $4  }
0x56: {  	v3 =	vld [tilespmem:s13+$0x8CF0]  }
0x57: {  	[tilespmem:s13+$0x109C0] =	vst v0;
	v6 =	vmul.f32 v1, v6;
	v0 =	vld [tilespmem:s13+$0x1000]  }
0x58: {  	s16 =	sshra.s32 s17, $0x2;
	v4 =	vld [tilespmem:s13+$0x8D00]  }
0x59: {  	s17 =	sadd.s32 $0x200, s17;
	v1 =	vld [tilespmem:s16+$0x1010];
	[tilespmem:s13+$0x109D0] =	vst v6;
	v5 =	vmul.f32 v7, v5  }
0x5a: {  	v6 =	vld [tilespmem:s16+$0x8D10]  }
0x5b: {  	v7 =	vld [tilespmem:s16+$0xFA0];
	[tilespmem:s13+$0x109E0] =	vst v5;
	v2 =	vmul.f32 v3, v2  }
0x5c: {  	v3 =	vld [tilespmem:s16+$0x8CA0]  }
0x5d: {  	v5 =	vld [tilespmem:s16+$0xFB0];
	[tilespmem:s13+$0x109F0] =	vst v2;
	v0 =	vmul.f32 v4, v0  }
0x5e: {  	v2 =	vld [tilespmem:s16+$0x8CB0]  }
0x5f: {  	v4 =	vld [tilespmem:s16+$0xFC0];
	[tilespmem:s13+$0x10A00] =	vst v0  }
0x60: {  	v0 =	vmul.f32 v6, v1;
	v1 =	vld [tilespmem:s16+$0x8CC0]  }
0x61: {  	v6 =	vld [tilespmem:s16+$0xFD0]  }
0x62: {  	v3 =	vmul.f32 v3, v7;
	[tilespmem:s16+$0x10A10] =	vst v0;
	v0 =	vld [tilespmem:s16+$0x8CD0]  }
0x63: {  	v7 =	vld [tilespmem:s16+$0x8D00]  }
0x64: {  	[tilespmem:s16+$0x109A0] =	vst v3;
	v2 =	vmul.f32 v2, v5;
	v3 =	vld [tilespmem:s16+$0xFE0]  }
0x65: {  	v5 =	vld [tilespmem:s16+$0x8CE0]  }
0x66: {  	[tilespmem:s16+$0x109B0] =	vst v2;
	v1 =	vmul.f32 v1, v4;
	v2 =	vld [tilespmem:s16+$0xFF0]  }
0x67: {  	v4 =	vld [tilespmem:s16+$0x8CF0]  }
0x68: {  	[tilespmem:s16+$0x109C0] =	vst v1;
	v1 =	vld [tilespmem:s16+$0x1000];
	_ =	sdelay $0x1  }
0x69: {  	v0 =	vmul.f32 v0, v6  }
0x6a: {  	v3 =	vmul.f32 v5, v3  }
0x6b: {  	[tilespmem:s16+$0x109D0] =	vst v0;
	v0 =	vmul.f32 v4, v2  }
0x6c: {  	s17 =	sadd.s32 s6, s12;
	[tilespmem:s16+$0x109E0] =	vst v3;
	v1 =	vmul.f32 v7, v1  }
0x6d: {  	s13 =	sshll.u32 s17, $0x1;
	[tilespmem:s16+$0x109F0] =	vst v0  }
0x6e: {  	s13 =	sadd.s32 s8, s13;
	[tilespmem:s16+$0x10A00] =	vst v1  }
0x6f: {  	[hbm4b:s13+s2] =	stream.linear.scatter [tilespmem:s29], [sflag:$0x5], $0x3E80, $0x38;
	[tilespmem:$0x186A0] =	vst v63  }
0x70: {  	_ =	swait.ge [sflag:s30], $0x3E80  }
0x71: {  	[sflag:s30] =	ssyncset.done $0x0  }
0x72: {  	p1 =	seq.s32 s11, $0xB;
	[sflag:s30] =	ssyncadd.s32 $0xFFFFC180  }
0x73: {  	s13 =	sadd.s32 @!p1 s12, s15;
	_ =	swait.ge [sflag:s30], $0x3E80  }
0x74: {  	s1 =	simm.s32 @!p1 $0x3E8;
	s13 =	sshrl.u32 @!p1 s13, $0x3;
	[sflag:s30] =	ssyncset.done $0x0  }
0x75: {  	s17 =	simm.s32 @!p1 $0x0;
	s16 =	sadd.s32 @!p1 s5, s13;
	[sflag:s30] =	ssyncadd.s32 $0xFFFFC180  }
0x76: {  	[tilespmem:s1], [sflag:$0x2] =	stream.linear.gather @!p1 [hbm4b:s16+s17], $0x3E8, $0x38;
	[tilespmem:$0x186A0] =	vst v63  }
0x77: {  	s1 =	sadd.s32 @!p1 s7, s13;
	s13 =	simm.s32 @!p1 $0xBB8  }
0x78: {  	[tilespmem:s13], [sflag:$0x2] =	stream.linear.gather @!p1 [hbm4b:s1+s17], $0x3E8, $0x38;
	[tilespmem:$0x186A0] =	vst v63  }
0x79: {  	_ =	swait.ge [sflag:s19], $0x3E8  }
0x7a: {  	[sflag:s19] =	ssyncset.done $0x0  }
0x7b: {  	[sflag:s19] =	ssyncadd.s32 $0xFFFFFC18  }
0x7c: {  	_ =	swait.ge [sflag:s19], $0x3E8  }
0x7d: {  	[sflag:s19] =	ssyncset.done $0x0  }
0x7e: {  	[sflag:s19] =	ssyncadd.s32 $0xFFFFFC18  }
0x7f: {  	[tilespmem:s21], [sflag:$0x3] =	stream.indirect.gather [hbm4b:s4+s20], $0x10, s2, s20, $0xb8;
	[tilespmem:$0x186A0] =	vst v63  }
0x80: {  	s1 =	simm.s32 @!p0 $0x6  }
0x81: {  	[tilespmem:s22], [sflag:$0x3] =	stream.indirect.gather [hbm4b:s3+s20], $0x10, s18, s20, $0xb8;
	[tilespmem:$0x186A0] =	vst v63  }
0x82: {  	_ =	swait.ge @!p0 [sflag:s1], $0x3E80  }
0x83: {  	[sflag:s1] =	ssyncset.done @!p0 $0x0  }
0x84: {  	s13 =	simm.s32 $0x0;
	[sflag:s1] =	ssyncadd.s32 @!p0 $0xFFFFC180  }
0x85: {  	v0 =	vld [tilespmem:s13+$0x4E90]  }
0x86: {  	v1 =	vld [tilespmem:s13+$0xCB90]  }
0x87: {  	v2 =	vld [tilespmem:s13+$0x4E20]  }
0x88: {  	v3 =	vld [tilespmem:s13+$0xCB20]  }
0x89: {  	v4 =	vld [tilespmem:s13+$0x4E30]  }
0x8a: {  	v5 =	vld [tilespmem:s13+$0xCB30]  }
0x8b: {  	v6 =	vld [tilespmem:s13+$0x4E40]  }
0x8c: {  	v7 =	vld [tilespmem:s13+$0x4E50]  }
0x8d: {  	v0 =	vmul.f32 v1, v0;
	v1 =	vld [tilespmem:s13+$0xCB40]  }
0x8e: {  	v8 =	vld [tilespmem:s13+$0xCB50]  }
0x8f: {  	v9 =	vld [tilespmem:s13+$0xCB60];
	v2 =	vmul.f32 v3, v2  }
0x90: {  	[tilespmem:s13+$0x14890] =	vst v0;
	v0 =	vmul.f32 v5, v4;
	v5 =	vld [tilespmem:s13+$0x4E60]  }
0x91: {  	v3 =	vld [tilespmem:s13+$0xCB70];
	[tilespmem:s13+$0x14820] =	vst v2  }
0x92: {  	v2 =	vld [tilespmem:s13+$0x4E70];
	[tilespmem:s13+$0x14830] =	vst v0;
	v0 =	vmul.f32 v1, v6  }
0x93: {  	v4 =	vld [tilespmem:s13+$0xCB80];
	v6 =	vmul.f32 v8, v7  }
0x94: {  	s16 =	simm.s32 $0x80;
	[tilespmem:s13+$0x14840] =	vst v0;
	v0 =	vld [tilespmem:s13+$0x4E80]  }
0x95: {  	s17 =	simm.s32 $0x400;
	v5 =	vmul.f32 v9, v5;
	v1 =	vld [tilespmem:s16+$0x4E90];
	[tilespmem:s13+$0x14850] =	vst v6  }
.LBB2_5:
0x96: {  	p0 =	sne.s32 s17, $0xF800;
	v6 =	vld [tilespmem:s16+$0xCB90]  }
0x97: {  	v7 =	vld [tilespmem:s16+$0x4E20];
	[tilespmem:s13+$0x14860] =	vst v5;
	v2 =	vmul.f32 v3, v2  }
0x98: {  	v3 =	vld [tilespmem:s16+$0xCB20]  }
0x99: {  	v5 =	vld [tilespmem:s16+$0x4E30];
	[tilespmem:s13+$0x14870] =	vst v2;
	v0 =	vmul.f32 v4, v0  }
0x9a: {  	v2 =	vld [tilespmem:s16+$0xCB30]  }
0x9b: {  	v4 =	vld [tilespmem:s16+$0x4E40];
	v1 =	vmul.f32 v6, v1;
	[tilespmem:s13+$0x14880] =	vst v0;
	s13 =	smov.u32 s16  }
0x9c: {  	v0 =	vld [tilespmem:s13+$0xCB40]  }
0x9d: {  	v3 =	vmul.f32 v3, v7;
	v6 =	vld [tilespmem:s13+$0x4E50];
	[tilespmem:s13+$0x14890] =	vst v1  }
0x9e: {  	v1 =	vld [tilespmem:s13+$0xCB50]  }
0x9f: {  	[tilespmem:s13+$0x14820] =	vst v3;
	v2 =	vmul.f32 v2, v5;
	v5 =	vld [tilespmem:s13+$0x4E60]  }
0xa0: {  	v7 =	vld [tilespmem:s13+$0xCB60]  }
.Ltmp1:
0xa1: {  	[tilespmem:s13+$0x14830] =	vst v2;
	v0 =	vmul.f32 v0, v4;
	v2 =	vld [tilespmem:s13+$0x4E70];
	(pc) =	sbr.rel @p0 .LBB2_5-.Ltmp1, $4  }
0xa2: {  	v3 =	vld [tilespmem:s13+$0xCB70]  }
0xa3: {  	[tilespmem:s13+$0x14840] =	vst v0;
	v6 =	vmul.f32 v1, v6;
	v0 =	vld [tilespmem:s13+$0x4E80]  }
0xa4: {  	s16 =	sshra.s32 s17, $0x2;
	v4 =	vld [tilespmem:s13+$0xCB80]  }
0xa5: {  	s17 =	sadd.s32 $0x200, s17;
	v1 =	vld [tilespmem:s16+$0x4E90];
	[tilespmem:s13+$0x14850] =	vst v6;
	v5 =	vmul.f32 v7, v5  }
0xa6: {  	v6 =	vld [tilespmem:s16+$0xCB90]  }
0xa7: {  	v7 =	vld [tilespmem:s16+$0x4E20];
	[tilespmem:s13+$0x14860] =	vst v5;
	v2 =	vmul.f32 v3, v2  }
0xa8: {  	v51 =	vld [tilespmem:s16+$0xCB20]  }
0xa9: {  	v5 =	vld [tilespmem:s16+$0x4E30];
	[tilespmem:s13+$0x14870] =	vst v2;
	v0 =	vmul.f32 v4, v0  }
0xaa: {  	v2 =	vld [tilespmem:s16+$0xCB30]  }
0xab: {  	v52 =	vld [tilespmem:s16+$0x4E40];
	[tilespmem:s13+$0x14880] =	vst v0  }
0xac: {  	v54 =	vld [tilespmem:s16+$0xCB40]  }
0xad: {  	v55 =	vld [tilespmem:s16+$0x4E50]  }
0xae: {  	v56 =	vld [tilespmem:s16+$0xCB50]  }
0xaf: {  	v57 =	vld [tilespmem:s16+$0x4E60]  }
0xb0: {  	v58 =	vld [tilespmem:s16+$0xCB60]  }
0xb1: {  	v59 =	vld [tilespmem:s16+$0x4E70]  }
0xb2: {  	v53 =	vmul.f32 v6, v1;
	v60 =	vld [tilespmem:s16+$0xCB70]  }
0xb3: {  	v61 =	vld [tilespmem:s16+$0x4E80];
	v3 =	vmul.f32 v51, v7  }
0xb4: {  	v62 =	vld [tilespmem:s16+$0xCB80];
	[tilespmem:s16+$0x14890] =	vst v53;
	v2 =	vmul.f32 v2, v5  }
0xb5: {  	[tilespmem:s16+$0x14820] =	vst v3;
	v1 =	vmul.f32 v54, v52  }
0xb6: {  	s11 =	sadd.s32 $0x1, s11;
	[tilespmem:s16+$0x14830] =	vst v2;
	v0 =	vmul.f32 v56, v55  }
0xb7: {  	p0 =	sne.s32 s11, $0xC;
	v3 =	vmul.f32 v58, v57;
	[tilespmem:s16+$0x14840] =	vst v1  }
.Ltmp2:
0xb8: {  	s1 =	sadd.s32 s12, s9;
	v63 =	vmul.f32 v60, v59;
	[tilespmem:s16+$0x14850] =	vst v0;
	(pc) =	sbr.rel @p0 .LBB2_2-.Ltmp2, $4  }
0xb9: {  	s1 =	sshll.u32 s1, $0x1;
	[tilespmem:s16+$0x14860] =	vst v3;
	v1 =	vmul.f32 v62, v61  }
0xba: {  	s1 =	sand.u32 $0x1FFFFFF0, s1;
	[tilespmem:s16+$0x14870] =	vst v63  }
0xbb: {  	s1 =	sadd.s32 s8, s1;
	[tilespmem:s16+$0x14880] =	vst v1  }
0xbc: {  	[hbm4b:s1+s2] =	stream.linear.scatter [tilespmem:s31], [sflag:$0x6], $0x3E80, $0x38;
	[tilespmem:$0x186A0] =	vst v63  }
0xbd: {  	_ =	swait.ge [sflag:s24], $0x3E80  }
0xbe: {  	[sflag:s24] =	ssyncset.done $0x0  }
0xbf: {  	[sflag:s24] =	ssyncadd.s32 $0xFFFFC180  }
0xc0: {  	_ =	swait.ge [sflag:s24], $0x3E80  }
0xc1: {  	[sflag:s24] =	ssyncset.done $0x0  }
0xc2: {  	[sflag:s24] =	ssyncadd.s32 $0xFFFFC180  }
0xc3: {  	_ =	swait.ge [sflag:s0], $0x3E80  }
0xc4: {  	[sflag:s0] =	ssyncset.done $0x0  }
0xc5: {  	s11 =	simm.s32 $0x0;
	[sflag:s0] =	ssyncadd.s32 $0xFFFFC180  }
0xc6: {  	v0 =	vld [tilespmem:s11+$0x1010]  }
0xc7: {  	v1 =	vld [tilespmem:s11+$0x8D10]  }
0xc8: {  	v2 =	vld [tilespmem:s11+$0xFA0]  }
0xc9: {  	v3 =	vld [tilespmem:s11+$0x8CA0]  }
0xca: {  	v4 =	vld [tilespmem:s11+$0xFB0]  }
0xcb: {  	v5 =	vld [tilespmem:s11+$0x8CB0]  }
0xcc: {  	v6 =	vld [tilespmem:s11+$0xFC0]  }
0xcd: {  	v7 =	vld [tilespmem:s11+$0xFD0]  }
0xce: {  	v0 =	vmul.f32 v1, v0;
	v1 =	vld [tilespmem:s11+$0x8CC0]  }
0xcf: {  	v8 =	vld [tilespmem:s11+$0x8CD0]  }
0xd0: {  	v9 =	vld [tilespmem:s11+$0x8CE0];
	v2 =	vmul.f32 v3, v2  }
0xd1: {  	[tilespmem:s11+$0x10A10] =	vst v0;
	v0 =	vmul.f32 v5, v4;
	v5 =	vld [tilespmem:s11+$0xFE0]  }
0xd2: {  	v3 =	vld [tilespmem:s11+$0x8CF0];
	[tilespmem:s11+$0x109A0] =	vst v2  }
0xd3: {  	v2 =	vld [tilespmem:s11+$0xFF0];
	[tilespmem:s11+$0x109B0] =	vst v0;
	v0 =	vmul.f32 v1, v6  }
0xd4: {  	v4 =	vld [tilespmem:s11+$0x8D00];
	v6 =	vmul.f32 v8, v7  }
0xd5: {  	s12 =	simm.s32 $0x80;
	[tilespmem:s11+$0x109C0] =	vst v0;
	v0 =	vld [tilespmem:s11+$0x1000]  }
0xd6: {  	s13 =	simm.s32 $0x400;
	v5 =	vmul.f32 v9, v5;
	v1 =	vld [tilespmem:s12+$0x1010];
	[tilespmem:s11+$0x109D0] =	vst v6  }
.LBB2_8:
0xd7: {  	p0 =	sne.s32 s13, $0xF800;
	v6 =	vld [tilespmem:s12+$0x8D10]  }
0xd8: {  	v7 =	vld [tilespmem:s12+$0xFA0];
	[tilespmem:s11+$0x109E0] =	vst v5;
	v2 =	vmul.f32 v3, v2  }
0xd9: {  	v3 =	vld [tilespmem:s12+$0x8CA0]  }
0xda: {  	v5 =	vld [tilespmem:s12+$0xFB0];
	[tilespmem:s11+$0x109F0] =	vst v2;
	v0 =	vmul.f32 v4, v0  }
0xdb: {  	v2 =	vld [tilespmem:s12+$0x8CB0]  }
0xdc: {  	v4 =	vld [tilespmem:s12+$0xFC0];
	v1 =	vmul.f32 v6, v1;
	[tilespmem:s11+$0x10A00] =	vst v0;
	s11 =	smov.u32 s12  }
0xdd: {  	v0 =	vld [tilespmem:s11+$0x8CC0]  }
0xde: {  	v3 =	vmul.f32 v3, v7;
	v6 =	vld [tilespmem:s11+$0xFD0];
	[tilespmem:s11+$0x10A10] =	vst v1  }
0xdf: {  	v1 =	vld [tilespmem:s11+$0x8CD0]  }
0xe0: {  	[tilespmem:s11+$0x109A0] =	vst v3;
	v2 =	vmul.f32 v2, v5;
	v5 =	vld [tilespmem:s11+$0xFE0]  }
0xe1: {  	v7 =	vld [tilespmem:s11+$0x8CE0]  }
.Ltmp3:
0xe2: {  	[tilespmem:s11+$0x109B0] =	vst v2;
	v0 =	vmul.f32 v0, v4;
	v2 =	vld [tilespmem:s11+$0xFF0];
	(pc) =	sbr.rel @p0 .LBB2_8-.Ltmp3, $4  }
0xe3: {  	v3 =	vld [tilespmem:s11+$0x8CF0]  }
0xe4: {  	[tilespmem:s11+$0x109C0] =	vst v0;
	v6 =	vmul.f32 v1, v6;
	v0 =	vld [tilespmem:s11+$0x1000]  }
0xe5: {  	s12 =	sshra.s32 s13, $0x2;
	v4 =	vld [tilespmem:s11+$0x8D00]  }
0xe6: {  	s13 =	sadd.s32 $0x200, s13;
	v1 =	vld [tilespmem:s12+$0x1010];
	[tilespmem:s11+$0x109D0] =	vst v6;
	v5 =	vmul.f32 v7, v5  }
0xe7: {  	v6 =	vld [tilespmem:s12+$0x8D10]  }
0xe8: {  	v7 =	vld [tilespmem:s12+$0xFA0];
	[tilespmem:s11+$0x109E0] =	vst v5;
	v2 =	vmul.f32 v3, v2  }
0xe9: {  	v51 =	vld [tilespmem:s12+$0x8CA0]  }
0xea: {  	v5 =	vld [tilespmem:s12+$0xFB0];
	[tilespmem:s11+$0x109F0] =	vst v2;
	v0 =	vmul.f32 v4, v0  }
0xeb: {  	v2 =	vld [tilespmem:s12+$0x8CB0]  }
0xec: {  	v52 =	vld [tilespmem:s12+$0xFC0];
	[tilespmem:s11+$0x10A00] =	vst v0  }
0xed: {  	v54 =	vld [tilespmem:s12+$0x8CC0]  }
0xee: {  	v55 =	vld [tilespmem:s12+$0xFD0]  }
0xef: {  	v56 =	vld [tilespmem:s12+$0x8CD0]  }
0xf0: {  	v57 =	vld [tilespmem:s12+$0xFE0]  }
0xf1: {  	v58 =	vld [tilespmem:s12+$0x8CE0]  }
0xf2: {  	v59 =	vld [tilespmem:s12+$0xFF0]  }
0xf3: {  	v53 =	vmul.f32 v6, v1;
	v60 =	vld [tilespmem:s12+$0x8CF0]  }
0xf4: {  	v61 =	vld [tilespmem:s12+$0x1000];
	v3 =	vmul.f32 v51, v7  }
0xf5: {  	v62 =	vld [tilespmem:s12+$0x8D00];
	[tilespmem:s12+$0x10A10] =	vst v53;
	v2 =	vmul.f32 v2, v5  }
0xf6: {  	[tilespmem:s12+$0x109A0] =	vst v3;
	v1 =	vmul.f32 v54, v52  }
0xf7: {  	[tilespmem:s12+$0x109B0] =	vst v2;
	v0 =	vmul.f32 v56, v55  }
0xf8: {  	v3 =	vmul.f32 v58, v57;
	[tilespmem:s12+$0x109C0] =	vst v1  }
0xf9: {  	v63 =	vmul.f32 v60, v59;
	[tilespmem:s12+$0x109D0] =	vst v0  }
0xfa: {  	[tilespmem:s12+$0x109E0] =	vst v3;
	v1 =	vmul.f32 v62, v61  }
0xfb: {  	[tilespmem:s12+$0x109F0] =	vst v63  }
0xfc: {  	s1 =	rddreg [dreg:$0x6];
	[tilespmem:s12+$0x10A00] =	vst v1  }
0xfd: {  	[hbm4b:s1+s2] =	stream.linear.scatter [tilespmem:s29], [sflag:$0x5], $0x3E80, $0x38;
	[tilespmem:$0x186A0] =	vst v63  }
0xfe: {  	_ =	swait.ge [sflag:s0], $0x3E80  }
0xff: {  	[sflag:s0] =	ssyncset.done $0x0  }
0x100: {  	s16 =	simm.s32 $0x6;
	[sflag:s0] =	ssyncadd.s32 $0xFFFFC180  }
0x101: {  	_ =	swait.ge [sflag:s16], $0x3E80  }
0x102: {  	s10 =	sadd.s32 $0x1, s10;
	s17 =	rddreg [dreg:$0x7]  }
0x103: {  	p0 =	sne.s32 s10, s17  }
.Ltmp4:
0x104: {  	_ = 	snop;
	(pc) =	sbr.rel @p0 .LBB2_1-.Ltmp4, $3  }
0x105: {  	_ =	sdelay $0x1  }
0x106: {  	[sflag:s16] =	ssyncset.done $0x0  }
0x107: {  	[sflag:s16] =	ssyncadd.s32 $0xFFFFC180  }
0x108: {  	_ =	sfence.sel $0x180000  }
0x109: {  	[bflag:$0x0] =	sbarrier.arrive $0xFFFF  }
0x10a: {  	_ =	strace $0x90000047  }
0x10b: {  	s0 =	stileid.u32;
	[bflag:$0x2] =	sbarrier.arrive $0xFFFF  }
0x10c: {  	p0 =	sne.s32 s0, $0x0;
	s0 =	rddreg [dreg:$0x1]  }
0x10d: {  	s0 =	sadd.s32 @!p0 $0x100000, s0  }
0x10e: {  	[sflag:s0] =	ssyncadd.tile.s32 @!p0 $0x1;
	_ =	shalt  }
.Lfunc_end2:
_tile_overlayer_lowered:
.L_overlay_start_2:
0x10f: {  	(tag) =	ssettag $0x2  }
0x110: {  	s0 =	rddreg [dreg:$0x0];
	s2 =	stileid.u32  }
0x111: {  	s1 =	rddreg [dreg:$0x1];
	p0 =	sne.s32 s2, $0x0  }
0x112: {  	s3 =	rddreg [dreg:$0x2];
	[bflag:$0x3] =	sbarrier.arrive $0xFFFF;
	s2 =	simm.s32 @!p0 $0x1C07  }
0x113: {  	[timem:s3], [sflag:s2] =	dma.local @!p0 [hbm:s0], s1  }
0x114: {  	s0 =	simm.s32 @!p0 $0x7  }
0x115: {  	_ =	swait.ge @!p0 [sflag:s0], s1  }
0x116: {  	s1 =	ssub.s32 @!p0 $0x0, s1;
	[sflag:s0] =	ssyncset.done @!p0 $0x0  }
0x117: {  	[sflag:s0] =	ssyncadd.s32 @!p0 s1  }
0x118: {  	[bflag:$0x3] =	sbarrier.arrive $0xFFFF  }
0x119: {  	_ =	shalt  }

// kernel: kernel.16.cloned.1.call-start
scs
__scs_entry_jumppad:
0x0: {  	(pc) =	sbr.rel $0x88, $3  }
0x1: {  	(tag) =	ssettag $0x0;
	lr =	simm.s32 $0x1  }
0x2: {  	[smem:$0x3F98] =	sst lr;
	_ =	strace $0xD0000000  }
0x3: {  	_ = 	snop  }
0x4: {  	_ = 	snop  }
0x5: {  	_ = 	snop  }
0x6: {  	_ = 	snop  }
0x7: {  	_ = 	snop  }
__scs_overlays_trampoline_lowered:
0x8: {  	[smem:$0x3FA7] =	sst s0  }
0x9: {  	[smem:$0x3FA8] =	sst s1  }
0xa: {  	[smem:$0x3FA9] =	sst s2  }
0xb: {  	[smem:$0x3FAA] =	sst s3  }
0xc: {  	[smem:$0x3FAB] =	sst s4  }
0xd: {  	[smem:$0x3FAC] =	sst s5  }
0xe: {  	[smem:$0x3FAD] =	sst s6  }
0xf: {  	[smem:$0x3FAE] =	sst s7  }
0x10: {  	[smem:$0x3FAF] =	sst s8  }
0x11: {  	[smem:$0x3FB0] =	sst s9;
	s0 =	simm.s32 @!p0 $0x0  }
0x12: {  	s1 =	sld [smem:$0x3F96];
	s0 =	simm.s32 @p0 $0x1  }
0x13: {  	[smem:$0x3FB1] =	sst s0;
	s0 =	simm.s32 @!p1 $0x0  }
0x14: {  	s2 =	sld [smem:$0x3F95];
	s0 =	simm.s32 @p1 $0x1  }
0x15: {  	[smem:$0x3FB2] =	sst s0;
	s0 =	simm.s32 @!p2 $0x0  }
0x16: {  	s3 =	sld [smem:$0x3FDB];
	s0 =	simm.s32 @p2 $0x1  }
0x17: {  	s4 =	simm.s32 $0x1BF5;
	[smem:$0x3FB4] =	sst s0  }
0x18: {  	s0 =	sld [smem:$0x3F97];
	_ =	swait.ge [sflag:s4], $0x0  }
0x19: {  	s7 =	sld [smem:$0x3F98]  }
0x1a: {  	s8 =	sadd.s32 $0xFFFFE003, lr  }
0x1b: {  	s9 =	sadd.s32 $0xFFFFFEF7, lr;
	s5 =	simm.s32 $0xFFFFFFFF;
	p2 =	slt.u32 s8, $0xFFFFF086  }
0x1c: {  	p1 =	slt.u32 s9, $0xF7A;
	s5 =	simm.s32 @!p2 $0x0  }
0x1d: {  	s5 =	simm.s32 @p1 $0x1;
	p0 =	seq.s32 s7, s2  }
0x1e: {  	s7 =	smul.u32 @!p0 $0xF7A, s2;
	p2 =	seq.s32 @!p0 s5, $0x0  }
0x1f: {  	s9 =	smul.u32 $0xF7A, s1;
	s8 =	simm.s32 @!p0 $0x1BF5;
	p2 =	por !p2, p0  }
0x20: {  	[sflag:s8] =	ssyncset.s32 @!p0 $0xFFFFF086;
	s6 =	sadd.s32 @!p0 s3, s7;
	s7 =	simm.s32 @!p0 $0x108  }
0x21: {  	s3 =	sadd.s32 s3, s9;
	s6 =	sadd.s32 @!p0 $0x88, s6;
	s7 =	simm.s32 @p2 $0x1082  }
0x22: {  	[simem:s7], [sflag:s8] =	dma.local @!p0 [hbm:s6], $0xF7A  }
0x23: {  	s9 =	sor.u32 $0xD0000000, s2;
	s6 =	simm.s32 $0x108;
	_ =	swait.ge @!p0 [sflag:s8], $0x0  }
0x24: {  	s3 =	sadd.s32 $0x88, s3;
	s6 =	simm.s32 @!p1 $0x1082;
	[sflag:s4] =	ssyncset.s32 $0xFFFFF086  }
0x25: {  	[simem:s6], [sflag:s4] =	dma.local [hbm:s3], $0xF7A  }
0x26: {  	[smem:$0x3F98] =	sst s1;
	(tag) =	ssettag s2;
	_ =	strace s9  }
0x27: {  	s1 =	sld [smem:$0x3FA8]  }
0x28: {  	s2 =	sld [smem:$0x3FA9]  }
0x29: {  	s4 =	sld [smem:$0x3FAB]  }
0x2a: {  	p0 =	seq.s32 s5, $0x0;
	s5 =	sld [smem:$0x3FAC]  }
0x2b: {  	s6 =	sld [smem:$0x3FAD]  }
0x2c: {  	s7 =	sld [smem:$0x3FAE]  }
0x2d: {  	s3 =	simm.s32 $0x108;
	s8 =	sld [smem:$0x3FAF]  }
0x2e: {  	s3 =	simm.s32 @!p0 $0x1082;
	s9 =	sld [smem:$0x3FB0]  }
0x2f: {  	lr =	sadd.s32 s0, s3;
	s0 =	sld [smem:$0x3FA7]  }
0x30: {  	s3 =	sld [smem:$0x3FAA]  }
0x31: {  	[smem:$0x3FB3] =	sst s10  }
0x32: {  	s10 =	sld [smem:$0x3FB1];
	_ =	sdelay $0x3  }
0x33: {  	p0 =	seq.s32 s10, $0x1;
	s10 =	sld [smem:$0x3FB3];
	_ =	sdelay $0x3  }
0x34: {  	[smem:$0x3FB3] =	sst s10  }
0x35: {  	s10 =	sld [smem:$0x3FB2];
	_ =	sdelay $0x3  }
0x36: {  	p1 =	seq.s32 s10, $0x1;
	s10 =	sld [smem:$0x3FB3];
	_ =	sdelay $0x3  }
0x37: {  	[smem:$0x3FB3] =	sst s10  }
0x38: {  	s10 =	sld [smem:$0x3FB4]  }
0x39: {  	_ = 	snop;
	(pc) =	sbr.ind lr, $3  }
0x3a: {  	_ = 	snop  }
0x3b: {  	_ = 	snop  }
0x3c: {  	p2 =	seq.s32 s10, $0x1;
	s10 =	sld [smem:$0x3FB3]  }
0x3d: {  	_ =	shalt  }
0x3e: {  	_ =	shalt  }
0x3f: {  	_ =	shalt  }
0x40: {  	_ =	shalt  }
0x41: {  	_ =	shalt  }
0x42: {  	_ =	shalt  }
0x43: {  	_ =	shalt  }
0x44: {  	_ =	shalt  }
0x45: {  	_ =	shalt  }
0x46: {  	_ =	shalt  }
0x47: {  	_ =	shalt  }
0x48: {  	_ =	shalt  }
0x49: {  	_ =	shalt  }
0x4a: {  	_ =	shalt  }
0x4b: {  	_ =	shalt  }
0x4c: {  	_ =	shalt  }
0x4d: {  	_ =	shalt  }
0x4e: {  	_ =	shalt  }
0x4f: {  	_ =	shalt  }
0x50: {  	_ =	shalt  }
0x51: {  	_ =	shalt  }
0x52: {  	_ =	shalt  }
0x53: {  	_ =	shalt  }
0x54: {  	_ =	shalt  }
0x55: {  	_ =	shalt  }
0x56: {  	_ =	shalt  }
0x57: {  	_ =	shalt  }
0x58: {  	_ =	shalt  }
0x59: {  	_ =	shalt  }
0x5a: {  	_ =	shalt  }
0x5b: {  	_ =	shalt  }
0x5c: {  	_ =	shalt  }
0x5d: {  	_ =	shalt  }
0x5e: {  	_ =	shalt  }
0x5f: {  	_ =	shalt  }
0x60: {  	_ =	shalt  }
0x61: {  	_ =	shalt  }
0x62: {  	_ =	shalt  }
0x63: {  	_ =	shalt  }
0x64: {  	_ =	shalt  }
0x65: {  	_ =	shalt  }
0x66: {  	_ =	shalt  }
0x67: {  	_ =	shalt  }
0x68: {  	_ =	shalt  }
0x69: {  	_ =	shalt  }
0x6a: {  	_ =	shalt  }
0x6b: {  	_ =	shalt  }
0x6c: {  	_ =	shalt  }
0x6d: {  	_ =	shalt  }
0x6e: {  	_ =	shalt  }
0x6f: {  	_ =	shalt  }
0x70: {  	_ =	shalt  }
0x71: {  	_ =	shalt  }
0x72: {  	_ =	shalt  }
0x73: {  	_ =	shalt  }
0x74: {  	_ =	shalt  }
0x75: {  	_ =	shalt  }
0x76: {  	_ =	shalt  }
0x77: {  	_ =	shalt  }
0x78: {  	_ =	shalt  }
0x79: {  	_ =	shalt  }
0x7a: {  	_ =	shalt  }
0x7b: {  	_ =	shalt  }
0x7c: {  	_ =	shalt  }
0x7d: {  	_ =	shalt  }
0x7e: {  	_ =	shalt  }
0x7f: {  	_ =	shalt  }
0x80: {  	_ =	shalt  }
0x81: {  	_ =	shalt  }
0x82: {  	_ =	shalt  }
0x83: {  	_ =	shalt  }
0x84: {  	_ =	shalt  }
0x85: {  	_ =	shalt  }
0x86: {  	_ =	shalt  }
0x87: {  	_ =	shalt  }
.Lfunc_end0:
.L_simem_size_0:
called_computation.2_lowered:
.L_overlay_start_0:
0x88: {  	s2 =	sld [smem:$0x3FD9]  }
0x89: {  	s3 =	sld [smem:$0x3FFE];
	_ =	sdelay $0x1  }
0x8a: {  	s1 =	srdreg.scid  }
0x8b: {  	s0 =	sand.u32 $0x1, s1  }
0x8c: {  	s17 =	sshll.u32 s0, $0xA;
	s2 =	sadd.s32 s3, s2  }
0x8d: {  	s2 =	sadd.s32 s2, s17  }
0x8e: {  	[smem:$0x3FBF] =	sst s2  }
0x8f: {  	_ = 	snop  }
0x90: {  	(tm) =	ssettm $0x1  }
0x91: {  	s18 =	sld [smem:$0x3FFB];
	_ =	sdelay $0x3  }
0x92: {  	_ =	strace s18  }
0x93: {  	s2 =	sld [smem:$0x3FFC];
	_ =	sdelay $0x3  }
0x94: {  	_ =	strace s2  }
0x95: {  	s2 =	sld [smem:$0x3FFD];
	_ =	sdelay $0x3  }
0x96: {  	_ =	strace s2  }
0x97: {  	_ =	strace $0x8FFFFFFF  }
0x98: {  	s19 =	sld [smem:$0x3FDB];
	_ =	sdelay $0x1  }
0x99: {  	s20 =	simm.s32 $_scs_section_size  }
0x9a: {  	s4 =	simm.s32 $_size__tile_overlayer_lowered;
	s5 =	simm.s32 $_tile_overlayer_lowered  }
0x9b: {  	s6 =	simm.s32 $0x1BFF;
	s21 =	sshll.u32 s5, $0x1;
	s3 =	sadd.s32 s20, s19  }
0x9c: {  	s22 =	simm.s32 $0x0;
	s4 =	sshll.u32 s4, $0x1;
	s5 =	sadd.s32 s21, s3  }
0x9d: {  	[timem:s22], [sflag:s6] =	dma.local [hbm:s5], s4  }
0x9e: {  	_ =	swait.ge [sflag:s6], s4  }
0x9f: {  	s4 =	ssub.s32 $0x0, s4;
	[sflag:s6] =	ssyncset.done $0x0  }
0xa0: {  	[sflag:s6] =	ssyncadd.s32 s4;
	_ =	sdelay $0x1  }
0xa1: {  	s23 =	simm.s32 $0x1B8B  }
0xa2: {  	_ =	swait.ge [sflag:s23], $0x1  }
0xa3: {  	[sflag:s23] =	ssyncset.done $0x0  }
0xa4: {  	[sflag:s23] =	ssyncadd.s32 $0xFFFFFFFF  }
0xa5: {  	s4 =	sld [smem:$0x0]  }
0xa6: {  	s5 =	sand.u32 $0xFFFFFFFE, s1  }
0xa7: {  	p0 =	sne.s32 s1, s5  }
0xa8: {  	s5 =	sshll.u32 @p0 s5, $0xE  }
0xa9: {  	s5 =	sadd.s32 @p0 $0x11B8D, s5;
	s6 =	sshll.u32 @p0 s4, $0x11  }
0xaa: {  	s5 =	sor.u32 @p0 s6, s5  }
0xab: {  	[sflag:s5] =	ssyncadd.remote.s32 @p0 $0x1;
	_ =	sdelay $0x1  }
0xac: {  	s5 =	simm.s32 @p0 $0x1B8D  }
0xad: {  	_ =	swait.eq @p0 [sflag:s5], $0x1  }
0xae: {  	[sflag:s5] =	ssyncadd.s32 @p0 $0xFFFFFFFF  }
0xaf: {  	s6 =	sshll.u32 @!p0 s1, $0xE  }
0xb0: {  	s6 =	sor.u32 @!p0 $0x4000, s6;
	s5 =	simm.s32 @!p0 $0x1B8D  }
0xb1: {  	s4 =	sshll.u32 @!p0 s4, $0x11;
	s6 =	sadd.s32 @!p0 $0x11B8D, s6;
	_ =	swait.eq @!p0 [sflag:s5], $0x1  }
0xb2: {  	s4 =	sor.u32 @!p0 s4, s6;
	[sflag:s5] =	ssyncadd.s32 @!p0 $0xFFFFFFFF  }
0xb3: {  	s25 =	simm.s32 $0x1B8E;
	s24 =	sld [smem:$0x3FFE];
	[sflag:s4] =	ssyncadd.remote.s32 @!p0 $0x1  }
0xb4: {  	s26 =	simm.s32 $execute0_lowered;
	[smem:$0x3FD2] =	sst s25  }
0xb5: {  	s5 =	sshll.u32 s26, $0x1;
	_ =	strace $0x8000004F;
	[dreg:$0x1] =	wrdreg $0xFFFFFFFF  }
0xb6: {  	s28 =	simm.s32 $_size_execute0_lowered;
	s3 =	sadd.s32 s3, s5;
	[dreg:$0x0] =	wrdreg $0x0  }
0xb7: {  	s5 =	sshll.u32 s28, $0x1;
	[dreg:$0x2] =	wrdreg s3  }
0xb8: {  	[dreg:$0x3] =	wrdreg s5  }
0xb9: {  	[dreg:$0x4] =	wrdreg $0xC0  }
0xba: {  	_ =	task [dreg:s22], $0x5FFFF  }
0xbb: {  	[dreg:$0x1] =	wrdreg $0xFFFFFFFF  }
0xbc: {  	[dreg:$0x0] =	wrdreg $0x60  }
0xbd: {  	[dreg:$0x2] =	wrdreg s24  }
0xbe: {  	[dreg:$0x3] =	wrdreg $0x84D00  }
0xbf: {  	[dreg:$0x4] =	wrdreg $0x9  }
0xc0: {  	_ =	task.clear_ibuf [dreg:s22], $0x5FFFF;
	_ =	strace $0x9000004F  }
0xc1: {  	s29 =	simm.s32 $0x9;
	_ =	strace $0x80000051  }
0xc2: {  	_ =	swait.ge [sflag:s29], $0x1  }
0xc3: {  	[sflag:s29] =	ssyncadd.s32 $0xFFFFFFFF  }
0xc4: {  	_ =	strace $0x90000051  }
0xc5: {  	_ =	sfence  }
0xc6: {  	s30 =	sld [smem:$0x0];
	_ =	sdelay $0x2  }
0xc7: {  	s31 =	sshll.u32 s1, $0xD;
	s1 =	sshrl.u32 s1, $0x2  }
0xc8: {  	s4 =	sand.u32 $0x4000, s31;
	s1 =	sadd.s32 s1, s30  }
0xc9: {  	s0 =	sor.u32 s4, s0;
	s1 =	sshll.u32 s1, $0x11  }
0xca: {  	s0 =	sor.u32 s1, s0  }
0xcb: {  	s0 =	sadd.s32 $0x8F2B, s0  }
0xcc: {  	[sflag:s0] =	ssyncadd.remote.s32 $0x1  }
0xcd: {  	_ =	sfence.sel $0xFFFF  }
0xce: {  	[dreg:$0x0] =	wrdreg $0xFFFFFFFF;
	(pc) =	sbr.abs _section_cstart, $3  }
0xcf: {  	[dreg:$0x1] =	wrdreg $0xFFFFFFFF  }
0xd0: {  	_ =	task.clear_ibuf [dreg:s22], $0x2FFFF;
	_ =	strace $0x9FFFFFFF  }
0xd1: {  	(tm) =	ssettm $0x7FFFFFFF  }
tec
execute0_lowered:
.L_overlay_start_1:
0x0: {  	(tag) =	ssettag $0x1  }
0x1: {  	s5 =	rddreg [dreg:$0x0]  }
0x2: {  	s2 =	rddreg [dreg:$0x1]  }
0x3: {  	s0 =	rddreg [dreg:$0x2];
	s3 =	simm.s32 $0x0  }
0x4: {  	s1 =	stileid.u32;
	s4 =	srdreg.scid;
	s17 =	simm.s32 $0x7D0  }
0x5: {  	s18 =	simm.s32 $0x3E8;
	s19 =	simm.s32 $0x4650;
	s20 =	simm.s32 $0x1  }
0x6: {  	s21 =	simm.s32 $0x2;
	s22 =	simm.s32 $0x0;
	[smem:$0x7FF] =	sst s3  }
0x7: {  	s6 =	smul.u32 $0xC350, s1;
	s7 =	sand.u32 $0x1, s4;
	s13 =	sadd.s32 $0x531E00, s5  }
0x8: {  	s4 =	sadd.s32 $0x23800, s5;
	s10 =	sshll.u32 s1, $0x1;
	s26 =	sshll.u32 s1, $0x6  }
0x9: {  	_ =	strace $0x80000050;
	s9 =	smul.u32 $0xC3500, s7;
	s11 =	ssub.s32 $0x2, s7  }
0xa: {  	s10 =	sor.u32 s7, s10;
	s7 =	smul.u32 $0x61A8, s7;
	s8 =	sshrl.u32 s6, $0x3  }
0xb: {  	s12 =	sshrl.u32 s11, $0x1;
	s14 =	smul.u32 $0x61A8, s10;
	s16 =	sadd.s32 s6, s2  }
0xc: {  	s10 =	smul.u32 $0xC350, s10;
	s8 =	sadd.s32 s8, s5;
	s9 =	sadd.s32 s6, s9  }
0xd: {  	s11 =	ssub.s32 s11, s12;
	s29 =	sadd.s32 s7, s6;
	s6 =	sor.u32 $0x1C03, s26  }
0xe: {  	s9 =	sshrl.u32 s9, $0x3;
	s28 =	sshrl.u32 s14, $0x3;
	s30 =	sadd.s32 $0x3E8, s29  }
0xf: {  	s11 =	smax.u32 s11, $0x1;
	s15 =	sadd.s32 s9, s5;
	s5 =	sadd.s32 $0x3C000, s8  }
0x10: {  	s7 =	sadd.s32 s4, s28;
	s8 =	sadd.s32 s13, s10;
	s9 =	sadd.s32 $0x7D0, s29  }
0x11: {  	s14 =	sshrl.u32 s30, $0x3;
	s10 =	sadd.s32 $0x54800, s15;
	s12 =	sshll.u32 s9, $0x1  }
0x12: {  	s31 =	sshll.u32 s14, $0x4;
	s14 =	sadd.s32 s14, s4;
	s15 =	sshrl.u32 s16, $0x3  }
0x13: {  	s16 =	simm.s32 $0x3;
	s12 =	sadd.s32 s12, s13;
	s13 =	sadd.s32 s31, s13  }
.LBB2_1:
0x14: {  	[spmem:s15], [sflag:s6] =	dma.local [hbm:s5], $0x186A  }
0x15: {  	_ =	swait.ge [sflag:s16], $0x186A  }
0x16: {  	[sflag:s16] =	ssyncset.done $0x0  }
0x17: {  	[sflag:s16] =	ssyncadd.s32 $0xFFFFE796  }
0x18: {  	[bflag:$0x0] =	sbarrier.arrive $0xFFFF  }
0x19: {  	[tilespmem:s3], [sflag:$0x1] =	stream.linear.gather [hbm4b:s7+s3], $0x3E8, $0x38;
	[tilespmem:$0x14820] =	vst v63  }
0x1a: {  	_ = 	snop  }
0x1b: {  	[tilespmem:s17], [sflag:$0x1] =	stream.linear.gather [hbm4b:s8+s3], $0x3E80, $0x38;
	[tilespmem:$0x14820] =	vst v63  }
0x1c: {  	_ = 	snop  }
0x1d: {  	[tilespmem:s18], [sflag:$0x2] =	stream.linear.gather [hbm4b:s14+s3], $0x3E8, $0x38;
	[tilespmem:$0x14820] =	vst v63  }
0x1e: {  	s23 =	sadd.s32 $0x0, s13  }
0x1f: {  	[tilespmem:s19], [sflag:$0x2] =	stream.linear.gather [hbm4b:s23+s3], $0x3E80, $0x38;
	[tilespmem:$0x14820] =	vst v63  }
0x20: {  	_ =	swait.ge [sflag:s20], $0x3E8  }
0x21: {  	[sflag:s20] =	ssyncset.done $0x0  }
0x22: {  	[sflag:s20] =	ssyncadd.s32 $0xFFFFFC18  }
0x23: {  	_ =	swait.ge [sflag:s20], $0x3E80  }
0x24: {  	[sflag:s20] =	ssyncset.done $0x0  }
0x25: {  	[sflag:s20] =	ssyncadd.s32 $0xFFFFC180  }
0x26: {  	[spmem:s2] =	stream.indirect.scatter.add.f32 [tilespmem:s17], [sflag:$0x3], $0x10, s3, s18, $0xb8;
	[tilespmem:$0x14820] =	vst v63  }
0x27: {  	_ =	swait.ge [sflag:s16], $0x3E80  }
0x28: {  	s30 =	sshrl.u32 s9, $0x3;
	[sflag:s16] =	ssyncset.done $0x0  }
0x29: {  	s23 =	sadd.s32 s4, s30;
	[sflag:s16] =	ssyncadd.s32 $0xFFFFC180  }
0x2a: {  	[tilespmem:s3], [sflag:$0x1] =	stream.linear.gather [hbm4b:s23+s3], $0x3E8, $0x38;
	[tilespmem:$0x14820] =	vst v63  }
0x2b: {  	s31 =	sadd.s32 $0x0, s12  }
0x2c: {  	[tilespmem:s17], [sflag:$0x1] =	stream.linear.gather [hbm4b:s31+s3], $0x3E80, $0x38;
	[tilespmem:$0x14820] =	vst v63  }
0x2d: {  	_ =	swait.ge [sflag:s21], $0x3E8  }
0x2e: {  	[sflag:s21] =	ssyncset.done $0x0  }
0x2f: {  	[sflag:s21] =	ssyncadd.s32 $0xFFFFFC18  }
0x30: {  	_ =	swait.ge [sflag:s21], $0x3E80  }
0x31: {  	[sflag:s21] =	ssyncset.done $0x0  }
0x32: {  	[sflag:s21] =	ssyncadd.s32 $0xFFFFC180  }
0x33: {  	[spmem:s2] =	stream.indirect.scatter.add.f32 [tilespmem:s19], [sflag:$0x3], $0x10, s18, s18, $0xb8;
	[tilespmem:$0x14820] =	vst v63  }
0x34: {  	s24 =	smov.u32 s9;
	_ =	swait.ge [sflag:s16], $0x3E80  }
0x35: {  	s25 =	smov.u32 s14;
	s23 =	simm.s32 $0xFA0;
	[sflag:s16] =	ssyncset.done $0x0  }
.LBB2_2:
0x36: {  	[sflag:s16] =	ssyncadd.s32 $0xFFFFC180  }
0x37: {  	s24 =	sadd.s32 $0x7D0, s24;
	s25 =	sadd.s32 $0xFA, s25;
	s26 =	smov.u32 s23  }
0x38: {  	[tilespmem:s18], [sflag:$0x2] =	stream.linear.gather [hbm4b:s25+s3], $0x3E8, $0x38;
	[tilespmem:$0x14820] =	vst v63  }
0x39: {  	p0 =	sne.s32 s23, $0xABE0;
	s23 =	sadd.s32 $0xFA0, s23;
	s28 =	sadd.s32 s26, s13  }
0x3a: {  	[tilespmem:s19], [sflag:$0x2] =	stream.linear.gather [hbm4b:s28+s3], $0x3E80, $0x38;
	[tilespmem:$0x14820] =	vst v63  }
0x3b: {  	_ =	swait.ge [sflag:s20], $0x3E8  }
0x3c: {  	[sflag:s20] =	ssyncset.done $0x0  }
0x3d: {  	[sflag:s20] =	ssyncadd.s32 $0xFFFFFC18  }
0x3e: {  	_ =	swait.ge [sflag:s20], $0x3E80  }
0x3f: {  	[sflag:s20] =	ssyncset.done $0x0  }
0x40: {  	[sflag:s20] =	ssyncadd.s32 $0xFFFFC180  }
0x41: {  	[spmem:s2] =	stream.indirect.scatter.add.f32 [tilespmem:s17], [sflag:$0x3], $0x10, s3, s18, $0xb8;
	[tilespmem:$0x14820] =	vst v63  }
0x42: {  	_ =	swait.ge [sflag:s16], $0x3E80  }
0x43: {  	s28 =	sshrl.u32 s24, $0x3;
	[sflag:s16] =	ssyncset.done $0x0  }
0x44: {  	s28 =	sadd.s32 s4, s28;
	[sflag:s16] =	ssyncadd.s32 $0xFFFFC180  }
0x45: {  	[tilespmem:s3], [sflag:$0x1] =	stream.linear.gather [hbm4b:s28+s3], $0x3E8, $0x38;
	[tilespmem:$0x14820] =	vst v63  }
0x46: {  	s26 =	sadd.s32 s26, s12  }
0x47: {  	[tilespmem:s17], [sflag:$0x1] =	stream.linear.gather [hbm4b:s26+s3], $0x3E80, $0x38;
	[tilespmem:$0x14820] =	vst v63  }
0x48: {  	_ =	swait.ge [sflag:s21], $0x3E8  }
0x49: {  	[sflag:s21] =	ssyncset.done $0x0  }
0x4a: {  	[sflag:s21] =	ssyncadd.s32 $0xFFFFFC18  }
0x4b: {  	_ =	swait.ge [sflag:s21], $0x3E80  }
.Ltmp0:
0x4c: {  	[sflag:s21] =	ssyncset.done $0x0;
	(pc) =	sbr.rel @p0 .LBB2_2-.Ltmp0, $4  }
0x4d: {  	[sflag:s21] =	ssyncadd.s32 $0xFFFFC180  }
0x4e: {  	[spmem:s2] =	stream.indirect.scatter.add.f32 [tilespmem:s19], [sflag:$0x3], $0x10, s18, s18, $0xb8;
	[tilespmem:$0x14820] =	vst v63  }
0x4f: {  	_ =	swait.ge [sflag:s16], $0x3E80  }
0x50: {  	[sflag:s16] =	ssyncset.done $0x0  }
0x51: {  	[sflag:s16] =	ssyncadd.s32 $0xFFFFC180  }
0x52: {  	_ =	swait.ge [sflag:s20], $0x3E8  }
0x53: {  	[sflag:s20] =	ssyncset.done $0x0  }
0x54: {  	[sflag:s20] =	ssyncadd.s32 $0xFFFFFC18  }
0x55: {  	_ =	swait.ge [sflag:s20], $0x3E80  }
0x56: {  	[sflag:s20] =	ssyncset.done $0x0  }
0x57: {  	[sflag:s20] =	ssyncadd.s32 $0xFFFFC180  }
0x58: {  	[spmem:s2] =	stream.indirect.scatter.add.f32 [tilespmem:s17], [sflag:$0x3], $0x10, s3, s18, $0xb8;
	[tilespmem:$0x14820] =	vst v63  }
0x59: {  	_ =	swait.ge [sflag:s16], $0x3E80  }
0x5a: {  	s22 =	sadd.s32 $0x1, s22;
	[sflag:s16] =	ssyncset.done $0x0  }
0x5b: {  	p0 =	sne.s32 s22, s11;
	[sflag:s16] =	ssyncadd.s32 $0xFFFFC180  }
.Ltmp1:
0x5c: {  	[bflag:$0x0] =	sbarrier.arrive $0xFFFF;
	(pc) =	sbr.rel @p0 .LBB2_1-.Ltmp1, $4  }
0x5d: {  	[hbm:s10], [sflag:s6] =	dma.local [spmem:s15], $0x186A  }
0x5e: {  	_ =	swait.ge [sflag:s16], $0x186A  }
0x5f: {  	[sflag:s16] =	ssyncset.done $0x0  }
0x60: {  	[sflag:s16] =	ssyncadd.s32 $0xFFFFE796  }
0x61: {  	_ =	sfence.sel $0x180000  }
0x62: {  	[bflag:$0x0] =	sbarrier.arrive $0xFFFF  }
0x63: {  	p0 =	sne.s32 s1, $0x0;
	_ =	strace $0x90000050  }
0x64: {  	s0 =	sadd.s32 @!p0 $0x100000, s0;
	[bflag:$0x2] =	sbarrier.arrive $0xFFFF  }
0x65: {  	[sflag:s0] =	ssyncadd.tile.s32 @!p0 $0x1;
	_ =	shalt  }
.Lfunc_end2:
_tile_overlayer_lowered:
.L_overlay_start_2:
0x66: {  	(tag) =	ssettag $0x2  }
0x67: {  	s0 =	rddreg [dreg:$0x0];
	s2 =	stileid.u32  }
0x68: {  	s1 =	rddreg [dreg:$0x1];
	p0 =	sne.s32 s2, $0x0  }
0x69: {  	s3 =	rddreg [dreg:$0x2];
	[bflag:$0x3] =	sbarrier.arrive $0xFFFF;
	s2 =	simm.s32 @!p0 $0x1C03  }
0x6a: {  	[timem:s3], [sflag:s2] =	dma.local @!p0 [hbm:s0], s1  }
0x6b: {  	s0 =	simm.s32 @!p0 $0x3  }
0x6c: {  	_ =	swait.ge @!p0 [sflag:s0], s1  }
0x6d: {  	s1 =	ssub.s32 @!p0 $0x0, s1;
	[sflag:s0] =	ssyncset.done @!p0 $0x0  }
0x6e: {  	[sflag:s0] =	ssyncadd.s32 @!p0 s1  }
0x6f: {  	[bflag:$0x3] =	sbarrier.arrive $0xFFFF  }
0x70: {  	_ =	shalt  }

// kernel: kernel.19.cloned.1.call-start
scs
__scs_entry_jumppad:
0x0: {  	(pc) =	sbr.rel $0x88, $3  }
0x1: {  	(tag) =	ssettag $0x0;
	lr =	simm.s32 $0x1  }
0x2: {  	[smem:$0x3F98] =	sst lr;
	_ =	strace $0xD0000000  }
0x3: {  	_ = 	snop  }
0x4: {  	_ = 	snop  }
0x5: {  	_ = 	snop  }
0x6: {  	_ = 	snop  }
0x7: {  	_ = 	snop  }
__scs_overlays_trampoline_lowered:
0x8: {  	[smem:$0x3FA7] =	sst s0  }
0x9: {  	[smem:$0x3FA8] =	sst s1  }
0xa: {  	[smem:$0x3FA9] =	sst s2  }
0xb: {  	[smem:$0x3FAA] =	sst s3  }
0xc: {  	[smem:$0x3FAB] =	sst s4  }
0xd: {  	[smem:$0x3FAC] =	sst s5  }
0xe: {  	[smem:$0x3FAD] =	sst s6  }
0xf: {  	[smem:$0x3FAE] =	sst s7  }
0x10: {  	[smem:$0x3FAF] =	sst s8  }
0x11: {  	[smem:$0x3FB0] =	sst s9;
	s0 =	simm.s32 @!p0 $0x0  }
0x12: {  	s1 =	sld [smem:$0x3F96];
	s0 =	simm.s32 @p0 $0x1  }
0x13: {  	[smem:$0x3FB1] =	sst s0;
	s0 =	simm.s32 @!p1 $0x0  }
0x14: {  	s2 =	sld [smem:$0x3F95];
	s0 =	simm.s32 @p1 $0x1  }
0x15: {  	[smem:$0x3FB2] =	sst s0;
	s0 =	simm.s32 @!p2 $0x0  }
0x16: {  	s3 =	sld [smem:$0x3FDB];
	s0 =	simm.s32 @p2 $0x1  }
0x17: {  	s4 =	simm.s32 $0x1BF5;
	[smem:$0x3FB4] =	sst s0  }
0x18: {  	s0 =	sld [smem:$0x3F97];
	_ =	swait.ge [sflag:s4], $0x0  }
0x19: {  	s7 =	sld [smem:$0x3F98]  }
0x1a: {  	s8 =	sadd.s32 $0xFFFFE003, lr  }
0x1b: {  	s9 =	sadd.s32 $0xFFFFFEF7, lr;
	s5 =	simm.s32 $0xFFFFFFFF;
	p2 =	slt.u32 s8, $0xFFFFF086  }
0x1c: {  	p1 =	slt.u32 s9, $0xF7A;
	s5 =	simm.s32 @!p2 $0x0  }
0x1d: {  	s5 =	simm.s32 @p1 $0x1;
	p0 =	seq.s32 s7, s2  }
0x1e: {  	s7 =	smul.u32 @!p0 $0xF7A, s2;
	p2 =	seq.s32 @!p0 s5, $0x0  }
0x1f: {  	s9 =	smul.u32 $0xF7A, s1;
	s8 =	simm.s32 @!p0 $0x1BF5;
	p2 =	por !p2, p0  }
0x20: {  	[sflag:s8] =	ssyncset.s32 @!p0 $0xFFFFF086;
	s6 =	sadd.s32 @!p0 s3, s7;
	s7 =	simm.s32 @!p0 $0x108  }
0x21: {  	s3 =	sadd.s32 s3, s9;
	s6 =	sadd.s32 @!p0 $0x88, s6;
	s7 =	simm.s32 @p2 $0x1082  }
0x22: {  	[simem:s7], [sflag:s8] =	dma.local @!p0 [hbm:s6], $0xF7A  }
0x23: {  	s9 =	sor.u32 $0xD0000000, s2;
	s6 =	simm.s32 $0x108;
	_ =	swait.ge @!p0 [sflag:s8], $0x0  }
0x24: {  	s3 =	sadd.s32 $0x88, s3;
	s6 =	simm.s32 @!p1 $0x1082;
	[sflag:s4] =	ssyncset.s32 $0xFFFFF086  }
0x25: {  	[simem:s6], [sflag:s4] =	dma.local [hbm:s3], $0xF7A  }
0x26: {  	[smem:$0x3F98] =	sst s1;
	(tag) =	ssettag s2;
	_ =	strace s9  }
0x27: {  	s1 =	sld [smem:$0x3FA8]  }
0x28: {  	s2 =	sld [smem:$0x3FA9]  }
0x29: {  	s4 =	sld [smem:$0x3FAB]  }
0x2a: {  	p0 =	seq.s32 s5, $0x0;
	s5 =	sld [smem:$0x3FAC]  }
0x2b: {  	s6 =	sld [smem:$0x3FAD]  }
0x2c: {  	s7 =	sld [smem:$0x3FAE]  }
0x2d: {  	s3 =	simm.s32 $0x108;
	s8 =	sld [smem:$0x3FAF]  }
0x2e: {  	s3 =	simm.s32 @!p0 $0x1082;
	s9 =	sld [smem:$0x3FB0]  }
0x2f: {  	lr =	sadd.s32 s0, s3;
	s0 =	sld [smem:$0x3FA7]  }
0x30: {  	s3 =	sld [smem:$0x3FAA]  }
0x31: {  	[smem:$0x3FB3] =	sst s10  }
0x32: {  	s10 =	sld [smem:$0x3FB1];
	_ =	sdelay $0x3  }
0x33: {  	p0 =	seq.s32 s10, $0x1;
	s10 =	sld [smem:$0x3FB3];
	_ =	sdelay $0x3  }
0x34: {  	[smem:$0x3FB3] =	sst s10  }
0x35: {  	s10 =	sld [smem:$0x3FB2];
	_ =	sdelay $0x3  }
0x36: {  	p1 =	seq.s32 s10, $0x1;
	s10 =	sld [smem:$0x3FB3];
	_ =	sdelay $0x3  }
0x37: {  	[smem:$0x3FB3] =	sst s10  }
0x38: {  	s10 =	sld [smem:$0x3FB4]  }
0x39: {  	_ = 	snop;
	(pc) =	sbr.ind lr, $3  }
0x3a: {  	_ = 	snop  }
0x3b: {  	_ = 	snop  }
0x3c: {  	p2 =	seq.s32 s10, $0x1;
	s10 =	sld [smem:$0x3FB3]  }
0x3d: {  	_ =	shalt  }
0x3e: {  	_ =	shalt  }
0x3f: {  	_ =	shalt  }
0x40: {  	_ =	shalt  }
0x41: {  	_ =	shalt  }
0x42: {  	_ =	shalt  }
0x43: {  	_ =	shalt  }
0x44: {  	_ =	shalt  }
0x45: {  	_ =	shalt  }
0x46: {  	_ =	shalt  }
0x47: {  	_ =	shalt  }
0x48: {  	_ =	shalt  }
0x49: {  	_ =	shalt  }
0x4a: {  	_ =	shalt  }
0x4b: {  	_ =	shalt  }
0x4c: {  	_ =	shalt  }
0x4d: {  	_ =	shalt  }
0x4e: {  	_ =	shalt  }
0x4f: {  	_ =	shalt  }
0x50: {  	_ =	shalt  }
0x51: {  	_ =	shalt  }
0x52: {  	_ =	shalt  }
0x53: {  	_ =	shalt  }
0x54: {  	_ =	shalt  }
0x55: {  	_ =	shalt  }
0x56: {  	_ =	shalt  }
0x57: {  	_ =	shalt  }
0x58: {  	_ =	shalt  }
0x59: {  	_ =	shalt  }
0x5a: {  	_ =	shalt  }
0x5b: {  	_ =	shalt  }
0x5c: {  	_ =	shalt  }
0x5d: {  	_ =	shalt  }
0x5e: {  	_ =	shalt  }
0x5f: {  	_ =	shalt  }
0x60: {  	_ =	shalt  }
0x61: {  	_ =	shalt  }
0x62: {  	_ =	shalt  }
0x63: {  	_ =	shalt  }
0x64: {  	_ =	shalt  }
0x65: {  	_ =	shalt  }
0x66: {  	_ =	shalt  }
0x67: {  	_ =	shalt  }
0x68: {  	_ =	shalt  }
0x69: {  	_ =	shalt  }
0x6a: {  	_ =	shalt  }
0x6b: {  	_ =	shalt  }
0x6c: {  	_ =	shalt  }
0x6d: {  	_ =	shalt  }
0x6e: {  	_ =	shalt  }
0x6f: {  	_ =	shalt  }
0x70: {  	_ =	shalt  }
0x71: {  	_ =	shalt  }
0x72: {  	_ =	shalt  }
0x73: {  	_ =	shalt  }
0x74: {  	_ =	shalt  }
0x75: {  	_ =	shalt  }
0x76: {  	_ =	shalt  }
0x77: {  	_ =	shalt  }
0x78: {  	_ =	shalt  }
0x79: {  	_ =	shalt  }
0x7a: {  	_ =	shalt  }
0x7b: {  	_ =	shalt  }
0x7c: {  	_ =	shalt  }
0x7d: {  	_ =	shalt  }
0x7e: {  	_ =	shalt  }
0x7f: {  	_ =	shalt  }
0x80: {  	_ =	shalt  }
0x81: {  	_ =	shalt  }
0x82: {  	_ =	shalt  }
0x83: {  	_ =	shalt  }
0x84: {  	_ =	shalt  }
0x85: {  	_ =	shalt  }
0x86: {  	_ =	shalt  }
0x87: {  	_ =	shalt  }
.Lfunc_end0:
.L_simem_size_0:
called_computation.3_lowered:
.L_overlay_start_0:
0x88: {  	s2 =	sld [smem:$0x3FD9]  }
0x89: {  	s3 =	sld [smem:$0x3FFE];
	_ =	sdelay $0x1  }
0x8a: {  	s1 =	srdreg.scid  }
0x8b: {  	s0 =	sand.u32 $0x1, s1  }
0x8c: {  	s17 =	sshll.u32 s0, $0xA;
	s2 =	sadd.s32 s3, s2  }
0x8d: {  	s2 =	sadd.s32 s2, s17  }
0x8e: {  	[smem:$0x3FBF] =	sst s2  }
0x8f: {  	_ = 	snop  }
0x90: {  	(tm) =	ssettm $0x1  }
0x91: {  	s18 =	sld [smem:$0x3FFB];
	_ =	sdelay $0x3  }
0x92: {  	_ =	strace s18  }
0x93: {  	s2 =	sld [smem:$0x3FFC];
	_ =	sdelay $0x3  }
0x94: {  	_ =	strace s2  }
0x95: {  	s2 =	sld [smem:$0x3FFD];
	_ =	sdelay $0x3  }
0x96: {  	_ =	strace s2  }
0x97: {  	_ =	strace $0x8FFFFFFF  }
0x98: {  	s19 =	sld [smem:$0x3FDB];
	_ =	sdelay $0x1  }
0x99: {  	s20 =	simm.s32 $_scs_section_size  }
0x9a: {  	s4 =	simm.s32 $_size__tile_overlayer_lowered;
	s5 =	simm.s32 $_tile_overlayer_lowered  }
0x9b: {  	s6 =	simm.s32 $0x1BFF;
	s21 =	sshll.u32 s5, $0x1;
	s3 =	sadd.s32 s20, s19  }
0x9c: {  	s22 =	simm.s32 $0x0;
	s4 =	sshll.u32 s4, $0x1;
	s5 =	sadd.s32 s21, s3  }
0x9d: {  	[timem:s22], [sflag:s6] =	dma.local [hbm:s5], s4  }
0x9e: {  	_ =	swait.ge [sflag:s6], s4  }
0x9f: {  	s4 =	ssub.s32 $0x0, s4;
	[sflag:s6] =	ssyncset.done $0x0  }
0xa0: {  	[sflag:s6] =	ssyncadd.s32 s4;
	_ =	sdelay $0x1  }
0xa1: {  	s23 =	simm.s32 $0x1B8B  }
0xa2: {  	_ =	swait.ge [sflag:s23], $0x1  }
0xa3: {  	[sflag:s23] =	ssyncset.done $0x0  }
0xa4: {  	[sflag:s23] =	ssyncadd.s32 $0xFFFFFFFF  }
0xa5: {  	s4 =	sld [smem:$0x0]  }
0xa6: {  	s5 =	sand.u32 $0xFFFFFFFE, s1  }
0xa7: {  	p0 =	sne.s32 s1, s5  }
0xa8: {  	s5 =	sshll.u32 @p0 s5, $0xE  }
0xa9: {  	s5 =	sadd.s32 @p0 $0x11B8D, s5;
	s6 =	sshll.u32 @p0 s4, $0x11  }
0xaa: {  	s5 =	sor.u32 @p0 s6, s5  }
0xab: {  	[sflag:s5] =	ssyncadd.remote.s32 @p0 $0x1;
	_ =	sdelay $0x1  }
0xac: {  	s5 =	simm.s32 @p0 $0x1B8D  }
0xad: {  	_ =	swait.eq @p0 [sflag:s5], $0x1  }
0xae: {  	[sflag:s5] =	ssyncadd.s32 @p0 $0xFFFFFFFF  }
0xaf: {  	s6 =	sshll.u32 @!p0 s1, $0xE  }
0xb0: {  	s6 =	sor.u32 @!p0 $0x4000, s6;
	s5 =	simm.s32 @!p0 $0x1B8D  }
0xb1: {  	s4 =	sshll.u32 @!p0 s4, $0x11;
	s6 =	sadd.s32 @!p0 $0x11B8D, s6;
	_ =	swait.eq @!p0 [sflag:s5], $0x1  }
0xb2: {  	s4 =	sor.u32 @!p0 s4, s6;
	[sflag:s5] =	ssyncadd.s32 @!p0 $0xFFFFFFFF  }
0xb3: {  	s25 =	simm.s32 $0x1B8E;
	s24 =	sld [smem:$0x3FFE];
	[sflag:s4] =	ssyncadd.remote.s32 @!p0 $0x1  }
0xb4: {  	s26 =	simm.s32 $execute0_lowered;
	[smem:$0x3FD2] =	sst s25  }
0xb5: {  	s5 =	sshll.u32 s26, $0x1;
	_ =	strace $0x8000004C;
	[dreg:$0x1] =	wrdreg $0xFFFFFFFF  }
0xb6: {  	s28 =	simm.s32 $_size_execute0_lowered;
	s3 =	sadd.s32 s3, s5;
	[dreg:$0x0] =	wrdreg $0x0  }
0xb7: {  	s5 =	sshll.u32 s28, $0x1;
	[dreg:$0x2] =	wrdreg s3  }
0xb8: {  	[dreg:$0x3] =	wrdreg s5  }
0xb9: {  	[dreg:$0x4] =	wrdreg $0xC0  }
0xba: {  	_ =	task [dreg:s22], $0x5FFFF  }
0xbb: {  	[dreg:$0x1] =	wrdreg $0xFFFFFFFF  }
0xbc: {  	[dreg:$0x0] =	wrdreg $0x60  }
0xbd: {  	[dreg:$0x2] =	wrdreg s24  }
0xbe: {  	[dreg:$0x3] =	wrdreg $0x84D00  }
0xbf: {  	[dreg:$0x4] =	wrdreg $0xA  }
0xc0: {  	_ =	task.clear_ibuf [dreg:s22], $0x5FFFF;
	_ =	strace $0x9000004C  }
0xc1: {  	s29 =	simm.s32 $0xA;
	_ =	strace $0x8000004E  }
0xc2: {  	_ =	swait.ge [sflag:s29], $0x1  }
0xc3: {  	[sflag:s29] =	ssyncadd.s32 $0xFFFFFFFF  }
0xc4: {  	_ =	strace $0x9000004E  }
0xc5: {  	_ =	sfence  }
0xc6: {  	s30 =	sld [smem:$0x0];
	_ =	sdelay $0x2  }
0xc7: {  	s31 =	sshll.u32 s1, $0xD;
	s1 =	sshrl.u32 s1, $0x2  }
0xc8: {  	s4 =	sand.u32 $0x4000, s31;
	s1 =	sadd.s32 s1, s30  }
0xc9: {  	s0 =	sor.u32 s4, s0;
	s1 =	sshll.u32 s1, $0x11  }
0xca: {  	s0 =	sor.u32 s1, s0  }
0xcb: {  	s0 =	sadd.s32 $0x8F2B, s0  }
0xcc: {  	[sflag:s0] =	ssyncadd.remote.s32 $0x1  }
0xcd: {  	_ =	sfence.sel $0xFFFF  }
0xce: {  	[dreg:$0x0] =	wrdreg $0xFFFFFFFF;
	(pc) =	sbr.abs _section_cstart, $3  }
0xcf: {  	[dreg:$0x1] =	wrdreg $0xFFFFFFFF  }
0xd0: {  	_ =	task.clear_ibuf [dreg:s22], $0x2FFFF;
	_ =	strace $0x9FFFFFFF  }
0xd1: {  	(tm) =	ssettm $0x7FFFFFFF  }
tec
execute0_lowered:
.L_overlay_start_1:
0x0: {  	(tag) =	ssettag $0x1  }
0x1: {  	s5 =	rddreg [dreg:$0x0]  }
0x2: {  	s2 =	rddreg [dreg:$0x1]  }
0x3: {  	s0 =	rddreg [dreg:$0x2];
	s3 =	simm.s32 $0x0  }
0x4: {  	s1 =	stileid.u32;
	s4 =	srdreg.scid;
	s17 =	simm.s32 $0x7D0  }
0x5: {  	s18 =	simm.s32 $0x3E8;
	s19 =	simm.s32 $0x4650;
	s20 =	simm.s32 $0x1  }
0x6: {  	s21 =	simm.s32 $0x2;
	s22 =	simm.s32 $0x0;
	[smem:$0x7FF] =	sst s3  }
0x7: {  	s6 =	smul.u32 $0xC350, s1;
	s7 =	sand.u32 $0x1, s4;
	s13 =	sadd.s32 $0x3AB400, s5  }
0x8: {  	s4 =	sadd.s32 $0xB000, s5;
	s10 =	sshll.u32 s1, $0x1;
	s26 =	sshll.u32 s1, $0x6  }
0x9: {  	_ =	strace $0x8000004D;
	s9 =	smul.u32 $0xC3500, s7;
	s11 =	ssub.s32 $0x2, s7  }
0xa: {  	s10 =	sor.u32 s7, s10;
	s7 =	smul.u32 $0x61A8, s7;
	s8 =	sshrl.u32 s6, $0x3  }
0xb: {  	s12 =	sshrl.u32 s11, $0x1;
	s14 =	smul.u32 $0x61A8, s10;
	s16 =	sadd.s32 s6, s2  }
0xc: {  	s10 =	smul.u32 $0xC350, s10;
	s8 =	sadd.s32 s8, s5;
	s9 =	sadd.s32 s6, s9  }
0xd: {  	s11 =	ssub.s32 s11, s12;
	s29 =	sadd.s32 s7, s6;
	s6 =	sor.u32 $0x1C03, s26  }
0xe: {  	s9 =	sshrl.u32 s9, $0x3;
	s28 =	sshrl.u32 s14, $0x3;
	s30 =	sadd.s32 $0x3E8, s29  }
0xf: {  	s11 =	smax.u32 s11, $0x1;
	s15 =	sadd.s32 s9, s5;
	s5 =	sadd.s32 $0x3C000, s8  }
0x10: {  	s7 =	sadd.s32 s4, s28;
	s8 =	sadd.s32 s13, s10;
	s9 =	sadd.s32 $0x7D0, s29  }
0x11: {  	s14 =	sshrl.u32 s30, $0x3;
	s10 =	sadd.s32 $0x9E000, s15;
	s12 =	sshll.u32 s9, $0x1  }
0x12: {  	s31 =	sshll.u32 s14, $0x4;
	s14 =	sadd.s32 s14, s4;
	s15 =	sshrl.u32 s16, $0x3  }
0x13: {  	s16 =	simm.s32 $0x3;
	s12 =	sadd.s32 s12, s13;
	s13 =	sadd.s32 s31, s13  }
.LBB2_1:
0x14: {  	[spmem:s15], [sflag:s6] =	dma.local [hbm:s5], $0x186A  }
0x15: {  	_ =	swait.ge [sflag:s16], $0x186A  }
0x16: {  	[sflag:s16] =	ssyncset.done $0x0  }
0x17: {  	[sflag:s16] =	ssyncadd.s32 $0xFFFFE796  }
0x18: {  	[bflag:$0x0] =	sbarrier.arrive $0xFFFF  }
0x19: {  	[tilespmem:s3], [sflag:$0x1] =	stream.linear.gather [hbm4b:s7+s3], $0x3E8, $0x38;
	[tilespmem:$0x14820] =	vst v63  }
0x1a: {  	_ = 	snop  }
0x1b: {  	[tilespmem:s17], [sflag:$0x1] =	stream.linear.gather [hbm4b:s8+s3], $0x3E80, $0x38;
	[tilespmem:$0x14820] =	vst v63  }
0x1c: {  	_ = 	snop  }
0x1d: {  	[tilespmem:s18], [sflag:$0x2] =	stream.linear.gather [hbm4b:s14+s3], $0x3E8, $0x38;
	[tilespmem:$0x14820] =	vst v63  }
0x1e: {  	s23 =	sadd.s32 $0x0, s13  }
0x1f: {  	[tilespmem:s19], [sflag:$0x2] =	stream.linear.gather [hbm4b:s23+s3], $0x3E80, $0x38;
	[tilespmem:$0x14820] =	vst v63  }
0x20: {  	_ =	swait.ge [sflag:s20], $0x3E8  }
0x21: {  	[sflag:s20] =	ssyncset.done $0x0  }
0x22: {  	[sflag:s20] =	ssyncadd.s32 $0xFFFFFC18  }
0x23: {  	_ =	swait.ge [sflag:s20], $0x3E80  }
0x24: {  	[sflag:s20] =	ssyncset.done $0x0  }
0x25: {  	[sflag:s20] =	ssyncadd.s32 $0xFFFFC180  }
0x26: {  	[spmem:s2] =	stream.indirect.scatter.add.f32 [tilespmem:s17], [sflag:$0x3], $0x10, s3, s18, $0xb8;
	[tilespmem:$0x14820] =	vst v63  }
0x27: {  	_ =	swait.ge [sflag:s16], $0x3E80  }
0x28: {  	s30 =	sshrl.u32 s9, $0x3;
	[sflag:s16] =	ssyncset.done $0x0  }
0x29: {  	s23 =	sadd.s32 s4, s30;
	[sflag:s16] =	ssyncadd.s32 $0xFFFFC180  }
0x2a: {  	[tilespmem:s3], [sflag:$0x1] =	stream.linear.gather [hbm4b:s23+s3], $0x3E8, $0x38;
	[tilespmem:$0x14820] =	vst v63  }
0x2b: {  	s31 =	sadd.s32 $0x0, s12  }
0x2c: {  	[tilespmem:s17], [sflag:$0x1] =	stream.linear.gather [hbm4b:s31+s3], $0x3E80, $0x38;
	[tilespmem:$0x14820] =	vst v63  }
0x2d: {  	_ =	swait.ge [sflag:s21], $0x3E8  }
0x2e: {  	[sflag:s21] =	ssyncset.done $0x0  }
0x2f: {  	[sflag:s21] =	ssyncadd.s32 $0xFFFFFC18  }
0x30: {  	_ =	swait.ge [sflag:s21], $0x3E80  }
0x31: {  	[sflag:s21] =	ssyncset.done $0x0  }
0x32: {  	[sflag:s21] =	ssyncadd.s32 $0xFFFFC180  }
0x33: {  	[spmem:s2] =	stream.indirect.scatter.add.f32 [tilespmem:s19], [sflag:$0x3], $0x10, s18, s18, $0xb8;
	[tilespmem:$0x14820] =	vst v63  }
0x34: {  	s24 =	smov.u32 s9;
	_ =	swait.ge [sflag:s16], $0x3E80  }
0x35: {  	s25 =	smov.u32 s14;
	s23 =	simm.s32 $0xFA0;
	[sflag:s16] =	ssyncset.done $0x0  }
.LBB2_2:
0x36: {  	[sflag:s16] =	ssyncadd.s32 $0xFFFFC180  }
0x37: {  	s24 =	sadd.s32 $0x7D0, s24;
	s25 =	sadd.s32 $0xFA, s25;
	s26 =	smov.u32 s23  }
0x38: {  	[tilespmem:s18], [sflag:$0x2] =	stream.linear.gather [hbm4b:s25+s3], $0x3E8, $0x38;
	[tilespmem:$0x14820] =	vst v63  }
0x39: {  	p0 =	sne.s32 s23, $0xABE0;
	s23 =	sadd.s32 $0xFA0, s23;
	s28 =	sadd.s32 s26, s13  }
0x3a: {  	[tilespmem:s19], [sflag:$0x2] =	stream.linear.gather [hbm4b:s28+s3], $0x3E80, $0x38;
	[tilespmem:$0x14820] =	vst v63  }
0x3b: {  	_ =	swait.ge [sflag:s20], $0x3E8  }
0x3c: {  	[sflag:s20] =	ssyncset.done $0x0  }
0x3d: {  	[sflag:s20] =	ssyncadd.s32 $0xFFFFFC18  }
0x3e: {  	_ =	swait.ge [sflag:s20], $0x3E80  }
0x3f: {  	[sflag:s20] =	ssyncset.done $0x0  }
0x40: {  	[sflag:s20] =	ssyncadd.s32 $0xFFFFC180  }
0x41: {  	[spmem:s2] =	stream.indirect.scatter.add.f32 [tilespmem:s17], [sflag:$0x3], $0x10, s3, s18, $0xb8;
	[tilespmem:$0x14820] =	vst v63  }
0x42: {  	_ =	swait.ge [sflag:s16], $0x3E80  }
0x43: {  	s28 =	sshrl.u32 s24, $0x3;
	[sflag:s16] =	ssyncset.done $0x0  }
0x44: {  	s28 =	sadd.s32 s4, s28;
	[sflag:s16] =	ssyncadd.s32 $0xFFFFC180  }
0x45: {  	[tilespmem:s3], [sflag:$0x1] =	stream.linear.gather [hbm4b:s28+s3], $0x3E8, $0x38;
	[tilespmem:$0x14820] =	vst v63  }
0x46: {  	s26 =	sadd.s32 s26, s12  }
0x47: {  	[tilespmem:s17], [sflag:$0x1] =	stream.linear.gather [hbm4b:s26+s3], $0x3E80, $0x38;
	[tilespmem:$0x14820] =	vst v63  }
0x48: {  	_ =	swait.ge [sflag:s21], $0x3E8  }
0x49: {  	[sflag:s21] =	ssyncset.done $0x0  }
0x4a: {  	[sflag:s21] =	ssyncadd.s32 $0xFFFFFC18  }
0x4b: {  	_ =	swait.ge [sflag:s21], $0x3E80  }
.Ltmp0:
0x4c: {  	[sflag:s21] =	ssyncset.done $0x0;
	(pc) =	sbr.rel @p0 .LBB2_2-.Ltmp0, $4  }
0x4d: {  	[sflag:s21] =	ssyncadd.s32 $0xFFFFC180  }
0x4e: {  	[spmem:s2] =	stream.indirect.scatter.add.f32 [tilespmem:s19], [sflag:$0x3], $0x10, s18, s18, $0xb8;
	[tilespmem:$0x14820] =	vst v63  }
0x4f: {  	_ =	swait.ge [sflag:s16], $0x3E80  }
0x50: {  	[sflag:s16] =	ssyncset.done $0x0  }
0x51: {  	[sflag:s16] =	ssyncadd.s32 $0xFFFFC180  }
0x52: {  	_ =	swait.ge [sflag:s20], $0x3E8  }
0x53: {  	[sflag:s20] =	ssyncset.done $0x0  }
0x54: {  	[sflag:s20] =	ssyncadd.s32 $0xFFFFFC18  }
0x55: {  	_ =	swait.ge [sflag:s20], $0x3E80  }
0x56: {  	[sflag:s20] =	ssyncset.done $0x0  }
0x57: {  	[sflag:s20] =	ssyncadd.s32 $0xFFFFC180  }
0x58: {  	[spmem:s2] =	stream.indirect.scatter.add.f32 [tilespmem:s17], [sflag:$0x3], $0x10, s3, s18, $0xb8;
	[tilespmem:$0x14820] =	vst v63  }
0x59: {  	_ =	swait.ge [sflag:s16], $0x3E80  }
0x5a: {  	s22 =	sadd.s32 $0x1, s22;
	[sflag:s16] =	ssyncset.done $0x0  }
0x5b: {  	p0 =	sne.s32 s22, s11;
	[sflag:s16] =	ssyncadd.s32 $0xFFFFC180  }
.Ltmp1:
0x5c: {  	[bflag:$0x0] =	sbarrier.arrive $0xFFFF;
	(pc) =	sbr.rel @p0 .LBB2_1-.Ltmp1, $4  }
0x5d: {  	[hbm:s10], [sflag:s6] =	dma.local [spmem:s15], $0x186A  }
0x5e: {  	_ =	swait.ge [sflag:s16], $0x186A  }
0x5f: {  	[sflag:s16] =	ssyncset.done $0x0  }
0x60: {  	[sflag:s16] =	ssyncadd.s32 $0xFFFFE796  }
0x61: {  	_ =	sfence.sel $0x180000  }
0x62: {  	[bflag:$0x0] =	sbarrier.arrive $0xFFFF  }
0x63: {  	p0 =	sne.s32 s1, $0x0;
	_ =	strace $0x9000004D  }
0x64: {  	s0 =	sadd.s32 @!p0 $0x100000, s0;
	[bflag:$0x2] =	sbarrier.arrive $0xFFFF  }
0x65: {  	[sflag:s0] =	ssyncadd.tile.s32 @!p0 $0x1;
	_ =	shalt  }
.Lfunc_end2:
_tile_overlayer_lowered:
.L_overlay_start_2:
0x66: {  	(tag) =	ssettag $0x2  }
0x67: {  	s0 =	rddreg [dreg:$0x0];
	s2 =	stileid.u32  }
0x68: {  	s1 =	rddreg [dreg:$0x1];
	p0 =	sne.s32 s2, $0x0  }
0x69: {  	s3 =	rddreg [dreg:$0x2];
	[bflag:$0x3] =	sbarrier.arrive $0xFFFF;
	s2 =	simm.s32 @!p0 $0x1C03  }
0x6a: {  	[timem:s3], [sflag:s2] =	dma.local @!p0 [hbm:s0], s1  }
0x6b: {  	s0 =	simm.s32 @!p0 $0x3  }
0x6c: {  	_ =	swait.ge @!p0 [sflag:s0], s1  }
0x6d: {  	s1 =	ssub.s32 @!p0 $0x0, s1;
	[sflag:s0] =	ssyncset.done @!p0 $0x0  }
0x6e: {  	[sflag:s0] =	ssyncadd.s32 @!p0 s1  }
0x6f: {  	[bflag:$0x3] =	sbarrier.arrive $0xFFFF  }
0x70: {  	_ =	shalt  }

</sc_bundles>
